<compile_context>
chip_gen: v7x
topology: tpu7x:2x2x1
jax: 0.10.2.dev20260603
libtpu: 0.0.44.dev20260713+nightly
codegen_flags: <defaults>
</compile_context>

<pallas_src>
import functools

import jax
import jax.numpy as jnp
from jax import lax
from jax.experimental import pallas as pl
from jax.experimental.pallas import tpu as pltpu
from jax.experimental.pallas import tpu_sc as plsc

N = 10000
NP = 10240
E = 320000
F = 16
D_IN = 128
CH = 80
NC = 2
NS = 16
NW = NC * NS
TPW = 125
RPS = NP // NS
NBUF = 5
NQ = 8
PR = NP // 8
PN = N // 8


def _sc_degree(ei):
    mesh = plsc.VectorSubcoreMesh(core_axis_name="c", subcore_axis_name="s", num_cores=NC, num_subcores=NS)

    @functools.partial(
        pl.kernel,
        out_type=jax.ShapeDtypeStruct((NC, NP, F), jnp.float32),
        mesh=mesh,
        compiler_params=pltpu.CompilerParams(use_tc_tiling_on_sc=False),
        scratch_types=[
            pltpu.VMEM((TPW, CH), jnp.int32),
            pltpu.VMEM((CH,), jnp.float32),
            pltpu.VMEM((RPS,), jnp.float32),
            pltpu.VMEM((RPS, F), jnp.float32),
            pltpu.VMEM_SHARED((NP,), jnp.float32),
            pltpu.SemaphoreType.DMA,
        ],
    )
    def k(ei_hbm, out_hbm, idx_v, ones_v, buf_v, buf16_v, deg_sh, dsem):
        c = lax.axis_index("c")
        s = lax.axis_index("s")
        w = c * NS + s
        one = jnp.ones((16,), jnp.float32)
        zero = jnp.zeros((16,), jnp.float32)

        def fill_ones(i, _):
            ones_v[pl.ds(i * 16, 16)] = one
            return 0

        lax.fori_loop(0, CH // 16, fill_ones, 0)

        def fill_zero(i, _):
            buf_v[pl.ds(i * 16, 16)] = zero
            return 0

        lax.fori_loop(0, RPS // 16, fill_zero, 0)
        pltpu.sync_copy(buf_v, deg_sh.at[pl.ds(s * RPS, RPS)])
        plsc.subcore_barrier()

        pltpu.sync_copy(ei_hbm.at[1, w], idx_v)

        def body(j, _):
            pltpu.async_copy(ones_v, deg_sh.at[idx_v.at[j]], dsem, add=True)

            @pl.when(j >= NQ)
            def _():
                pltpu.make_async_copy(ones_v, deg_sh.at[idx_v.at[0]], dsem).wait()

            return 0

        lax.fori_loop(0, TPW, body, 0)
        for _ in range(NQ):
            pltpu.make_async_copy(ones_v, deg_sh.at[idx_v.at[0]], dsem).wait()
        plsc.subcore_barrier()

        pltpu.sync_copy(deg_sh.at[pl.ds(s * RPS, RPS)], buf_v)

        def splat(i, _):
            vec = buf_v[pl.ds(i * 16, 16)]
            for kk in range(16):
                buf16_v[i * 16 + kk, :] = one * vec[kk]
            return 0

        lax.fori_loop(0, RPS // 16, splat, 0)
        pltpu.sync_copy(buf16_v, out_hbm.at[c, pl.ds(s * RPS, RPS)])

    return k(ei)


def _sc_aggregate(g, ei):
    mesh = plsc.VectorSubcoreMesh(core_axis_name="c", subcore_axis_name="s", num_cores=NC, num_subcores=NS)

    @functools.partial(
        pl.kernel,
        out_type=jax.ShapeDtypeStruct((NC, NP, F), jnp.float32),
        mesh=mesh,
        compiler_params=pltpu.CompilerParams(use_tc_tiling_on_sc=False),
        scratch_types=[
            pltpu.VMEM((TPW, CH), jnp.int32),
            pltpu.VMEM((TPW, CH), jnp.int32),
            pltpu.VMEM((NBUF, CH, F), jnp.float32),
            pltpu.VMEM((RPS, F), jnp.float32),
            pltpu.VMEM_SHARED((NP, F), jnp.float32),
            pltpu.VMEM_SHARED((NP, F), jnp.float32),
            pltpu.SemaphoreType.DMA((NBUF,)),
            pltpu.SemaphoreType.DMA((NBUF,)),
        ],
    )
    def k(g_hbm, ei_hbm, out_hbm, src_v, dst_v, rows_v, buf_v, acc_sh, g_sh, gsem, ssem):
        c = lax.axis_index("c")
        s = lax.axis_index("s")
        w = c * NS + s
        zero = jnp.zeros((F,), jnp.float32)

        def fill_zero(i, _):
            buf_v[i, :] = zero
            return 0

        lax.fori_loop(0, RPS, fill_zero, 0)
        pltpu.sync_copy(buf_v, acc_sh.at[pl.ds(s * RPS, RPS)])
        pltpu.sync_copy(g_hbm.at[pl.ds(s * RPS, RPS)], g_sh.at[pl.ds(s * RPS, RPS)])
        plsc.subcore_barrier()

        pltpu.sync_copy(ei_hbm.at[0, w], src_v)
        pltpu.sync_copy(ei_hbm.at[1, w], dst_v)

        for b in range(NBUF):
            pltpu.async_copy(g_sh.at[src_v.at[b]], rows_v.at[b], gsem.at[b])

        nit = TPW // NBUF

        def body(i, _):
            j = i * NBUF
            for b in range(NBUF):
                pltpu.make_async_copy(
                    g_sh.at[src_v.at[j + b]], rows_v.at[b], gsem.at[b]
                ).wait()
                pltpu.async_copy(
                    rows_v.at[b], acc_sh.at[dst_v.at[j + b]], ssem.at[b], add=True
                )
            for b in range(NBUF):
                pltpu.make_async_copy(
                    rows_v.at[b], acc_sh.at[dst_v.at[j + b]], ssem.at[b]
                ).wait()

                @pl.when(i < nit - 1)
                def _():
                    pltpu.async_copy(
                        g_sh.at[src_v.at[j + NBUF + b]], rows_v.at[b], gsem.at[b]
                    )

            return 0

        lax.fori_loop(0, nit, body, 0)
        plsc.subcore_barrier()

        pltpu.sync_copy(acc_sh.at[pl.ds(s * RPS, RPS)], buf_v)
        pltpu.sync_copy(buf_v, out_hbm.at[c, pl.ds(s * RPS, RPS)])

    return k(g, ei)


def _dinv_packed(d_ref):
    return lax.rsqrt(1.0 + d_ref[0, 0:PN] + d_ref[1, 0:PN])


def _tc_layer1(x, W1, degB):

    def body(x_ref, w_ref, d_ref, o_ref):
        dinv = _dinv_packed(d_ref)
        h = jnp.dot(x_ref[...], w_ref[...], preferred_element_type=jnp.float32)
        y = h.reshape(PN, 8, F)
        p = jnp.concatenate([y[:, k, :] for k in range(8)], axis=1)
        o_ref[0:PN] = p * dinv

    return pl.pallas_call(
        body, out_shape=jax.ShapeDtypeStruct((PR, 128), jnp.float32)
    )(x, W1, degB)


def _block_diag_mask(val128):
    gi = lax.broadcasted_iota(jnp.int32, (128, 128), 0) // F
    gj = lax.broadcasted_iota(jnp.int32, (128, 128), 1) // F
    return jnp.where(gi == gj, val128, 0.0)


def _tc_layer2(aggB, g1p, degB, W2, b1r):

    def body(a_ref, g_ref, d_ref, w_ref, b_ref, o_ref):
        dinv = _dinv_packed(d_ref)
        b1p = jnp.tile(b_ref[...], (1, 8))
        a = (a_ref[0, 0:PN] + a_ref[1, 0:PN] + g_ref[0:PN]) * dinv + b1p
        h = jnp.maximum(a, 0.0)
        w2b = _block_diag_mask(jnp.tile(w_ref[...], (8, 8)))
        p2 = jnp.dot(h, w2b, preferred_element_type=jnp.float32)
        o_ref[0:PN] = p2 * dinv

    return pl.pallas_call(
        body, out_shape=jax.ShapeDtypeStruct((PR, 128), jnp.float32)
    )(aggB, g1p, degB, W2, b1r)


def _tc_final(aggB, g2p, degB, b2r):

    def body(a_ref, g_ref, d_ref, b_ref, o_ref):
        dinv = _dinv_packed(d_ref)
        b2p = jnp.tile(b_ref[...], (1, 8))
        a = (a_ref[0, 0:PN] + a_ref[1, 0:PN] + g_ref[0:PN]) * dinv + b2p
        e = jnp.exp(a)
        ones_b = _block_diag_mask(jnp.ones((128, 128), jnp.float32))
        ssum = jnp.dot(e, ones_b, preferred_element_type=jnp.float32,
                       precision=lax.Precision.HIGHEST)
        o_ref[0:PN] = a - jnp.log(ssum)

    return pl.pallas_call(
        body, out_shape=jax.ShapeDtypeStruct((PR, 128), jnp.float32)
    )(aggB, g2p, degB, b2r)


def kernel(x, edge_index, W1, b1, W2, b2):
    ei = edge_index.astype(jnp.int32).reshape(2, NW, TPW, CH)

    degp = _sc_degree(ei)
    degB = degp.reshape(NC, PR, 128)
    g1p = _tc_layer1(x, W1, degB)
    p1 = _sc_aggregate(g1p.reshape(NP, F), ei)
    g2p = _tc_layer2(p1.reshape(NC, PR, 128), g1p, degB, W2, b1.reshape(1, F))
    p2 = _sc_aggregate(g2p.reshape(NP, F), ei)
    outp = _tc_final(p2.reshape(NC, PR, 128), g2p, degB, b2.reshape(1, F))
    return outp.reshape(NP, F)[:N]

# --- scband reference (transcript-rebuilt; emitter-appended) ---
"""Pipeline reference for scband-gcn-29076928594465 (READ-ONLY COPY).

The authoritative reference and input builder live on the scoring server;
editing this copy changes nothing except your own understanding.
"""

import jax, jax.numpy as jnp
import numpy as np

N = 10000
E = 320000
D_IN = 128
H = 16
OUT = 16


def setup_inputs(seed: int = 0) -> dict:
    key = jax.random.key(seed)
    k1, k2, k3, k4, k5, k6 = jax.random.split(key, 6)
    x = jax.random.normal(k1, (N, D_IN), dtype=jnp.float32)
    edge_index = jax.random.randint(k2, (2, E), 0, N, dtype=jnp.int64)
    # GCNConv params (glorot-like init for weights, zeros for bias)
    W1 = jax.random.normal(k3, (D_IN, H), dtype=jnp.float32) * (1.0 / np.sqrt(D_IN))
    b1 = jnp.zeros((H,), dtype=jnp.float32)
    W2 = jax.random.normal(k4, (H, OUT), dtype=jnp.float32) * (1.0 / np.sqrt(H))
    b2 = jnp.zeros((OUT,), dtype=jnp.float32)
    return {"x": x, "edge_index": edge_index, "W1": W1, "b1": b1, "W2": W2, "b2": b2}


def _gcn_conv(x, src, dst, W, b, n_nodes):
    # x' = D^{-1/2} (A + I) D^{-1/2} X W + b  (self loops already appended to src/dst)
    h = x @ W
    deg = jnp.zeros((n_nodes,), dtype=h.dtype).at[dst].add(1.0)
    deg_inv_sqrt = jnp.where(deg > 0, jax.lax.rsqrt(jnp.maximum(deg, 1e-12)), 0.0)
    norm = deg_inv_sqrt[src] * deg_inv_sqrt[dst]
    msg = h[src] * norm[:, None]
    out = jax.ops.segment_sum(msg, dst, num_segments=n_nodes)
    return out + b


def reference(x, edge_index, W1, b1, W2, b2):
    loop = jnp.arange(N, dtype=edge_index.dtype)
    src = jnp.concatenate([edge_index[0], loop])
    dst = jnp.concatenate([edge_index[1], loop])
    h = _gcn_conv(x, src, dst, W1, b1, N)
    h = jax.nn.relu(h)
    # dropout is identity in eval mode (training=False)
    h = _gcn_conv(h, src, dst, W2, b2, N)
    return jax.nn.log_softmax(h, axis=1)

if __name__ == "__main__":
    import jax
    _d = setup_inputs()
    print(jax.jit(kernel)(*tuple(_d.values())))

</pallas_src>

<mosaic_0001>
#map = affine_map<(d0, d1) -> (0, 0, 0, 0)>
#map1 = affine_map<(d0, d1) -> (0, 0, 0)>
module attributes {stable_mosaic.version = 14 : i64} {
  func.func @k(%arg0: i32, %arg1: i32, %arg2: memref<2x32x125x80xi32, #tpu.memory_space<hbm>>, %arg3: memref<2x10240x16xf32, #tpu.memory_space<hbm>>, %arg4: memref<125x80xi32, #tpu.memory_space<vmem>>, %arg5: memref<80xf32, #tpu.memory_space<vmem>>, %arg6: memref<640xf32, #tpu.memory_space<vmem>>, %arg7: memref<640x16xf32, #tpu.memory_space<vmem>>, %arg8: memref<10240xf32, #tpu.memory_space<vmem_shared>>, %arg9: memref<!tpu.dma_semaphore, #tpu.memory_space<semaphore_mem>>) attributes {dimension_semantics = [#tpu.dimension_semantics<core_parallel>, #tpu.dimension_semantics<subcore_parallel>], iteration_bounds = array<i64: 2, 16>, scalar_prefetch = 0 : i64, scratch_operands = 6 : i64, tpu.core_type = #tpu.core_type<sc_vector_subcore>, window_params = [{transform_indices = #map}, {transform_indices = #map1}]} {
    %mul3A = arith.constant 16 : i32
    %mul3A_0 = arith.muli %arg0, %mul3A : i32
    %add3A = arith.addi %mul3A_0, %arg1 : i32
    %broadcast_in_dim3A = arith.constant 1.000000e+00 : f32
    %broadcast_in_dim3A_1 = vector.broadcast %broadcast_in_dim3A : f32 to vector<16xf32>
    %broadcast_in_dim3A_2 = arith.constant 0.000000e+00 : f32
    %broadcast_in_dim3A_3 = vector.broadcast %broadcast_in_dim3A_2 : f32 to vector<16xf32>
    %scan3A = arith.constant 0 : i32
    %scan3A_4 = arith.constant 0 : i32
    %scan3A_5 = arith.constant 5 : i32
    %scan3A_6 = arith.addi %scan3A_4, %scan3A_5 : i32
    %scan3A_7 = arith.constant 1 : i32
    %scan3A_8 = scf.for %scan3A_85 = %scan3A_4 to %scan3A_6 step %scan3A_7 iter_args(%scan3A_86 = %scan3A) -> (i32)  : i32 {
      %mul3A_87 = arith.constant 16 : i32
      %mul3A_88 = arith.muli %scan3A_85, %mul3A_87 : i32
      %swap3A = arith.index_cast %mul3A_88 : i32 to index
      %swap3A_89 = tpu.vector_load %arg5[%swap3A] {strides = array<i32>} : memref<80xf32, #tpu.memory_space<vmem>>, vector<16xf32>,
      %swap3A_90 = vector.shape_cast %swap3A_89 : vector<16xf32> to vector<16xf32>
      %swap3A_91 = vector.shape_cast %broadcast_in_dim3A_1 : vector<16xf32> to vector<16xf32>
      tpu.vector_store %arg5[%swap3A], %swap3A_91 {strides = array<i32>} : memref<80xf32, #tpu.memory_space<vmem>>, vector<16xf32>,
      %scan3A_92 = arith.constant 0 : i32
      scf.yield %scan3A_92 : i32
    }
    %scan3A_9 = arith.constant 5 : i32
    %scan3A_10 = arith.constant 0 : i32
    %scan3A_11 = arith.constant 0 : i32
    %scan3A_12 = arith.constant 40 : i32
    %scan3A_13 = arith.addi %scan3A_11, %scan3A_12 : i32
    %scan3A_14 = arith.constant 1 : i32
    %scan3A_15 = scf.for %scan3A_85 = %scan3A_11 to %scan3A_13 step %scan3A_14 iter_args(%scan3A_86 = %scan3A_10) -> (i32)  : i32 {
      %mul3A_87 = arith.constant 16 : i32
      %mul3A_88 = arith.muli %scan3A_85, %mul3A_87 : i32
      %swap3A = arith.index_cast %mul3A_88 : i32 to index
      %swap3A_89 = tpu.vector_load %arg6[%swap3A] {strides = array<i32>} : memref<640xf32, #tpu.memory_space<vmem>>, vector<16xf32>,
      %swap3A_90 = vector.shape_cast %swap3A_89 : vector<16xf32> to vector<16xf32>
      %swap3A_91 = vector.shape_cast %broadcast_in_dim3A_3 : vector<16xf32> to vector<16xf32>
      tpu.vector_store %arg6[%swap3A], %swap3A_91 {strides = array<i32>} : memref<640xf32, #tpu.memory_space<vmem>>, vector<16xf32>,
      %scan3A_92 = arith.constant 0 : i32
      scf.yield %scan3A_92 : i32
    }
    %scan3A_16 = arith.constant 40 : i32
    %mul3A_17 = arith.constant 640 : i32
    %mul3A_18 = arith.muli %arg1, %mul3A_17 : i32
    "tpu.region"() ({
      %run_scoped3A_85 = tpu.sem_alloc : memref<!tpu.dma_semaphore, #tpu.memory_space<semaphore_mem>>
      %dma_start3A = tpu.memref_slice %arg8[%mul3A_18] : memref<10240xf32, #tpu.memory_space<vmem_shared>> -> memref<640xf32, #tpu.memory_space<vmem_shared>>
      %dma_start3A_86 = tpu.memref_slice %arg8[%mul3A_18] : memref<10240xf32, #tpu.memory_space<vmem_shared>> -> memref<640xf32, #tpu.memory_space<vmem_shared>>
      tpu.enqueue_dma source(%arg6 : memref<640xf32, #tpu.memory_space<vmem>>) target(%dma_start3A_86 : memref<640xf32, #tpu.memory_space<vmem_shared>>) target_semaphore(%run_scoped3A_85 : memref<!tpu.dma_semaphore, #tpu.memory_space<semaphore_mem>>)
      %dma_wait3A_87 = tpu.memref_slice %arg8[%mul3A_18] : memref<10240xf32, #tpu.memory_space<vmem_shared>> -> memref<640xf32, #tpu.memory_space<vmem_shared>>
      %dma_wait3A_88 = tpu.memref_slice %arg8[%mul3A_18] : memref<10240xf32, #tpu.memory_space<vmem_shared>> -> memref<640xf32, #tpu.memory_space<vmem_shared>>
      tpu.wait_dma2 semaphore(%run_scoped3A_85 : memref<!tpu.dma_semaphore, #tpu.memory_space<semaphore_mem>>) src(%arg6 : memref<640xf32, #tpu.memory_space<vmem>>) dst(%dma_wait3A_88 : memref<640xf32, #tpu.memory_space<vmem_shared>>)
      tpu.yield
    }) : () -> ()
    %barrier3A = arith.constant 0 : index
    tpu.barrier barrier_id(%barrier3A)
    %run_scoped3A = arith.constant 1 : i32
    "tpu.region"() ({
      %run_scoped3A_85 = tpu.sem_alloc : memref<!tpu.dma_semaphore, #tpu.memory_space<semaphore_mem>>
      %dma_start3A = arith.constant 0 : i32
      %dma_start3A_86 = arith.constant 0 : i32
      %dma_start3A_87 = tpu.memref_slice %arg2[%run_scoped3A, %add3A, %dma_start3A, %dma_start3A_86] : memref<2x32x125x80xi32, #tpu.memory_space<hbm>> -> memref<1x1x125x80xi32, #tpu.memory_space<hbm>>
      %dma_start3A_88 = tpu.memref_squeeze %dma_start3A_87 : memref<1x1x125x80xi32, #tpu.memory_space<hbm>> -> memref<125x80xi32, #tpu.memory_space<hbm>>
      %dma_start3A_89 = arith.constant 0 : i32
      %dma_start3A_90 = arith.constant 0 : i32
      %dma_start3A_91 = tpu.memref_slice %arg2[%run_scoped3A, %add3A, %dma_start3A_89, %dma_start3A_90] : memref<2x32x125x80xi32, #tpu.memory_space<hbm>> -> memref<1x1x125x80xi32, #tpu.memory_space<hbm>>
      %dma_start3A_92 = tpu.memref_squeeze %dma_start3A_91 : memref<1x1x125x80xi32, #tpu.memory_space<hbm>> -> memref<125x80xi32, #tpu.memory_space<hbm>>
      tpu.enqueue_dma source(%dma_start3A_92 : memref<125x80xi32, #tpu.memory_space<hbm>>) target(%arg4 : memref<125x80xi32, #tpu.memory_space<vmem>>) target_semaphore(%run_scoped3A_85 : memref<!tpu.dma_semaphore, #tpu.memory_space<semaphore_mem>>)
      %dma_wait3A_93 = arith.constant 0 : i32
      %dma_wait3A_94 = arith.constant 0 : i32
      %dma_wait3A_95 = tpu.memref_slice %arg2[%run_scoped3A, %add3A, %dma_wait3A_93, %dma_wait3A_94] : memref<2x32x125x80xi32, #tpu.memory_space<hbm>> -> memref<1x1x125x80xi32, #tpu.memory_space<hbm>>
      %dma_wait3A_96 = tpu.memref_squeeze %dma_wait3A_95 : memref<1x1x125x80xi32, #tpu.memory_space<hbm>> -> memref<125x80xi32, #tpu.memory_space<hbm>>
      %dma_wait3A_97 = arith.constant 0 : i32
      %dma_wait3A_98 = arith.constant 0 : i32
      %dma_wait3A_99 = tpu.memref_slice %arg2[%run_scoped3A, %add3A, %dma_wait3A_97, %dma_wait3A_98] : memref<2x32x125x80xi32, #tpu.memory_space<hbm>> -> memref<1x1x125x80xi32, #tpu.memory_space<hbm>>
      %dma_wait3A_100 = tpu.memref_squeeze %dma_wait3A_99 : memref<1x1x125x80xi32, #tpu.memory_space<hbm>> -> memref<125x80xi32, #tpu.memory_space<hbm>>
      tpu.wait_dma2 semaphore(%run_scoped3A_85 : memref<!tpu.dma_semaphore, #tpu.memory_space<semaphore_mem>>) src(%dma_wait3A_100 : memref<125x80xi32, #tpu.memory_space<hbm>>) dst(%arg4 : memref<125x80xi32, #tpu.memory_space<vmem>>)
      tpu.yield
    }) : () -> ()
    %scan3A_19 = arith.constant 0 : i32
    %scan3A_20 = arith.constant 0 : i32
    %scan3A_21 = arith.constant 125 : i32
    %scan3A_22 = arith.addi %scan3A_20, %scan3A_21 : i32
    %scan3A_23 = arith.constant 1 : i32
    %scan3A_24 = scf.for %scan3A_85 = %scan3A_20 to %scan3A_22 step %scan3A_23 iter_args(%scan3A_86 = %scan3A_19) -> (i32)  : i32 {
      %dma_start3A = arith.constant 0 : i32
      %dma_start3A_87 = tpu.memref_slice %arg4[%scan3A_85, %dma_start3A] : memref<125x80xi32, #tpu.memory_space<vmem>> -> memref<1x80xi32, #tpu.memory_space<vmem>>
      %dma_start3A_88 = tpu.memref_squeeze %dma_start3A_87 : memref<1x80xi32, #tpu.memory_space<vmem>> -> memref<80xi32, #tpu.memory_space<vmem>>
      %dma_start3A_89 = arith.constant 0 : i32
      %dma_start3A_90 = tpu.memref_slice %arg8[%dma_start3A_89] : memref<10240xf32, #tpu.memory_space<vmem_shared>> -> memref<10240xf32, #tpu.memory_space<vmem_shared>>
      tpu.enqueue_indirect_dma source(%arg5 : memref<80xf32, #tpu.memory_space<vmem>>) target(%dma_start3A_90 : memref<10240xf32, #tpu.memory_space<vmem_shared>>) offsets(%dma_start3A_88 : memref<80xi32, #tpu.memory_space<vmem>>) semaphore(%arg9 : memref<!tpu.dma_semaphore, #tpu.memory_space<semaphore_mem>>) {add = true}
      %ge3A = arith.constant 8 : i32
      %ge3A_91 = arith.cmpi sge, %scan3A_85, %ge3A : i32
      %convert_element_type3A = arith.extui %ge3A_91 : i1 to i32
      %cond3A = arith.constant 0 : i32
      %cond3A_92 = arith.cmpi ne, %convert_element_type3A, %cond3A : i32
      scf.if %cond3A_92 {
        %dma_wait3A_94 = arith.constant 0 : i32
        %dma_wait3A_95 = arith.constant 0 : i32
        %dma_wait3A_96 = tpu.memref_slice %arg4[%dma_wait3A_94, %dma_wait3A_95] : memref<125x80xi32, #tpu.memory_space<vmem>> -> memref<1x80xi32, #tpu.memory_space<vmem>>
        %dma_wait3A_97 = tpu.memref_squeeze %dma_wait3A_96 : memref<1x80xi32, #tpu.memory_space<vmem>> -> memref<80xi32, #tpu.memory_space<vmem>>
        %dma_wait3A_98 = arith.constant 0 : i32
        %dma_wait3A_99 = tpu.memref_slice %arg8[%dma_wait3A_98] : memref<10240xf32, #tpu.memory_space<vmem_shared>> -> memref<10240xf32, #tpu.memory_space<vmem_shared>>
        tpu.wait_indirect_dma semaphore(%arg9 : memref<!tpu.dma_semaphore, #tpu.memory_space<semaphore_mem>>) src(%arg5 : memref<80xf32, #tpu.memory_space<vmem>>) dst(%dma_wait3A_99 : memref<10240xf32, #tpu.memory_space<vmem_shared>>)
      } else {
      }
      %scan3A_93 = arith.constant 0 : i32
      scf.yield %scan3A_93 : i32
    }
    %scan3A_25 = arith.constant 125 : i32
    %dma_wait3A = arith.constant 0 : i32
    %dma_wait3A_26 = arith.constant 0 : i32
    %dma_wait3A_27 = tpu.memref_slice %arg4[%dma_wait3A, %dma_wait3A_26] : memref<125x80xi32, #tpu.memory_space<vmem>> -> memref<1x80xi32, #tpu.memory_space<vmem>>
    %dma_wait3A_28 = tpu.memref_squeeze %dma_wait3A_27 : memref<1x80xi32, #tpu.memory_space<vmem>> -> memref<80xi32, #tpu.memory_space<vmem>>
    %dma_wait3A_29 = arith.constant 0 : i32
    %dma_wait3A_30 = tpu.memref_slice %arg8[%dma_wait3A_29] : memref<10240xf32, #tpu.memory_space<vmem_shared>> -> memref<10240xf32, #tpu.memory_space<vmem_shared>>
    tpu.wait_indirect_dma semaphore(%arg9 : memref<!tpu.dma_semaphore, #tpu.memory_space<semaphore_mem>>) src(%arg5 : memref<80xf32, #tpu.memory_space<vmem>>) dst(%dma_wait3A_30 : memref<10240xf32, #tpu.memory_space<vmem_shared>>)
    %dma_wait3A_31 = arith.constant 0 : i32
    %dma_wait3A_32 = arith.constant 0 : i32
    %dma_wait3A_33 = tpu.memref_slice %arg4[%dma_wait3A_31, %dma_wait3A_32] : memref<125x80xi32, #tpu.memory_space<vmem>> -> memref<1x80xi32, #tpu.memory_space<vmem>>
    %dma_wait3A_34 = tpu.memref_squeeze %dma_wait3A_33 : memref<1x80xi32, #tpu.memory_space<vmem>> -> memref<80xi32, #tpu.memory_space<vmem>>
    %dma_wait3A_35 = arith.constant 0 : i32
    %dma_wait3A_36 = tpu.memref_slice %arg8[%dma_wait3A_35] : memref<10240xf32, #tpu.memory_space<vmem_shared>> -> memref<10240xf32, #tpu.memory_space<vmem_shared>>
    tpu.wait_indirect_dma semaphore(%arg9 : memref<!tpu.dma_semaphore, #tpu.memory_space<semaphore_mem>>) src(%arg5 : memref<80xf32, #tpu.memory_space<vmem>>) dst(%dma_wait3A_36 : memref<10240xf32, #tpu.memory_space<vmem_shared>>)
    %dma_wait3A_37 = arith.constant 0 : i32
    %dma_wait3A_38 = arith.constant 0 : i32
    %dma_wait3A_39 = tpu.memref_slice %arg4[%dma_wait3A_37, %dma_wait3A_38] : memref<125x80xi32, #tpu.memory_space<vmem>> -> memref<1x80xi32, #tpu.memory_space<vmem>>
    %dma_wait3A_40 = tpu.memref_squeeze %dma_wait3A_39 : memref<1x80xi32, #tpu.memory_space<vmem>> -> memref<80xi32, #tpu.memory_space<vmem>>
    %dma_wait3A_41 = arith.constant 0 : i32
    %dma_wait3A_42 = tpu.memref_slice %arg8[%dma_wait3A_41] : memref<10240xf32, #tpu.memory_space<vmem_shared>> -> memref<10240xf32, #tpu.memory_space<vmem_shared>>
    tpu.wait_indirect_dma semaphore(%arg9 : memref<!tpu.dma_semaphore, #tpu.memory_space<semaphore_mem>>) src(%arg5 : memref<80xf32, #tpu.memory_space<vmem>>) dst(%dma_wait3A_42 : memref<10240xf32, #tpu.memory_space<vmem_shared>>)
    %dma_wait3A_43 = arith.constant 0 : i32
    %dma_wait3A_44 = arith.constant 0 : i32
    %dma_wait3A_45 = tpu.memref_slice %arg4[%dma_wait3A_43, %dma_wait3A_44] : memref<125x80xi32, #tpu.memory_space<vmem>> -> memref<1x80xi32, #tpu.memory_space<vmem>>
    %dma_wait3A_46 = tpu.memref_squeeze %dma_wait3A_45 : memref<1x80xi32, #tpu.memory_space<vmem>> -> memref<80xi32, #tpu.memory_space<vmem>>
    %dma_wait3A_47 = arith.constant 0 : i32
    %dma_wait3A_48 = tpu.memref_slice %arg8[%dma_wait3A_47] : memref<10240xf32, #tpu.memory_space<vmem_shared>> -> memref<10240xf32, #tpu.memory_space<vmem_shared>>
    tpu.wait_indirect_dma semaphore(%arg9 : memref<!tpu.dma_semaphore, #tpu.memory_space<semaphore_mem>>) src(%arg5 : memref<80xf32, #tpu.memory_space<vmem>>) dst(%dma_wait3A_48 : memref<10240xf32, #tpu.memory_space<vmem_shared>>)
    %dma_wait3A_49 = arith.constant 0 : i32
    %dma_wait3A_50 = arith.constant 0 : i32
    %dma_wait3A_51 = tpu.memref_slice %arg4[%dma_wait3A_49, %dma_wait3A_50] : memref<125x80xi32, #tpu.memory_space<vmem>> -> memref<1x80xi32, #tpu.memory_space<vmem>>
    %dma_wait3A_52 = tpu.memref_squeeze %dma_wait3A_51 : memref<1x80xi32, #tpu.memory_space<vmem>> -> memref<80xi32, #tpu.memory_space<vmem>>
    %dma_wait3A_53 = arith.constant 0 : i32
    %dma_wait3A_54 = tpu.memref_slice %arg8[%dma_wait3A_53] : memref<10240xf32, #tpu.memory_space<vmem_shared>> -> memref<10240xf32, #tpu.memory_space<vmem_shared>>
    tpu.wait_indirect_dma semaphore(%arg9 : memref<!tpu.dma_semaphore, #tpu.memory_space<semaphore_mem>>) src(%arg5 : memref<80xf32, #tpu.memory_space<vmem>>) dst(%dma_wait3A_54 : memref<10240xf32, #tpu.memory_space<vmem_shared>>)
    %dma_wait3A_55 = arith.constant 0 : i32
    %dma_wait3A_56 = arith.constant 0 : i32
    %dma_wait3A_57 = tpu.memref_slice %arg4[%dma_wait3A_55, %dma_wait3A_56] : memref<125x80xi32, #tpu.memory_space<vmem>> -> memref<1x80xi32, #tpu.memory_space<vmem>>
    %dma_wait3A_58 = tpu.memref_squeeze %dma_wait3A_57 : memref<1x80xi32, #tpu.memory_space<vmem>> -> memref<80xi32, #tpu.memory_space<vmem>>
    %dma_wait3A_59 = arith.constant 0 : i32
    %dma_wait3A_60 = tpu.memref_slice %arg8[%dma_wait3A_59] : memref<10240xf32, #tpu.memory_space<vmem_shared>> -> memref<10240xf32, #tpu.memory_space<vmem_shared>>
    tpu.wait_indirect_dma semaphore(%arg9 : memref<!tpu.dma_semaphore, #tpu.memory_space<semaphore_mem>>) src(%arg5 : memref<80xf32, #tpu.memory_space<vmem>>) dst(%dma_wait3A_60 : memref<10240xf32, #tpu.memory_space<vmem_shared>>)
    %dma_wait3A_61 = arith.constant 0 : i32
    %dma_wait3A_62 = arith.constant 0 : i32
    %dma_wait3A_63 = tpu.memref_slice %arg4[%dma_wait3A_61, %dma_wait3A_62] : memref<125x80xi32, #tpu.memory_space<vmem>> -> memref<1x80xi32, #tpu.memory_space<vmem>>
    %dma_wait3A_64 = tpu.memref_squeeze %dma_wait3A_63 : memref<1x80xi32, #tpu.memory_space<vmem>> -> memref<80xi32, #tpu.memory_space<vmem>>
    %dma_wait3A_65 = arith.constant 0 : i32
    %dma_wait3A_66 = tpu.memref_slice %arg8[%dma_wait3A_65] : memref<10240xf32, #tpu.memory_space<vmem_shared>> -> memref<10240xf32, #tpu.memory_space<vmem_shared>>
    tpu.wait_indirect_dma semaphore(%arg9 : memref<!tpu.dma_semaphore, #tpu.memory_space<semaphore_mem>>) src(%arg5 : memref<80xf32, #tpu.memory_space<vmem>>) dst(%dma_wait3A_66 : memref<10240xf32, #tpu.memory_space<vmem_shared>>)
    %dma_wait3A_67 = arith.constant 0 : i32
    %dma_wait3A_68 = arith.constant 0 : i32
    %dma_wait3A_69 = tpu.memref_slice %arg4[%dma_wait3A_67, %dma_wait3A_68] : memref<125x80xi32, #tpu.memory_space<vmem>> -> memref<1x80xi32, #tpu.memory_space<vmem>>
    %dma_wait3A_70 = tpu.memref_squeeze %dma_wait3A_69 : memref<1x80xi32, #tpu.memory_space<vmem>> -> memref<80xi32, #tpu.memory_space<vmem>>
    %dma_wait3A_71 = arith.constant 0 : i32
    %dma_wait3A_72 = tpu.memref_slice %arg8[%dma_wait3A_71] : memref<10240xf32, #tpu.memory_space<vmem_shared>> -> memref<10240xf32, #tpu.memory_space<vmem_shared>>
    tpu.wait_indirect_dma semaphore(%arg9 : memref<!tpu.dma_semaphore, #tpu.memory_space<semaphore_mem>>) src(%arg5 : memref<80xf32, #tpu.memory_space<vmem>>) dst(%dma_wait3A_72 : memref<10240xf32, #tpu.memory_space<vmem_shared>>)
    %barrier3A_73 = arith.constant 0 : index
    tpu.barrier barrier_id(%barrier3A_73)
    %mul3A_74 = arith.constant 640 : i32
    %mul3A_75 = arith.muli %arg1, %mul3A_74 : i32
    "tpu.region"() ({
      %run_scoped3A_85 = tpu.sem_alloc : memref<!tpu.dma_semaphore, #tpu.memory_space<semaphore_mem>>
      %dma_start3A = tpu.memref_slice %arg8[%mul3A_75] : memref<10240xf32, #tpu.memory_space<vmem_shared>> -> memref<640xf32, #tpu.memory_space<vmem_shared>>
      %dma_start3A_86 = tpu.memref_slice %arg8[%mul3A_75] : memref<10240xf32, #tpu.memory_space<vmem_shared>> -> memref<640xf32, #tpu.memory_space<vmem_shared>>
      tpu.enqueue_dma source(%dma_start3A_86 : memref<640xf32, #tpu.memory_space<vmem_shared>>) target(%arg6 : memref<640xf32, #tpu.memory_space<vmem>>) target_semaphore(%run_scoped3A_85 : memref<!tpu.dma_semaphore, #tpu.memory_space<semaphore_mem>>)
      %dma_wait3A_87 = tpu.memref_slice %arg8[%mul3A_75] : memref<10240xf32, #tpu.memory_space<vmem_shared>> -> memref<640xf32, #tpu.memory_space<vmem_shared>>
      %dma_wait3A_88 = tpu.memref_slice %arg8[%mul3A_75] : memref<10240xf32, #tpu.memory_space<vmem_shared>> -> memref<640xf32, #tpu.memory_space<vmem_shared>>
      tpu.wait_dma2 semaphore(%run_scoped3A_85 : memref<!tpu.dma_semaphore, #tpu.memory_space<semaphore_mem>>) src(%dma_wait3A_88 : memref<640xf32, #tpu.memory_space<vmem_shared>>) dst(%arg6 : memref<640xf32, #tpu.memory_space<vmem>>)
      tpu.yield
    }) : () -> ()
    %scan3A_76 = arith.constant 0 : i32
    %scan3A_77 = arith.constant 0 : i32
    %scan3A_78 = arith.constant 40 : i32
    %scan3A_79 = arith.addi %scan3A_77, %scan3A_78 : i32
    %scan3A_80 = arith.constant 1 : i32
    %scan3A_81 = scf.for %scan3A_85 = %scan3A_77 to %scan3A_79 step %scan3A_80 iter_args(%scan3A_86 = %scan3A_76) -> (i32)  : i32 {
      %mul3A_87 = arith.constant 16 : i32
      %mul3A_88 = arith.muli %scan3A_85, %mul3A_87 : i32
      %get3A = arith.index_cast %mul3A_88 : i32 to index
      %get3A_89 = tpu.vector_load %arg6[%get3A] {strides = array<i32>} : memref<640xf32, #tpu.memory_space<vmem>>, vector<16xf32>,
      %get3A_90 = vector.shape_cast %get3A_89 : vector<16xf32> to vector<16xf32>
      %slice3A = vector.extract_strided_slice %get3A_90 {offsets = [0], sizes = [1], strides = [1]} : vector<16xf32> to vector<1xf32>
      %squeeze3A = vector.extract %slice3A[0] : f32 from vector<1xf32>
      %mul3A_91 = vector.broadcast %squeeze3A : f32 to vector<16xf32>
      %mul3A_92 = arith.mulf %broadcast_in_dim3A_1, %mul3A_91 : vector<16xf32>
      %mul3A_93 = arith.constant 16 : i32
      %mul3A_94 = arith.muli %scan3A_85, %mul3A_93 : i32
      %add3A_95 = arith.constant 0 : i32
      %add3A_96 = arith.addi %mul3A_94, %add3A_95 : i32
      %swap3A = arith.index_cast %add3A_96 : i32 to index
      %swap3A_97 = arith.constant 0 : index
      %swap3A_98 = tpu.vector_load %arg7[%swap3A, %swap3A_97] {strides = array<i32>} : memref<640x16xf32, #tpu.memory_space<vmem>>, vector<1x16xf32>,
      %swap3A_99 = vector.shape_cast %swap3A_98 : vector<1x16xf32> to vector<16xf32>
      %swap3A_100 = vector.shape_cast %mul3A_92 : vector<16xf32> to vector<1x16xf32>
      tpu.vector_store %arg7[%swap3A, %swap3A_97], %swap3A_100 {strides = array<i32>} : memref<640x16xf32, #tpu.memory_space<vmem>>, vector<1x16xf32>,
      %slice3A_101 = vector.extract_strided_slice %get3A_90 {offsets = [1], sizes = [1], strides = [1]} : vector<16xf32> to vector<1xf32>
      %squeeze3A_102 = vector.extract %slice3A_101[0] : f32 from vector<1xf32>
      %mul3A_103 = vector.broadcast %squeeze3A_102 : f32 to vector<16xf32>
      %mul3A_104 = arith.mulf %broadcast_in_dim3A_1, %mul3A_103 : vector<16xf32>
      %mul3A_105 = arith.constant 16 : i32
      %mul3A_106 = arith.muli %scan3A_85, %mul3A_105 : i32
      %add3A_107 = arith.constant 1 : i32
      %add3A_108 = arith.addi %mul3A_106, %add3A_107 : i32
      %swap3A_109 = arith.index_cast %add3A_108 : i32 to index
      %swap3A_110 = arith.constant 0 : index
      %swap3A_111 = tpu.vector_load %arg7[%swap3A_109, %swap3A_110] {strides = array<i32>} : memref<640x16xf32, #tpu.memory_space<vmem>>, vector<1x16xf32>,
      %swap3A_112 = vector.shape_cast %swap3A_111 : vector<1x16xf32> to vector<16xf32>
      %swap3A_113 = vector.shape_cast %mul3A_104 : vector<16xf32> to vector<1x16xf32>
      tpu.vector_store %arg7[%swap3A_109, %swap3A_110], %swap3A_113 {strides = array<i32>} : memref<640x16xf32, #tpu.memory_space<vmem>>, vector<1x16xf32>,
      %slice3A_114 = vector.extract_strided_slice %get3A_90 {offsets = [2], sizes = [1], strides = [1]} : vector<16xf32> to vector<1xf32>
      %squeeze3A_115 = vector.extract %slice3A_114[0] : f32 from vector<1xf32>
      %mul3A_116 = vector.broadcast %squeeze3A_115 : f32 to vector<16xf32>
      %mul3A_117 = arith.mulf %broadcast_in_dim3A_1, %mul3A_116 : vector<16xf32>
      %mul3A_118 = arith.constant 16 : i32
      %mul3A_119 = arith.muli %scan3A_85, %mul3A_118 : i32
      %add3A_120 = arith.constant 2 : i32
      %add3A_121 = arith.addi %mul3A_119, %add3A_120 : i32
      %swap3A_122 = arith.index_cast %add3A_121 : i32 to index
      %swap3A_123 = arith.constant 0 : index
      %swap3A_124 = tpu.vector_load %arg7[%swap3A_122, %swap3A_123] {strides = array<i32>} : memref<640x16xf32, #tpu.memory_space<vmem>>, vector<1x16xf32>,
      %swap3A_125 = vector.shape_cast %swap3A_124 : vector<1x16xf32> to vector<16xf32>
      %swap3A_126 = vector.shape_cast %mul3A_117 : vector<16xf32> to vector<1x16xf32>
      tpu.vector_store %arg7[%swap3A_122, %swap3A_123], %swap3A_126 {strides = array<i32>} : memref<640x16xf32, #tpu.memory_space<vmem>>, vector<1x16xf32>,
      %slice3A_127 = vector.extract_strided_slice %get3A_90 {offsets = [3], sizes = [1], strides = [1]} : vector<16xf32> to vector<1xf32>
      %squeeze3A_128 = vector.extract %slice3A_127[0] : f32 from vector<1xf32>
      %mul3A_129 = vector.broadcast %squeeze3A_128 : f32 to vector<16xf32>
      %mul3A_130 = arith.mulf %broadcast_in_dim3A_1, %mul3A_129 : vector<16xf32>
      %mul3A_131 = arith.constant 16 : i32
      %mul3A_132 = arith.muli %scan3A_85, %mul3A_131 : i32
      %add3A_133 = arith.constant 3 : i32
      %add3A_134 = arith.addi %mul3A_132, %add3A_133 : i32
      %swap3A_135 = arith.index_cast %add3A_134 : i32 to index
      %swap3A_136 = arith.constant 0 : index
      %swap3A_137 = tpu.vector_load %arg7[%swap3A_135, %swap3A_136] {strides = array<i32>} : memref<640x16xf32, #tpu.memory_space<vmem>>, vector<1x16xf32>,
      %swap3A_138 = vector.shape_cast %swap3A_137 : vector<1x16xf32> to vector<16xf32>
      %swap3A_139 = vector.shape_cast %mul3A_130 : vector<16xf32> to vector<1x16xf32>
      tpu.vector_store %arg7[%swap3A_135, %swap3A_136], %swap3A_139 {strides = array<i32>} : memref<640x16xf32, #tpu.memory_space<vmem>>, vector<1x16xf32>,
      %slice3A_140 = vector.extract_strided_slice %get3A_90 {offsets = [4], sizes = [1], strides = [1]} : vector<16xf32> to vector<1xf32>
      %squeeze3A_141 = vector.extract %slice3A_140[0] : f32 from vector<1xf32>
      %mul3A_142 = vector.broadcast %squeeze3A_141 : f32 to vector<16xf32>
      %mul3A_143 = arith.mulf %broadcast_in_dim3A_1, %mul3A_142 : vector<16xf32>
      %mul3A_144 = arith.constant 16 : i32
      %mul3A_145 = arith.muli %scan3A_85, %mul3A_144 : i32
      %add3A_146 = arith.constant 4 : i32
      %add3A_147 = arith.addi %mul3A_145, %add3A_146 : i32
      %swap3A_148 = arith.index_cast %add3A_147 : i32 to index
      %swap3A_149 = arith.constant 0 : index
      %swap3A_150 = tpu.vector_load %arg7[%swap3A_148, %swap3A_149] {strides = array<i32>} : memref<640x16xf32, #tpu.memory_space<vmem>>, vector<1x16xf32>,
      %swap3A_151 = vector.shape_cast %swap3A_150 : vector<1x16xf32> to vector<16xf32>
      %swap3A_152 = vector.shape_cast %mul3A_143 : vector<16xf32> to vector<1x16xf32>
      tpu.vector_store %arg7[%swap3A_148, %swap3A_149], %swap3A_152 {strides = array<i32>} : memref<640x16xf32, #tpu.memory_space<vmem>>, vector<1x16xf32>,
      %slice3A_153 = vector.extract_strided_slice %get3A_90 {offsets = [5], sizes = [1], strides = [1]} : vector<16xf32> to vector<1xf32>
      %squeeze3A_154 = vector.extract %slice3A_153[0] : f32 from vector<1xf32>
      %mul3A_155 = vector.broadcast %squeeze3A_154 : f32 to vector<16xf32>
      %mul3A_156 = arith.mulf %broadcast_in_dim3A_1, %mul3A_155 : vector<16xf32>
      %mul3A_157 = arith.constant 16 : i32
      %mul3A_158 = arith.muli %scan3A_85, %mul3A_157 : i32
      %add3A_159 = arith.constant 5 : i32
      %add3A_160 = arith.addi %mul3A_158, %add3A_159 : i32
      %swap3A_161 = arith.index_cast %add3A_160 : i32 to index
      %swap3A_162 = arith.constant 0 : index
      %swap3A_163 = tpu.vector_load %arg7[%swap3A_161, %swap3A_162] {strides = array<i32>} : memref<640x16xf32, #tpu.memory_space<vmem>>, vector<1x16xf32>,
      %swap3A_164 = vector.shape_cast %swap3A_163 : vector<1x16xf32> to vector<16xf32>
      %swap3A_165 = vector.shape_cast %mul3A_156 : vector<16xf32> to vector<1x16xf32>
      tpu.vector_store %arg7[%swap3A_161, %swap3A_162], %swap3A_165 {strides = array<i32>} : memref<640x16xf32, #tpu.memory_space<vmem>>, vector<1x16xf32>,
      %slice3A_166 = vector.extract_strided_slice %get3A_90 {offsets = [6], sizes = [1], strides = [1]} : vector<16xf32> to vector<1xf32>
      %squeeze3A_167 = vector.extract %slice3A_166[0] : f32 from vector<1xf32>
      %mul3A_168 = vector.broadcast %squeeze3A_167 : f32 to vector<16xf32>
      %mul3A_169 = arith.mulf %broadcast_in_dim3A_1, %mul3A_168 : vector<16xf32>
      %mul3A_170 = arith.constant 16 : i32
      %mul3A_171 = arith.muli %scan3A_85, %mul3A_170 : i32
      %add3A_172 = arith.constant 6 : i32
      %add3A_173 = arith.addi %mul3A_171, %add3A_172 : i32
      %swap3A_174 = arith.index_cast %add3A_173 : i32 to index
      %swap3A_175 = arith.constant 0 : index
      %swap3A_176 = tpu.vector_load %arg7[%swap3A_174, %swap3A_175] {strides = array<i32>} : memref<640x16xf32, #tpu.memory_space<vmem>>, vector<1x16xf32>,
      %swap3A_177 = vector.shape_cast %swap3A_176 : vector<1x16xf32> to vector<16xf32>
      %swap3A_178 = vector.shape_cast %mul3A_169 : vector<16xf32> to vector<1x16xf32>
      tpu.vector_store %arg7[%swap3A_174, %swap3A_175], %swap3A_178 {strides = array<i32>} : memref<640x16xf32, #tpu.memory_space<vmem>>, vector<1x16xf32>,
      %slice3A_179 = vector.extract_strided_slice %get3A_90 {offsets = [7], sizes = [1], strides = [1]} : vector<16xf32> to vector<1xf32>
      %squeeze3A_180 = vector.extract %slice3A_179[0] : f32 from vector<1xf32>
      %mul3A_181 = vector.broadcast %squeeze3A_180 : f32 to vector<16xf32>
      %mul3A_182 = arith.mulf %broadcast_in_dim3A_1, %mul3A_181 : vector<16xf32>
      %mul3A_183 = arith.constant 16 : i32
      %mul3A_184 = arith.muli %scan3A_85, %mul3A_183 : i32
      %add3A_185 = arith.constant 7 : i32
      %add3A_186 = arith.addi %mul3A_184, %add3A_185 : i32
      %swap3A_187 = arith.index_cast %add3A_186 : i32 to index
      %swap3A_188 = arith.constant 0 : index
      %swap3A_189 = tpu.vector_load %arg7[%swap3A_187, %swap3A_188] {strides = array<i32>} : memref<640x16xf32, #tpu.memory_space<vmem>>, vector<1x16xf32>,
      %swap3A_190 = vector.shape_cast %swap3A_189 : vector<1x16xf32> to vector<16xf32>
      %swap3A_191 = vector.shape_cast %mul3A_182 : vector<16xf32> to vector<1x16xf32>
      tpu.vector_store %arg7[%swap3A_187, %swap3A_188], %swap3A_191 {strides = array<i32>} : memref<640x16xf32, #tpu.memory_space<vmem>>, vector<1x16xf32>,
      %slice3A_192 = vector.extract_strided_slice %get3A_90 {offsets = [8], sizes = [1], strides = [1]} : vector<16xf32> to vector<1xf32>
      %squeeze3A_193 = vector.extract %slice3A_192[0] : f32 from vector<1xf32>
      %mul3A_194 = vector.broadcast %squeeze3A_193 : f32 to vector<16xf32>
      %mul3A_195 = arith.mulf %broadcast_in_dim3A_1, %mul3A_194 : vector<16xf32>
      %mul3A_196 = arith.constant 16 : i32
      %mul3A_197 = arith.muli %scan3A_85, %mul3A_196 : i32
      %add3A_198 = arith.constant 8 : i32
      %add3A_199 = arith.addi %mul3A_197, %add3A_198 : i32
      %swap3A_200 = arith.index_cast %add3A_199 : i32 to index
      %swap3A_201 = arith.constant 0 : index
      %swap3A_202 = tpu.vector_load %arg7[%swap3A_200, %swap3A_201] {strides = array<i32>} : memref<640x16xf32, #tpu.memory_space<vmem>>, vector<1x16xf32>,
      %swap3A_203 = vector.shape_cast %swap3A_202 : vector<1x16xf32> to vector<16xf32>
      %swap3A_204 = vector.shape_cast %mul3A_195 : vector<16xf32> to vector<1x16xf32>
      tpu.vector_store %arg7[%swap3A_200, %swap3A_201], %swap3A_204 {strides = array<i32>} : memref<640x16xf32, #tpu.memory_space<vmem>>, vector<1x16xf32>,
      %slice3A_205 = vector.extract_strided_slice %get3A_90 {offsets = [9], sizes = [1], strides = [1]} : vector<16xf32> to vector<1xf32>
      %squeeze3A_206 = vector.extract %slice3A_205[0] : f32 from vector<1xf32>
      %mul3A_207 = vector.broadcast %squeeze3A_206 : f32 to vector<16xf32>
      %mul3A_208 = arith.mulf %broadcast_in_dim3A_1, %mul3A_207 : vector<16xf32>
      %mul3A_209 = arith.constant 16 : i32
      %mul3A_210 = arith.muli %scan3A_85, %mul3A_209 : i32
      %add3A_211 = arith.constant 9 : i32
      %add3A_212 = arith.addi %mul3A_210, %add3A_211 : i32
      %swap3A_213 = arith.index_cast %add3A_212 : i32 to index
      %swap3A_214 = arith.constant 0 : index
      %swap3A_215 = tpu.vector_load %arg7[%swap3A_213, %swap3A_214] {strides = array<i32>} : memref<640x16xf32, #tpu.memory_space<vmem>>, vector<1x16xf32>,
      %swap3A_216 = vector.shape_cast %swap3A_215 : vector<1x16xf32> to vector<16xf32>
      %swap3A_217 = vector.shape_cast %mul3A_208 : vector<16xf32> to vector<1x16xf32>
      tpu.vector_store %arg7[%swap3A_213, %swap3A_214], %swap3A_217 {strides = array<i32>} : memref<640x16xf32, #tpu.memory_space<vmem>>, vector<1x16xf32>,
      %slice3A_218 = vector.extract_strided_slice %get3A_90 {offsets = [10], sizes = [1], strides = [1]} : vector<16xf32> to vector<1xf32>
      %squeeze3A_219 = vector.extract %slice3A_218[0] : f32 from vector<1xf32>
      %mul3A_220 = vector.broadcast %squeeze3A_219 : f32 to vector<16xf32>
      %mul3A_221 = arith.mulf %broadcast_in_dim3A_1, %mul3A_220 : vector<16xf32>
      %mul3A_222 = arith.constant 16 : i32
      %mul3A_223 = arith.muli %scan3A_85, %mul3A_222 : i32
      %add3A_224 = arith.constant 10 : i32
      %add3A_225 = arith.addi %mul3A_223, %add3A_224 : i32
      %swap3A_226 = arith.index_cast %add3A_225 : i32 to index
      %swap3A_227 = arith.constant 0 : index
      %swap3A_228 = tpu.vector_load %arg7[%swap3A_226, %swap3A_227] {strides = array<i32>} : memref<640x16xf32, #tpu.memory_space<vmem>>, vector<1x16xf32>,
      %swap3A_229 = vector.shape_cast %swap3A_228 : vector<1x16xf32> to vector<16xf32>
      %swap3A_230 = vector.shape_cast %mul3A_221 : vector<16xf32> to vector<1x16xf32>
      tpu.vector_store %arg7[%swap3A_226, %swap3A_227], %swap3A_230 {strides = array<i32>} : memref<640x16xf32, #tpu.memory_space<vmem>>, vector<1x16xf32>,
      %slice3A_231 = vector.extract_strided_slice %get3A_90 {offsets = [11], sizes = [1], strides = [1]} : vector<16xf32> to vector<1xf32>
      %squeeze3A_232 = vector.extract %slice3A_231[0] : f32 from vector<1xf32>
      %mul3A_233 = vector.broadcast %squeeze3A_232 : f32 to vector<16xf32>
      %mul3A_234 = arith.mulf %broadcast_in_dim3A_1, %mul3A_233 : vector<16xf32>
      %mul3A_235 = arith.constant 16 : i32
      %mul3A_236 = arith.muli %scan3A_85, %mul3A_235 : i32
      %add3A_237 = arith.constant 11 : i32
      %add3A_238 = arith.addi %mul3A_236, %add3A_237 : i32
      %swap3A_239 = arith.index_cast %add3A_238 : i32 to index
      %swap3A_240 = arith.constant 0 : index
      %swap3A_241 = tpu.vector_load %arg7[%swap3A_239, %swap3A_240] {strides = array<i32>} : memref<640x16xf32, #tpu.memory_space<vmem>>, vector<1x16xf32>,
      %swap3A_242 = vector.shape_cast %swap3A_241 : vector<1x16xf32> to vector<16xf32>
      %swap3A_243 = vector.shape_cast %mul3A_234 : vector<16xf32> to vector<1x16xf32>
      tpu.vector_store %arg7[%swap3A_239, %swap3A_240], %swap3A_243 {strides = array<i32>} : memref<640x16xf32, #tpu.memory_space<vmem>>, vector<1x16xf32>,
      %slice3A_244 = vector.extract_strided_slice %get3A_90 {offsets = [12], sizes = [1], strides = [1]} : vector<16xf32> to vector<1xf32>
      %squeeze3A_245 = vector.extract %slice3A_244[0] : f32 from vector<1xf32>
      %mul3A_246 = vector.broadcast %squeeze3A_245 : f32 to vector<16xf32>
      %mul3A_247 = arith.mulf %broadcast_in_dim3A_1, %mul3A_246 : vector<16xf32>
      %mul3A_248 = arith.constant 16 : i32
      %mul3A_249 = arith.muli %scan3A_85, %mul3A_248 : i32
      %add3A_250 = arith.constant 12 : i32
      %add3A_251 = arith.addi %mul3A_249, %add3A_250 : i32
      %swap3A_252 = arith.index_cast %add3A_251 : i32 to index
      %swap3A_253 = arith.constant 0 : index
      %swap3A_254 = tpu.vector_load %arg7[%swap3A_252, %swap3A_253] {strides = array<i32>} : memref<640x16xf32, #tpu.memory_space<vmem>>, vector<1x16xf32>,
      %swap3A_255 = vector.shape_cast %swap3A_254 : vector<1x16xf32> to vector<16xf32>
      %swap3A_256 = vector.shape_cast %mul3A_247 : vector<16xf32> to vector<1x16xf32>
      tpu.vector_store %arg7[%swap3A_252, %swap3A_253], %swap3A_256 {strides = array<i32>} : memref<640x16xf32, #tpu.memory_space<vmem>>, vector<1x16xf32>,
      %slice3A_257 = vector.extract_strided_slice %get3A_90 {offsets = [13], sizes = [1], strides = [1]} : vector<16xf32> to vector<1xf32>
      %squeeze3A_258 = vector.extract %slice3A_257[0] : f32 from vector<1xf32>
      %mul3A_259 = vector.broadcast %squeeze3A_258 : f32 to vector<16xf32>
      %mul3A_260 = arith.mulf %broadcast_in_dim3A_1, %mul3A_259 : vector<16xf32>
      %mul3A_261 = arith.constant 16 : i32
      %mul3A_262 = arith.muli %scan3A_85, %mul3A_261 : i32
      %add3A_263 = arith.constant 13 : i32
      %add3A_264 = arith.addi %mul3A_262, %add3A_263 : i32
      %swap3A_265 = arith.index_cast %add3A_264 : i32 to index
      %swap3A_266 = arith.constant 0 : index
      %swap3A_267 = tpu.vector_load %arg7[%swap3A_265, %swap3A_266] {strides = array<i32>} : memref<640x16xf32, #tpu.memory_space<vmem>>, vector<1x16xf32>,
      %swap3A_268 = vector.shape_cast %swap3A_267 : vector<1x16xf32> to vector<16xf32>
      %swap3A_269 = vector.shape_cast %mul3A_260 : vector<16xf32> to vector<1x16xf32>
      tpu.vector_store %arg7[%swap3A_265, %swap3A_266], %swap3A_269 {strides = array<i32>} : memref<640x16xf32, #tpu.memory_space<vmem>>, vector<1x16xf32>,
      %slice3A_270 = vector.extract_strided_slice %get3A_90 {offsets = [14], sizes = [1], strides = [1]} : vector<16xf32> to vector<1xf32>
      %squeeze3A_271 = vector.extract %slice3A_270[0] : f32 from vector<1xf32>
      %mul3A_272 = vector.broadcast %squeeze3A_271 : f32 to vector<16xf32>
      %mul3A_273 = arith.mulf %broadcast_in_dim3A_1, %mul3A_272 : vector<16xf32>
      %mul3A_274 = arith.constant 16 : i32
      %mul3A_275 = arith.muli %scan3A_85, %mul3A_274 : i32
      %add3A_276 = arith.constant 14 : i32
      %add3A_277 = arith.addi %mul3A_275, %add3A_276 : i32
      %swap3A_278 = arith.index_cast %add3A_277 : i32 to index
      %swap3A_279 = arith.constant 0 : index
      %swap3A_280 = tpu.vector_load %arg7[%swap3A_278, %swap3A_279] {strides = array<i32>} : memref<640x16xf32, #tpu.memory_space<vmem>>, vector<1x16xf32>,
      %swap3A_281 = vector.shape_cast %swap3A_280 : vector<1x16xf32> to vector<16xf32>
      %swap3A_282 = vector.shape_cast %mul3A_273 : vector<16xf32> to vector<1x16xf32>
      tpu.vector_store %arg7[%swap3A_278, %swap3A_279], %swap3A_282 {strides = array<i32>} : memref<640x16xf32, #tpu.memory_space<vmem>>, vector<1x16xf32>,
      %slice3A_283 = vector.extract_strided_slice %get3A_90 {offsets = [15], sizes = [1], strides = [1]} : vector<16xf32> to vector<1xf32>
      %squeeze3A_284 = vector.extract %slice3A_283[0] : f32 from vector<1xf32>
      %mul3A_285 = vector.broadcast %squeeze3A_284 : f32 to vector<16xf32>
      %mul3A_286 = arith.mulf %broadcast_in_dim3A_1, %mul3A_285 : vector<16xf32>
      %mul3A_287 = arith.constant 16 : i32
      %mul3A_288 = arith.muli %scan3A_85, %mul3A_287 : i32
      %add3A_289 = arith.constant 15 : i32
      %add3A_290 = arith.addi %mul3A_288, %add3A_289 : i32
      %swap3A_291 = arith.index_cast %add3A_290 : i32 to index
      %swap3A_292 = arith.constant 0 : index
      %swap3A_293 = tpu.vector_load %arg7[%swap3A_291, %swap3A_292] {strides = array<i32>} : memref<640x16xf32, #tpu.memory_space<vmem>>, vector<1x16xf32>,
      %swap3A_294 = vector.shape_cast %swap3A_293 : vector<1x16xf32> to vector<16xf32>
      %swap3A_295 = vector.shape_cast %mul3A_286 : vector<16xf32> to vector<1x16xf32>
      tpu.vector_store %arg7[%swap3A_291, %swap3A_292], %swap3A_295 {strides = array<i32>} : memref<640x16xf32, #tpu.memory_space<vmem>>, vector<1x16xf32>,
      %scan3A_296 = arith.constant 0 : i32
      scf.yield %scan3A_296 : i32
    }
    %scan3A_82 = arith.constant 40 : i32
    %mul3A_83 = arith.constant 640 : i32
    %mul3A_84 = arith.muli %arg1, %mul3A_83 : i32
    "tpu.region"() ({
      %run_scoped3A_85 = tpu.sem_alloc : memref<!tpu.dma_semaphore, #tpu.memory_space<semaphore_mem>>
      %dma_start3A = arith.constant 0 : i32
      %dma_start3A_86 = tpu.memref_slice %arg3[%arg0, %mul3A_84, %dma_start3A] : memref<2x10240x16xf32, #tpu.memory_space<hbm>> -> memref<1x640x16xf32, #tpu.memory_space<hbm>>
      %dma_start3A_87 = tpu.memref_squeeze %dma_start3A_86 : memref<1x640x16xf32, #tpu.memory_space<hbm>> -> memref<640x16xf32, #tpu.memory_space<hbm>>
      %dma_start3A_88 = arith.constant 0 : i32
      %dma_start3A_89 = tpu.memref_slice %arg3[%arg0, %mul3A_84, %dma_start3A_88] : memref<2x10240x16xf32, #tpu.memory_space<hbm>> -> memref<1x640x16xf32, #tpu.memory_space<hbm>>
      %dma_start3A_90 = tpu.memref_squeeze %dma_start3A_89 : memref<1x640x16xf32, #tpu.memory_space<hbm>> -> memref<640x16xf32, #tpu.memory_space<hbm>>
      tpu.enqueue_dma source(%arg7 : memref<640x16xf32, #tpu.memory_space<vmem>>) target(%dma_start3A_90 : memref<640x16xf32, #tpu.memory_space<hbm>>) target_semaphore(%run_scoped3A_85 : memref<!tpu.dma_semaphore, #tpu.memory_space<semaphore_mem>>)
      %dma_wait3A_91 = arith.constant 0 : i32
      %dma_wait3A_92 = tpu.memref_slice %arg3[%arg0, %mul3A_84, %dma_wait3A_91] : memref<2x10240x16xf32, #tpu.memory_space<hbm>> -> memref<1x640x16xf32, #tpu.memory_space<hbm>>
      %dma_wait3A_93 = tpu.memref_squeeze %dma_wait3A_92 : memref<1x640x16xf32, #tpu.memory_space<hbm>> -> memref<640x16xf32, #tpu.memory_space<hbm>>
      %dma_wait3A_94 = arith.constant 0 : i32
      %dma_wait3A_95 = tpu.memref_slice %arg3[%arg0, %mul3A_84, %dma_wait3A_94] : memref<2x10240x16xf32, #tpu.memory_space<hbm>> -> memref<1x640x16xf32, #tpu.memory_space<hbm>>
      %dma_wait3A_96 = tpu.memref_squeeze %dma_wait3A_95 : memref<1x640x16xf32, #tpu.memory_space<hbm>> -> memref<640x16xf32, #tpu.memory_space<hbm>>
      tpu.wait_dma2 semaphore(%run_scoped3A_85 : memref<!tpu.dma_semaphore, #tpu.memory_space<semaphore_mem>>) src(%arg7 : memref<640x16xf32, #tpu.memory_space<vmem>>) dst(%dma_wait3A_96 : memref<640x16xf32, #tpu.memory_space<hbm>>)
      tpu.yield
    }) : () -> ()
    return
  }
}

#map = affine_map<(d0, d1) -> (0, 0)>
#map1 = affine_map<(d0, d1) -> (0, 0, 0, 0)>
#map2 = affine_map<(d0, d1) -> (0, 0, 0)>
module attributes {stable_mosaic.version = 14 : i64} {
  func.func @k(%arg0: i32, %arg1: i32, %arg2: memref<10240x16xf32, #tpu.memory_space<hbm>>, %arg3: memref<2x32x125x80xi32, #tpu.memory_space<hbm>>, %arg4: memref<2x10240x16xf32, #tpu.memory_space<hbm>>, %arg5: memref<125x80xi32, #tpu.memory_space<vmem>>, %arg6: memref<125x80xi32, #tpu.memory_space<vmem>>, %arg7: memref<5x80x16xf32, #tpu.memory_space<vmem>>, %arg8: memref<640x16xf32, #tpu.memory_space<vmem>>, %arg9: memref<10240x16xf32, #tpu.memory_space<vmem_shared>>, %arg10: memref<10240x16xf32, #tpu.memory_space<vmem_shared>>, %arg11: memref<5x!tpu.dma_semaphore, #tpu.memory_space<semaphore_mem>>, %arg12: memref<5x!tpu.dma_semaphore, #tpu.memory_space<semaphore_mem>>) attributes {dimension_semantics = [#tpu.dimension_semantics<core_parallel>, #tpu.dimension_semantics<subcore_parallel>], iteration_bounds = array<i64: 2, 16>, scalar_prefetch = 0 : i64, scratch_operands = 8 : i64, tpu.core_type = #tpu.core_type<sc_vector_subcore>, window_params = [{transform_indices = #map}, {transform_indices = #map1}, {transform_indices = #map2}]} {
    %mul3A = arith.constant 16 : i32
    %mul3A_0 = arith.muli %arg0, %mul3A : i32
    %add3A = arith.addi %mul3A_0, %arg1 : i32
    %broadcast_in_dim3A = arith.constant 0.000000e+00 : f32
    %broadcast_in_dim3A_1 = vector.broadcast %broadcast_in_dim3A : f32 to vector<16xf32>
    %scan3A = arith.constant 0 : i32
    %scan3A_2 = arith.constant 0 : i32
    %scan3A_3 = arith.constant 640 : i32
    %scan3A_4 = arith.addi %scan3A_2, %scan3A_3 : i32
    %scan3A_5 = arith.constant 1 : i32
    %scan3A_6 = scf.for %scan3A_101 = %scan3A_2 to %scan3A_4 step %scan3A_5 iter_args(%scan3A_102 = %scan3A) -> (i32)  : i32 {
      %swap3A = arith.index_cast %scan3A_101 : i32 to index
      %swap3A_103 = arith.constant 0 : index
      %swap3A_104 = tpu.vector_load %arg8[%swap3A, %swap3A_103] {strides = array<i32>} : memref<640x16xf32, #tpu.memory_space<vmem>>, vector<1x16xf32>,
      %swap3A_105 = vector.shape_cast %swap3A_104 : vector<1x16xf32> to vector<16xf32>
      %swap3A_106 = vector.shape_cast %broadcast_in_dim3A_1 : vector<16xf32> to vector<1x16xf32>
      tpu.vector_store %arg8[%swap3A, %swap3A_103], %swap3A_106 {strides = array<i32>} : memref<640x16xf32, #tpu.memory_space<vmem>>, vector<1x16xf32>,
      %scan3A_107 = arith.constant 0 : i32
      scf.yield %scan3A_107 : i32
    }
    %scan3A_7 = arith.constant 640 : i32
    %mul3A_8 = arith.constant 640 : i32
    %mul3A_9 = arith.muli %arg1, %mul3A_8 : i32
    "tpu.region"() ({
      %run_scoped3A_101 = tpu.sem_alloc : memref<!tpu.dma_semaphore, #tpu.memory_space<semaphore_mem>>
      %dma_start3A_102 = arith.constant 0 : i32
      %dma_start3A_103 = tpu.memref_slice %arg9[%mul3A_9, %dma_start3A_102] : memref<10240x16xf32, #tpu.memory_space<vmem_shared>> -> memref<640x16xf32, #tpu.memory_space<vmem_shared>>
      %dma_start3A_104 = arith.constant 0 : i32
      %dma_start3A_105 = tpu.memref_slice %arg9[%mul3A_9, %dma_start3A_104] : memref<10240x16xf32, #tpu.memory_space<vmem_shared>> -> memref<640x16xf32, #tpu.memory_space<vmem_shared>>
      tpu.enqueue_dma source(%arg8 : memref<640x16xf32, #tpu.memory_space<vmem>>) target(%dma_start3A_105 : memref<640x16xf32, #tpu.memory_space<vmem_shared>>) target_semaphore(%run_scoped3A_101 : memref<!tpu.dma_semaphore, #tpu.memory_space<semaphore_mem>>)
      %dma_wait3A = arith.constant 0 : i32
      %dma_wait3A_106 = tpu.memref_slice %arg9[%mul3A_9, %dma_wait3A] : memref<10240x16xf32, #tpu.memory_space<vmem_shared>> -> memref<640x16xf32, #tpu.memory_space<vmem_shared>>
      %dma_wait3A_107 = arith.constant 0 : i32
      %dma_wait3A_108 = tpu.memref_slice %arg9[%mul3A_9, %dma_wait3A_107] : memref<10240x16xf32, #tpu.memory_space<vmem_shared>> -> memref<640x16xf32, #tpu.memory_space<vmem_shared>>
      tpu.wait_dma2 semaphore(%run_scoped3A_101 : memref<!tpu.dma_semaphore, #tpu.memory_space<semaphore_mem>>) src(%arg8 : memref<640x16xf32, #tpu.memory_space<vmem>>) dst(%dma_wait3A_108 : memref<640x16xf32, #tpu.memory_space<vmem_shared>>)
      tpu.yield
    }) : () -> ()
    %mul3A_10 = arith.constant 640 : i32
    %mul3A_11 = arith.muli %arg1, %mul3A_10 : i32
    %mul3A_12 = arith.constant 640 : i32
    %mul3A_13 = arith.muli %arg1, %mul3A_12 : i32
    "tpu.region"() ({
      %run_scoped3A_101 = tpu.sem_alloc : memref<!tpu.dma_semaphore, #tpu.memory_space<semaphore_mem>>
      %dma_start3A_102 = arith.constant 0 : i32
      %dma_start3A_103 = tpu.memref_slice %arg10[%mul3A_13, %dma_start3A_102] : memref<10240x16xf32, #tpu.memory_space<vmem_shared>> -> memref<640x16xf32, #tpu.memory_space<vmem_shared>>
      %dma_start3A_104 = arith.constant 0 : i32
      %dma_start3A_105 = tpu.memref_slice %arg2[%mul3A_11, %dma_start3A_104] : memref<10240x16xf32, #tpu.memory_space<hbm>> -> memref<640x16xf32, #tpu.memory_space<hbm>>
      tpu.enqueue_dma source(%dma_start3A_105 : memref<640x16xf32, #tpu.memory_space<hbm>>) target(%dma_start3A_103 : memref<640x16xf32, #tpu.memory_space<vmem_shared>>) target_semaphore(%run_scoped3A_101 : memref<!tpu.dma_semaphore, #tpu.memory_space<semaphore_mem>>)
      %dma_wait3A = arith.constant 0 : i32
      %dma_wait3A_106 = tpu.memref_slice %arg10[%mul3A_13, %dma_wait3A] : memref<10240x16xf32, #tpu.memory_space<vmem_shared>> -> memref<640x16xf32, #tpu.memory_space<vmem_shared>>
      %dma_wait3A_107 = arith.constant 0 : i32
      %dma_wait3A_108 = tpu.memref_slice %arg2[%mul3A_11, %dma_wait3A_107] : memref<10240x16xf32, #tpu.memory_space<hbm>> -> memref<640x16xf32, #tpu.memory_space<hbm>>
      tpu.wait_dma2 semaphore(%run_scoped3A_101 : memref<!tpu.dma_semaphore, #tpu.memory_space<semaphore_mem>>) src(%dma_wait3A_108 : memref<640x16xf32, #tpu.memory_space<hbm>>) dst(%dma_wait3A_106 : memref<640x16xf32, #tpu.memory_space<vmem_shared>>)
      tpu.yield
    }) : () -> ()
    %barrier3A = arith.constant 0 : index
    tpu.barrier barrier_id(%barrier3A)
    %run_scoped3A = arith.constant 0 : i32
    "tpu.region"() ({
      %run_scoped3A_101 = tpu.sem_alloc : memref<!tpu.dma_semaphore, #tpu.memory_space<semaphore_mem>>
      %dma_start3A_102 = arith.constant 0 : i32
      %dma_start3A_103 = arith.constant 0 : i32
      %dma_start3A_104 = tpu.memref_slice %arg3[%run_scoped3A, %add3A, %dma_start3A_102, %dma_start3A_103] : memref<2x32x125x80xi32, #tpu.memory_space<hbm>> -> memref<1x1x125x80xi32, #tpu.memory_space<hbm>>
      %dma_start3A_105 = tpu.memref_squeeze %dma_start3A_104 : memref<1x1x125x80xi32, #tpu.memory_space<hbm>> -> memref<125x80xi32, #tpu.memory_space<hbm>>
      %dma_start3A_106 = arith.constant 0 : i32
      %dma_start3A_107 = arith.constant 0 : i32
      %dma_start3A_108 = tpu.memref_slice %arg3[%run_scoped3A, %add3A, %dma_start3A_106, %dma_start3A_107] : memref<2x32x125x80xi32, #tpu.memory_space<hbm>> -> memref<1x1x125x80xi32, #tpu.memory_space<hbm>>
      %dma_start3A_109 = tpu.memref_squeeze %dma_start3A_108 : memref<1x1x125x80xi32, #tpu.memory_space<hbm>> -> memref<125x80xi32, #tpu.memory_space<hbm>>
      tpu.enqueue_dma source(%dma_start3A_109 : memref<125x80xi32, #tpu.memory_space<hbm>>) target(%arg5 : memref<125x80xi32, #tpu.memory_space<vmem>>) target_semaphore(%run_scoped3A_101 : memref<!tpu.dma_semaphore, #tpu.memory_space<semaphore_mem>>)
      %dma_wait3A = arith.constant 0 : i32
      %dma_wait3A_110 = arith.constant 0 : i32
      %dma_wait3A_111 = tpu.memref_slice %arg3[%run_scoped3A, %add3A, %dma_wait3A, %dma_wait3A_110] : memref<2x32x125x80xi32, #tpu.memory_space<hbm>> -> memref<1x1x125x80xi32, #tpu.memory_space<hbm>>
      %dma_wait3A_112 = tpu.memref_squeeze %dma_wait3A_111 : memref<1x1x125x80xi32, #tpu.memory_space<hbm>> -> memref<125x80xi32, #tpu.memory_space<hbm>>
      %dma_wait3A_113 = arith.constant 0 : i32
      %dma_wait3A_114 = arith.constant 0 : i32
      %dma_wait3A_115 = tpu.memref_slice %arg3[%run_scoped3A, %add3A, %dma_wait3A_113, %dma_wait3A_114] : memref<2x32x125x80xi32, #tpu.memory_space<hbm>> -> memref<1x1x125x80xi32, #tpu.memory_space<hbm>>
      %dma_wait3A_116 = tpu.memref_squeeze %dma_wait3A_115 : memref<1x1x125x80xi32, #tpu.memory_space<hbm>> -> memref<125x80xi32, #tpu.memory_space<hbm>>
      tpu.wait_dma2 semaphore(%run_scoped3A_101 : memref<!tpu.dma_semaphore, #tpu.memory_space<semaphore_mem>>) src(%dma_wait3A_116 : memref<125x80xi32, #tpu.memory_space<hbm>>) dst(%arg5 : memref<125x80xi32, #tpu.memory_space<vmem>>)
      tpu.yield
    }) : () -> ()
    %run_scoped3A_14 = arith.constant 1 : i32
    "tpu.region"() ({
      %run_scoped3A_101 = tpu.sem_alloc : memref<!tpu.dma_semaphore, #tpu.memory_space<semaphore_mem>>
      %dma_start3A_102 = arith.constant 0 : i32
      %dma_start3A_103 = arith.constant 0 : i32
      %dma_start3A_104 = tpu.memref_slice %arg3[%run_scoped3A_14, %add3A, %dma_start3A_102, %dma_start3A_103] : memref<2x32x125x80xi32, #tpu.memory_space<hbm>> -> memref<1x1x125x80xi32, #tpu.memory_space<hbm>>
      %dma_start3A_105 = tpu.memref_squeeze %dma_start3A_104 : memref<1x1x125x80xi32, #tpu.memory_space<hbm>> -> memref<125x80xi32, #tpu.memory_space<hbm>>
      %dma_start3A_106 = arith.constant 0 : i32
      %dma_start3A_107 = arith.constant 0 : i32
      %dma_start3A_108 = tpu.memref_slice %arg3[%run_scoped3A_14, %add3A, %dma_start3A_106, %dma_start3A_107] : memref<2x32x125x80xi32, #tpu.memory_space<hbm>> -> memref<1x1x125x80xi32, #tpu.memory_space<hbm>>
      %dma_start3A_109 = tpu.memref_squeeze %dma_start3A_108 : memref<1x1x125x80xi32, #tpu.memory_space<hbm>> -> memref<125x80xi32, #tpu.memory_space<hbm>>
      tpu.enqueue_dma source(%dma_start3A_109 : memref<125x80xi32, #tpu.memory_space<hbm>>) target(%arg6 : memref<125x80xi32, #tpu.memory_space<vmem>>) target_semaphore(%run_scoped3A_101 : memref<!tpu.dma_semaphore, #tpu.memory_space<semaphore_mem>>)
      %dma_wait3A = arith.constant 0 : i32
      %dma_wait3A_110 = arith.constant 0 : i32
      %dma_wait3A_111 = tpu.memref_slice %arg3[%run_scoped3A_14, %add3A, %dma_wait3A, %dma_wait3A_110] : memref<2x32x125x80xi32, #tpu.memory_space<hbm>> -> memref<1x1x125x80xi32, #tpu.memory_space<hbm>>
      %dma_wait3A_112 = tpu.memref_squeeze %dma_wait3A_111 : memref<1x1x125x80xi32, #tpu.memory_space<hbm>> -> memref<125x80xi32, #tpu.memory_space<hbm>>
      %dma_wait3A_113 = arith.constant 0 : i32
      %dma_wait3A_114 = arith.constant 0 : i32
      %dma_wait3A_115 = tpu.memref_slice %arg3[%run_scoped3A_14, %add3A, %dma_wait3A_113, %dma_wait3A_114] : memref<2x32x125x80xi32, #tpu.memory_space<hbm>> -> memref<1x1x125x80xi32, #tpu.memory_space<hbm>>
      %dma_wait3A_116 = tpu.memref_squeeze %dma_wait3A_115 : memref<1x1x125x80xi32, #tpu.memory_space<hbm>> -> memref<125x80xi32, #tpu.memory_space<hbm>>
      tpu.wait_dma2 semaphore(%run_scoped3A_101 : memref<!tpu.dma_semaphore, #tpu.memory_space<semaphore_mem>>) src(%dma_wait3A_116 : memref<125x80xi32, #tpu.memory_space<hbm>>) dst(%arg6 : memref<125x80xi32, #tpu.memory_space<vmem>>)
      tpu.yield
    }) : () -> ()
    %dma_start3A = arith.constant 0 : i32
    %dma_start3A_15 = arith.constant 0 : i32
    %dma_start3A_16 = arith.constant 0 : i32
    %dma_start3A_17 = arith.constant 0 : i32
    %dma_start3A_18 = arith.constant 0 : i32
    %dma_start3A_19 = tpu.memref_slice %arg7[%dma_start3A_15, %dma_start3A_17, %dma_start3A_18] : memref<5x80x16xf32, #tpu.memory_space<vmem>> -> memref<1x80x16xf32, #tpu.memory_space<vmem>>
    %dma_start3A_20 = tpu.memref_squeeze %dma_start3A_19 : memref<1x80x16xf32, #tpu.memory_space<vmem>> -> memref<80x16xf32, #tpu.memory_space<vmem>>
    %dma_start3A_21 = arith.constant 0 : i32
    %dma_start3A_22 = tpu.memref_slice %arg5[%dma_start3A, %dma_start3A_21] : memref<125x80xi32, #tpu.memory_space<vmem>> -> memref<1x80xi32, #tpu.memory_space<vmem>>
    %dma_start3A_23 = tpu.memref_squeeze %dma_start3A_22 : memref<1x80xi32, #tpu.memory_space<vmem>> -> memref<80xi32, #tpu.memory_space<vmem>>
    %dma_start3A_24 = arith.constant 0 : i32
    %dma_start3A_25 = arith.constant 0 : i32
    %dma_start3A_26 = tpu.memref_slice %arg10[%dma_start3A_24, %dma_start3A_25] : memref<10240x16xf32, #tpu.memory_space<vmem_shared>> -> memref<10240x16xf32, #tpu.memory_space<vmem_shared>>
    %dma_start3A_27 = tpu.memref_slice %arg11[%dma_start3A_16] : memref<5x!tpu.dma_semaphore, #tpu.memory_space<semaphore_mem>> -> memref<1x!tpu.dma_semaphore, #tpu.memory_space<semaphore_mem>>
    %dma_start3A_28 = tpu.memref_squeeze %dma_start3A_27 : memref<1x!tpu.dma_semaphore, #tpu.memory_space<semaphore_mem>> -> memref<!tpu.dma_semaphore, #tpu.memory_space<semaphore_mem>>
    tpu.enqueue_indirect_dma source(%dma_start3A_26 : memref<10240x16xf32, #tpu.memory_space<vmem_shared>>) target(%dma_start3A_20 : memref<80x16xf32, #tpu.memory_space<vmem>>) offsets(%dma_start3A_23 : memref<80xi32, #tpu.memory_space<vmem>>) semaphore(%dma_start3A_28 : memref<!tpu.dma_semaphore, #tpu.memory_space<semaphore_mem>>)
    %dma_start3A_29 = arith.constant 1 : i32
    %dma_start3A_30 = arith.constant 1 : i32
    %dma_start3A_31 = arith.constant 1 : i32
    %dma_start3A_32 = arith.constant 0 : i32
    %dma_start3A_33 = arith.constant 0 : i32
    %dma_start3A_34 = tpu.memref_slice %arg7[%dma_start3A_30, %dma_start3A_32, %dma_start3A_33] : memref<5x80x16xf32, #tpu.memory_space<vmem>> -> memref<1x80x16xf32, #tpu.memory_space<vmem>>
    %dma_start3A_35 = tpu.memref_squeeze %dma_start3A_34 : memref<1x80x16xf32, #tpu.memory_space<vmem>> -> memref<80x16xf32, #tpu.memory_space<vmem>>
    %dma_start3A_36 = arith.constant 0 : i32
    %dma_start3A_37 = tpu.memref_slice %arg5[%dma_start3A_29, %dma_start3A_36] : memref<125x80xi32, #tpu.memory_space<vmem>> -> memref<1x80xi32, #tpu.memory_space<vmem>>
    %dma_start3A_38 = tpu.memref_squeeze %dma_start3A_37 : memref<1x80xi32, #tpu.memory_space<vmem>> -> memref<80xi32, #tpu.memory_space<vmem>>
    %dma_start3A_39 = arith.constant 0 : i32
    %dma_start3A_40 = arith.constant 0 : i32
    %dma_start3A_41 = tpu.memref_slice %arg10[%dma_start3A_39, %dma_start3A_40] : memref<10240x16xf32, #tpu.memory_space<vmem_shared>> -> memref<10240x16xf32, #tpu.memory_space<vmem_shared>>
    %dma_start3A_42 = tpu.memref_slice %arg11[%dma_start3A_31] : memref<5x!tpu.dma_semaphore, #tpu.memory_space<semaphore_mem>> -> memref<1x!tpu.dma_semaphore, #tpu.memory_space<semaphore_mem>>
    %dma_start3A_43 = tpu.memref_squeeze %dma_start3A_42 : memref<1x!tpu.dma_semaphore, #tpu.memory_space<semaphore_mem>> -> memref<!tpu.dma_semaphore, #tpu.memory_space<semaphore_mem>>
    tpu.enqueue_indirect_dma source(%dma_start3A_41 : memref<10240x16xf32, #tpu.memory_space<vmem_shared>>) target(%dma_start3A_35 : memref<80x16xf32, #tpu.memory_space<vmem>>) offsets(%dma_start3A_38 : memref<80xi32, #tpu.memory_space<vmem>>) semaphore(%dma_start3A_43 : memref<!tpu.dma_semaphore, #tpu.memory_space<semaphore_mem>>)
    %dma_start3A_44 = arith.constant 2 : i32
    %dma_start3A_45 = arith.constant 2 : i32
    %dma_start3A_46 = arith.constant 2 : i32
    %dma_start3A_47 = arith.constant 0 : i32
    %dma_start3A_48 = arith.constant 0 : i32
    %dma_start3A_49 = tpu.memref_slice %arg7[%dma_start3A_45, %dma_start3A_47, %dma_start3A_48] : memref<5x80x16xf32, #tpu.memory_space<vmem>> -> memref<1x80x16xf32, #tpu.memory_space<vmem>>
    %dma_start3A_50 = tpu.memref_squeeze %dma_start3A_49 : memref<1x80x16xf32, #tpu.memory_space<vmem>> -> memref<80x16xf32, #tpu.memory_space<vmem>>
    %dma_start3A_51 = arith.constant 0 : i32
    %dma_start3A_52 = tpu.memref_slice %arg5[%dma_start3A_44, %dma_start3A_51] : memref<125x80xi32, #tpu.memory_space<vmem>> -> memref<1x80xi32, #tpu.memory_space<vmem>>
    %dma_start3A_53 = tpu.memref_squeeze %dma_start3A_52 : memref<1x80xi32, #tpu.memory_space<vmem>> -> memref<80xi32, #tpu.memory_space<vmem>>
    %dma_start3A_54 = arith.constant 0 : i32
    %dma_start3A_55 = arith.constant 0 : i32
    %dma_start3A_56 = tpu.memref_slice %arg10[%dma_start3A_54, %dma_start3A_55] : memref<10240x16xf32, #tpu.memory_space<vmem_shared>> -> memref<10240x16xf32, #tpu.memory_space<vmem_shared>>
    %dma_start3A_57 = tpu.memref_slice %arg11[%dma_start3A_46] : memref<5x!tpu.dma_semaphore, #tpu.memory_space<semaphore_mem>> -> memref<1x!tpu.dma_semaphore, #tpu.memory_space<semaphore_mem>>
    %dma_start3A_58 = tpu.memref_squeeze %dma_start3A_57 : memref<1x!tpu.dma_semaphore, #tpu.memory_space<semaphore_mem>> -> memref<!tpu.dma_semaphore, #tpu.memory_space<semaphore_mem>>
    tpu.enqueue_indirect_dma source(%dma_start3A_56 : memref<10240x16xf32, #tpu.memory_space<vmem_shared>>) target(%dma_start3A_50 : memref<80x16xf32, #tpu.memory_space<vmem>>) offsets(%dma_start3A_53 : memref<80xi32, #tpu.memory_space<vmem>>) semaphore(%dma_start3A_58 : memref<!tpu.dma_semaphore, #tpu.memory_space<semaphore_mem>>)
    %dma_start3A_59 = arith.constant 3 : i32
    %dma_start3A_60 = arith.constant 3 : i32
    %dma_start3A_61 = arith.constant 3 : i32
    %dma_start3A_62 = arith.constant 0 : i32
    %dma_start3A_63 = arith.constant 0 : i32
    %dma_start3A_64 = tpu.memref_slice %arg7[%dma_start3A_60, %dma_start3A_62, %dma_start3A_63] : memref<5x80x16xf32, #tpu.memory_space<vmem>> -> memref<1x80x16xf32, #tpu.memory_space<vmem>>
    %dma_start3A_65 = tpu.memref_squeeze %dma_start3A_64 : memref<1x80x16xf32, #tpu.memory_space<vmem>> -> memref<80x16xf32, #tpu.memory_space<vmem>>
    %dma_start3A_66 = arith.constant 0 : i32
    %dma_start3A_67 = tpu.memref_slice %arg5[%dma_start3A_59, %dma_start3A_66] : memref<125x80xi32, #tpu.memory_space<vmem>> -> memref<1x80xi32, #tpu.memory_space<vmem>>
    %dma_start3A_68 = tpu.memref_squeeze %dma_start3A_67 : memref<1x80xi32, #tpu.memory_space<vmem>> -> memref<80xi32, #tpu.memory_space<vmem>>
    %dma_start3A_69 = arith.constant 0 : i32
    %dma_start3A_70 = arith.constant 0 : i32
    %dma_start3A_71 = tpu.memref_slice %arg10[%dma_start3A_69, %dma_start3A_70] : memref<10240x16xf32, #tpu.memory_space<vmem_shared>> -> memref<10240x16xf32, #tpu.memory_space<vmem_shared>>
    %dma_start3A_72 = tpu.memref_slice %arg11[%dma_start3A_61] : memref<5x!tpu.dma_semaphore, #tpu.memory_space<semaphore_mem>> -> memref<1x!tpu.dma_semaphore, #tpu.memory_space<semaphore_mem>>
    %dma_start3A_73 = tpu.memref_squeeze %dma_start3A_72 : memref<1x!tpu.dma_semaphore, #tpu.memory_space<semaphore_mem>> -> memref<!tpu.dma_semaphore, #tpu.memory_space<semaphore_mem>>
    tpu.enqueue_indirect_dma source(%dma_start3A_71 : memref<10240x16xf32, #tpu.memory_space<vmem_shared>>) target(%dma_start3A_65 : memref<80x16xf32, #tpu.memory_space<vmem>>) offsets(%dma_start3A_68 : memref<80xi32, #tpu.memory_space<vmem>>) semaphore(%dma_start3A_73 : memref<!tpu.dma_semaphore, #tpu.memory_space<semaphore_mem>>)
    %dma_start3A_74 = arith.constant 4 : i32
    %dma_start3A_75 = arith.constant 4 : i32
    %dma_start3A_76 = arith.constant 4 : i32
    %dma_start3A_77 = arith.constant 0 : i32
    %dma_start3A_78 = arith.constant 0 : i32
    %dma_start3A_79 = tpu.memref_slice %arg7[%dma_start3A_75, %dma_start3A_77, %dma_start3A_78] : memref<5x80x16xf32, #tpu.memory_space<vmem>> -> memref<1x80x16xf32, #tpu.memory_space<vmem>>
    %dma_start3A_80 = tpu.memref_squeeze %dma_start3A_79 : memref<1x80x16xf32, #tpu.memory_space<vmem>> -> memref<80x16xf32, #tpu.memory_space<vmem>>
    %dma_start3A_81 = arith.constant 0 : i32
    %dma_start3A_82 = tpu.memref_slice %arg5[%dma_start3A_74, %dma_start3A_81] : memref<125x80xi32, #tpu.memory_space<vmem>> -> memref<1x80xi32, #tpu.memory_space<vmem>>
    %dma_start3A_83 = tpu.memref_squeeze %dma_start3A_82 : memref<1x80xi32, #tpu.memory_space<vmem>> -> memref<80xi32, #tpu.memory_space<vmem>>
    %dma_start3A_84 = arith.constant 0 : i32
    %dma_start3A_85 = arith.constant 0 : i32
    %dma_start3A_86 = tpu.memref_slice %arg10[%dma_start3A_84, %dma_start3A_85] : memref<10240x16xf32, #tpu.memory_space<vmem_shared>> -> memref<10240x16xf32, #tpu.memory_space<vmem_shared>>
    %dma_start3A_87 = tpu.memref_slice %arg11[%dma_start3A_76] : memref<5x!tpu.dma_semaphore, #tpu.memory_space<semaphore_mem>> -> memref<1x!tpu.dma_semaphore, #tpu.memory_space<semaphore_mem>>
    %dma_start3A_88 = tpu.memref_squeeze %dma_start3A_87 : memref<1x!tpu.dma_semaphore, #tpu.memory_space<semaphore_mem>> -> memref<!tpu.dma_semaphore, #tpu.memory_space<semaphore_mem>>
    tpu.enqueue_indirect_dma source(%dma_start3A_86 : memref<10240x16xf32, #tpu.memory_space<vmem_shared>>) target(%dma_start3A_80 : memref<80x16xf32, #tpu.memory_space<vmem>>) offsets(%dma_start3A_83 : memref<80xi32, #tpu.memory_space<vmem>>) semaphore(%dma_start3A_88 : memref<!tpu.dma_semaphore, #tpu.memory_space<semaphore_mem>>)
    %scan3A_89 = arith.constant 0 : i32
    %scan3A_90 = arith.constant 0 : i32
    %scan3A_91 = arith.constant 25 : i32
    %scan3A_92 = arith.addi %scan3A_90, %scan3A_91 : i32
    %scan3A_93 = arith.constant 1 : i32
    %scan3A_94 = scf.for %scan3A_101 = %scan3A_90 to %scan3A_92 step %scan3A_93 iter_args(%scan3A_102 = %scan3A_89) -> (i32)  : i32 {
      %mul3A_103 = arith.constant 5 : i32
      %mul3A_104 = arith.muli %scan3A_101, %mul3A_103 : i32
      %add3A_105 = arith.constant 0 : i32
      %add3A_106 = arith.addi %mul3A_104, %add3A_105 : i32
      %dma_wait3A = arith.constant 0 : i32
      %dma_wait3A_107 = arith.constant 0 : i32
      %dma_wait3A_108 = arith.constant 0 : i32
      %dma_wait3A_109 = arith.constant 0 : i32
      %dma_wait3A_110 = tpu.memref_slice %arg7[%dma_wait3A, %dma_wait3A_108, %dma_wait3A_109] : memref<5x80x16xf32, #tpu.memory_space<vmem>> -> memref<1x80x16xf32, #tpu.memory_space<vmem>>
      %dma_wait3A_111 = tpu.memref_squeeze %dma_wait3A_110 : memref<1x80x16xf32, #tpu.memory_space<vmem>> -> memref<80x16xf32, #tpu.memory_space<vmem>>
      %dma_wait3A_112 = arith.constant 0 : i32
      %dma_wait3A_113 = tpu.memref_slice %arg5[%add3A_106, %dma_wait3A_112] : memref<125x80xi32, #tpu.memory_space<vmem>> -> memref<1x80xi32, #tpu.memory_space<vmem>>
      %dma_wait3A_114 = tpu.memref_squeeze %dma_wait3A_113 : memref<1x80xi32, #tpu.memory_space<vmem>> -> memref<80xi32, #tpu.memory_space<vmem>>
      %dma_wait3A_115 = arith.constant 0 : i32
      %dma_wait3A_116 = arith.constant 0 : i32
      %dma_wait3A_117 = tpu.memref_slice %arg10[%dma_wait3A_115, %dma_wait3A_116] : memref<10240x16xf32, #tpu.memory_space<vmem_shared>> -> memref<10240x16xf32, #tpu.memory_space<vmem_shared>>
      %dma_wait3A_118 = tpu.memref_slice %arg11[%dma_wait3A_107] : memref<5x!tpu.dma_semaphore, #tpu.memory_space<semaphore_mem>> -> memref<1x!tpu.dma_semaphore, #tpu.memory_space<semaphore_mem>>
      %dma_wait3A_119 = tpu.memref_squeeze %dma_wait3A_118 : memref<1x!tpu.dma_semaphore, #tpu.memory_space<semaphore_mem>> -> memref<!tpu.dma_semaphore, #tpu.memory_space<semaphore_mem>>
      tpu.wait_indirect_dma semaphore(%dma_wait3A_119 : memref<!tpu.dma_semaphore, #tpu.memory_space<semaphore_mem>>) src(%dma_wait3A_117 : memref<10240x16xf32, #tpu.memory_space<vmem_shared>>) dst(%dma_wait3A_111 : memref<80x16xf32, #tpu.memory_space<vmem>>)
      %add3A_120 = arith.constant 0 : i32
      %add3A_121 = arith.addi %mul3A_104, %add3A_120 : i32
      %dma_start3A_122 = arith.constant 0 : i32
      %dma_start3A_123 = arith.constant 0 : i32
      %dma_start3A_124 = arith.constant 0 : i32
      %dma_start3A_125 = arith.constant 0 : i32
      %dma_start3A_126 = tpu.memref_slice %arg7[%dma_start3A_122, %dma_start3A_124, %dma_start3A_125] : memref<5x80x16xf32, #tpu.memory_space<vmem>> -> memref<1x80x16xf32, #tpu.memory_space<vmem>>
      %dma_start3A_127 = tpu.memref_squeeze %dma_start3A_126 : memref<1x80x16xf32, #tpu.memory_space<vmem>> -> memref<80x16xf32, #tpu.memory_space<vmem>>
      %dma_start3A_128 = arith.constant 0 : i32
      %dma_start3A_129 = tpu.memref_slice %arg6[%add3A_121, %dma_start3A_128] : memref<125x80xi32, #tpu.memory_space<vmem>> -> memref<1x80xi32, #tpu.memory_space<vmem>>
      %dma_start3A_130 = tpu.memref_squeeze %dma_start3A_129 : memref<1x80xi32, #tpu.memory_space<vmem>> -> memref<80xi32, #tpu.memory_space<vmem>>
      %dma_start3A_131 = arith.constant 0 : i32
      %dma_start3A_132 = arith.constant 0 : i32
      %dma_start3A_133 = tpu.memref_slice %arg9[%dma_start3A_131, %dma_start3A_132] : memref<10240x16xf32, #tpu.memory_space<vmem_shared>> -> memref<10240x16xf32, #tpu.memory_space<vmem_shared>>
      %dma_start3A_134 = tpu.memref_slice %arg12[%dma_start3A_123] : memref<5x!tpu.dma_semaphore, #tpu.memory_space<semaphore_mem>> -> memref<1x!tpu.dma_semaphore, #tpu.memory_space<semaphore_mem>>
      %dma_start3A_135 = tpu.memref_squeeze %dma_start3A_134 : memref<1x!tpu.dma_semaphore, #tpu.memory_space<semaphore_mem>> -> memref<!tpu.dma_semaphore, #tpu.memory_space<semaphore_mem>>
      tpu.enqueue_indirect_dma source(%dma_start3A_127 : memref<80x16xf32, #tpu.memory_space<vmem>>) target(%dma_start3A_133 : memref<10240x16xf32, #tpu.memory_space<vmem_shared>>) offsets(%dma_start3A_130 : memref<80xi32, #tpu.memory_space<vmem>>) semaphore(%dma_start3A_135 : memref<!tpu.dma_semaphore, #tpu.memory_space<semaphore_mem>>) {add = true}
      %add3A_136 = arith.constant 1 : i32
      %add3A_137 = arith.addi %mul3A_104, %add3A_136 : i32
      %dma_wait3A_138 = arith.constant 1 : i32
      %dma_wait3A_139 = arith.constant 1 : i32
      %dma_wait3A_140 = arith.constant 0 : i32
      %dma_wait3A_141 = arith.constant 0 : i32
      %dma_wait3A_142 = tpu.memref_slice %arg7[%dma_wait3A_138, %dma_wait3A_140, %dma_wait3A_141] : memref<5x80x16xf32, #tpu.memory_space<vmem>> -> memref<1x80x16xf32, #tpu.memory_space<vmem>>
      %dma_wait3A_143 = tpu.memref_squeeze %dma_wait3A_142 : memref<1x80x16xf32, #tpu.memory_space<vmem>> -> memref<80x16xf32, #tpu.memory_space<vmem>>
      %dma_wait3A_144 = arith.constant 0 : i32
      %dma_wait3A_145 = tpu.memref_slice %arg5[%add3A_137, %dma_wait3A_144] : memref<125x80xi32, #tpu.memory_space<vmem>> -> memref<1x80xi32, #tpu.memory_space<vmem>>
      %dma_wait3A_146 = tpu.memref_squeeze %dma_wait3A_145 : memref<1x80xi32, #tpu.memory_space<vmem>> -> memref<80xi32, #tpu.memory_space<vmem>>
      %dma_wait3A_147 = arith.constant 0 : i32
      %dma_wait3A_148 = arith.constant 0 : i32
      %dma_wait3A_149 = tpu.memref_slice %arg10[%dma_wait3A_147, %dma_wait3A_148] : memref<10240x16xf32, #tpu.memory_space<vmem_shared>> -> memref<10240x16xf32, #tpu.memory_space<vmem_shared>>
      %dma_wait3A_150 = tpu.memref_slice %arg11[%dma_wait3A_139] : memref<5x!tpu.dma_semaphore, #tpu.memory_space<semaphore_mem>> -> memref<1x!tpu.dma_semaphore, #tpu.memory_space<semaphore_mem>>
      %dma_wait3A_151 = tpu.memref_squeeze %dma_wait3A_150 : memref<1x!tpu.dma_semaphore, #tpu.memory_space<semaphore_mem>> -> memref<!tpu.dma_semaphore, #tpu.memory_space<semaphore_mem>>
      tpu.wait_indirect_dma semaphore(%dma_wait3A_151 : memref<!tpu.dma_semaphore, #tpu.memory_space<semaphore_mem>>) src(%dma_wait3A_149 : memref<10240x16xf32, #tpu.memory_space<vmem_shared>>) dst(%dma_wait3A_143 : memref<80x16xf32, #tpu.memory_space<vmem>>)
      %add3A_152 = arith.constant 1 : i32
      %add3A_153 = arith.addi %mul3A_104, %add3A_152 : i32
      %dma_start3A_154 = arith.constant 1 : i32
      %dma_start3A_155 = arith.constant 1 : i32
      %dma_start3A_156 = arith.constant 0 : i32
      %dma_start3A_157 = arith.constant 0 : i32
      %dma_start3A_158 = tpu.memref_slice %arg7[%dma_start3A_154, %dma_start3A_156, %dma_start3A_157] : memref<5x80x16xf32, #tpu.memory_space<vmem>> -> memref<1x80x16xf32, #tpu.memory_space<vmem>>
      %dma_start3A_159 = tpu.memref_squeeze %dma_start3A_158 : memref<1x80x16xf32, #tpu.memory_space<vmem>> -> memref<80x16xf32, #tpu.memory_space<vmem>>
      %dma_start3A_160 = arith.constant 0 : i32
      %dma_start3A_161 = tpu.memref_slice %arg6[%add3A_153, %dma_start3A_160] : memref<125x80xi32, #tpu.memory_space<vmem>> -> memref<1x80xi32, #tpu.memory_space<vmem>>
      %dma_start3A_162 = tpu.memref_squeeze %dma_start3A_161 : memref<1x80xi32, #tpu.memory_space<vmem>> -> memref<80xi32, #tpu.memory_space<vmem>>
      %dma_start3A_163 = arith.constant 0 : i32
      %dma_start3A_164 = arith.constant 0 : i32
      %dma_start3A_165 = tpu.memref_slice %arg9[%dma_start3A_163, %dma_start3A_164] : memref<10240x16xf32, #tpu.memory_space<vmem_shared>> -> memref<10240x16xf32, #tpu.memory_space<vmem_shared>>
      %dma_start3A_166 = tpu.memref_slice %arg12[%dma_start3A_155] : memref<5x!tpu.dma_semaphore, #tpu.memory_space<semaphore_mem>> -> memref<1x!tpu.dma_semaphore, #tpu.memory_space<semaphore_mem>>
      %dma_start3A_167 = tpu.memref_squeeze %dma_start3A_166 : memref<1x!tpu.dma_semaphore, #tpu.memory_space<semaphore_mem>> -> memref<!tpu.dma_semaphore, #tpu.memory_space<semaphore_mem>>
      tpu.enqueue_indirect_dma source(%dma_start3A_159 : memref<80x16xf32, #tpu.memory_space<vmem>>) target(%dma_start3A_165 : memref<10240x16xf32, #tpu.memory_space<vmem_shared>>) offsets(%dma_start3A_162 : memref<80xi32, #tpu.memory_space<vmem>>) semaphore(%dma_start3A_167 : memref<!tpu.dma_semaphore, #tpu.memory_space<semaphore_mem>>) {add = true}
      %add3A_168 = arith.constant 2 : i32
      %add3A_169 = arith.addi %mul3A_104, %add3A_168 : i32
      %dma_wait3A_170 = arith.constant 2 : i32
      %dma_wait3A_171 = arith.constant 2 : i32
      %dma_wait3A_172 = arith.constant 0 : i32
      %dma_wait3A_173 = arith.constant 0 : i32
      %dma_wait3A_174 = tpu.memref_slice %arg7[%dma_wait3A_170, %dma_wait3A_172, %dma_wait3A_173] : memref<5x80x16xf32, #tpu.memory_space<vmem>> -> memref<1x80x16xf32, #tpu.memory_space<vmem>>
      %dma_wait3A_175 = tpu.memref_squeeze %dma_wait3A_174 : memref<1x80x16xf32, #tpu.memory_space<vmem>> -> memref<80x16xf32, #tpu.memory_space<vmem>>
      %dma_wait3A_176 = arith.constant 0 : i32
      %dma_wait3A_177 = tpu.memref_slice %arg5[%add3A_169, %dma_wait3A_176] : memref<125x80xi32, #tpu.memory_space<vmem>> -> memref<1x80xi32, #tpu.memory_space<vmem>>
      %dma_wait3A_178 = tpu.memref_squeeze %dma_wait3A_177 : memref<1x80xi32, #tpu.memory_space<vmem>> -> memref<80xi32, #tpu.memory_space<vmem>>
      %dma_wait3A_179 = arith.constant 0 : i32
      %dma_wait3A_180 = arith.constant 0 : i32
      %dma_wait3A_181 = tpu.memref_slice %arg10[%dma_wait3A_179, %dma_wait3A_180] : memref<10240x16xf32, #tpu.memory_space<vmem_shared>> -> memref<10240x16xf32, #tpu.memory_space<vmem_shared>>
      %dma_wait3A_182 = tpu.memref_slice %arg11[%dma_wait3A_171] : memref<5x!tpu.dma_semaphore, #tpu.memory_space<semaphore_mem>> -> memref<1x!tpu.dma_semaphore, #tpu.memory_space<semaphore_mem>>
      %dma_wait3A_183 = tpu.memref_squeeze %dma_wait3A_182 : memref<1x!tpu.dma_semaphore, #tpu.memory_space<semaphore_mem>> -> memref<!tpu.dma_semaphore, #tpu.memory_space<semaphore_mem>>
      tpu.wait_indirect_dma semaphore(%dma_wait3A_183 : memref<!tpu.dma_semaphore, #tpu.memory_space<semaphore_mem>>) src(%dma_wait3A_181 : memref<10240x16xf32, #tpu.memory_space<vmem_shared>>) dst(%dma_wait3A_175 : memref<80x16xf32, #tpu.memory_space<vmem>>)
      %add3A_184 = arith.constant 2 : i32
      %add3A_185 = arith.addi %mul3A_104, %add3A_184 : i32
      %dma_start3A_186 = arith.constant 2 : i32
      %dma_start3A_187 = arith.constant 2 : i32
      %dma_start3A_188 = arith.constant 0 : i32
      %dma_start3A_189 = arith.constant 0 : i32
      %dma_start3A_190 = tpu.memref_slice %arg7[%dma_start3A_186, %dma_start3A_188, %dma_start3A_189] : memref<5x80x16xf32, #tpu.memory_space<vmem>> -> memref<1x80x16xf32, #tpu.memory_space<vmem>>
      %dma_start3A_191 = tpu.memref_squeeze %dma_start3A_190 : memref<1x80x16xf32, #tpu.memory_space<vmem>> -> memref<80x16xf32, #tpu.memory_space<vmem>>
      %dma_start3A_192 = arith.constant 0 : i32
      %dma_start3A_193 = tpu.memref_slice %arg6[%add3A_185, %dma_start3A_192] : memref<125x80xi32, #tpu.memory_space<vmem>> -> memref<1x80xi32, #tpu.memory_space<vmem>>
      %dma_start3A_194 = tpu.memref_squeeze %dma_start3A_193 : memref<1x80xi32, #tpu.memory_space<vmem>> -> memref<80xi32, #tpu.memory_space<vmem>>
      %dma_start3A_195 = arith.constant 0 : i32
      %dma_start3A_196 = arith.constant 0 : i32
      %dma_start3A_197 = tpu.memref_slice %arg9[%dma_start3A_195, %dma_start3A_196] : memref<10240x16xf32, #tpu.memory_space<vmem_shared>> -> memref<10240x16xf32, #tpu.memory_space<vmem_shared>>
      %dma_start3A_198 = tpu.memref_slice %arg12[%dma_start3A_187] : memref<5x!tpu.dma_semaphore, #tpu.memory_space<semaphore_mem>> -> memref<1x!tpu.dma_semaphore, #tpu.memory_space<semaphore_mem>>
      %dma_start3A_199 = tpu.memref_squeeze %dma_start3A_198 : memref<1x!tpu.dma_semaphore, #tpu.memory_space<semaphore_mem>> -> memref<!tpu.dma_semaphore, #tpu.memory_space<semaphore_mem>>
      tpu.enqueue_indirect_dma source(%dma_start3A_191 : memref<80x16xf32, #tpu.memory_space<vmem>>) target(%dma_start3A_197 : memref<10240x16xf32, #tpu.memory_space<vmem_shared>>) offsets(%dma_start3A_194 : memref<80xi32, #tpu.memory_space<vmem>>) semaphore(%dma_start3A_199 : memref<!tpu.dma_semaphore, #tpu.memory_space<semaphore_mem>>) {add = true}
      %add3A_200 = arith.constant 3 : i32
      %add3A_201 = arith.addi %mul3A_104, %add3A_200 : i32
      %dma_wait3A_202 = arith.constant 3 : i32
      %dma_wait3A_203 = arith.constant 3 : i32
      %dma_wait3A_204 = arith.constant 0 : i32
      %dma_wait3A_205 = arith.constant 0 : i32
      %dma_wait3A_206 = tpu.memref_slice %arg7[%dma_wait3A_202, %dma_wait3A_204, %dma_wait3A_205] : memref<5x80x16xf32, #tpu.memory_space<vmem>> -> memref<1x80x16xf32, #tpu.memory_space<vmem>>
      %dma_wait3A_207 = tpu.memref_squeeze %dma_wait3A_206 : memref<1x80x16xf32, #tpu.memory_space<vmem>> -> memref<80x16xf32, #tpu.memory_space<vmem>>
      %dma_wait3A_208 = arith.constant 0 : i32
      %dma_wait3A_209 = tpu.memref_slice %arg5[%add3A_201, %dma_wait3A_208] : memref<125x80xi32, #tpu.memory_space<vmem>> -> memref<1x80xi32, #tpu.memory_space<vmem>>
      %dma_wait3A_210 = tpu.memref_squeeze %dma_wait3A_209 : memref<1x80xi32, #tpu.memory_space<vmem>> -> memref<80xi32, #tpu.memory_space<vmem>>
      %dma_wait3A_211 = arith.constant 0 : i32
      %dma_wait3A_212 = arith.constant 0 : i32
      %dma_wait3A_213 = tpu.memref_slice %arg10[%dma_wait3A_211, %dma_wait3A_212] : memref<10240x16xf32, #tpu.memory_space<vmem_shared>> -> memref<10240x16xf32, #tpu.memory_space<vmem_shared>>
      %dma_wait3A_214 = tpu.memref_slice %arg11[%dma_wait3A_203] : memref<5x!tpu.dma_semaphore, #tpu.memory_space<semaphore_mem>> -> memref<1x!tpu.dma_semaphore, #tpu.memory_space<semaphore_mem>>
      %dma_wait3A_215 = tpu.memref_squeeze %dma_wait3A_214 : memref<1x!tpu.dma_semaphore, #tpu.memory_space<semaphore_mem>> -> memref<!tpu.dma_semaphore, #tpu.memory_space<semaphore_mem>>
      tpu.wait_indirect_dma semaphore(%dma_wait3A_215 : memref<!tpu.dma_semaphore, #tpu.memory_space<semaphore_mem>>) src(%dma_wait3A_213 : memref<10240x16xf32, #tpu.memory_space<vmem_shared>>) dst(%dma_wait3A_207 : memref<80x16xf32, #tpu.memory_space<vmem>>)
      %add3A_216 = arith.constant 3 : i32
      %add3A_217 = arith.addi %mul3A_104, %add3A_216 : i32
      %dma_start3A_218 = arith.constant 3 : i32
      %dma_start3A_219 = arith.constant 3 : i32
      %dma_start3A_220 = arith.constant 0 : i32
      %dma_start3A_221 = arith.constant 0 : i32
      %dma_start3A_222 = tpu.memref_slice %arg7[%dma_start3A_218, %dma_start3A_220, %dma_start3A_221] : memref<5x80x16xf32, #tpu.memory_space<vmem>> -> memref<1x80x16xf32, #tpu.memory_space<vmem>>
      %dma_start3A_223 = tpu.memref_squeeze %dma_start3A_222 : memref<1x80x16xf32, #tpu.memory_space<vmem>> -> memref<80x16xf32, #tpu.memory_space<vmem>>
      %dma_start3A_224 = arith.constant 0 : i32
      %dma_start3A_225 = tpu.memref_slice %arg6[%add3A_217, %dma_start3A_224] : memref<125x80xi32, #tpu.memory_space<vmem>> -> memref<1x80xi32, #tpu.memory_space<vmem>>
      %dma_start3A_226 = tpu.memref_squeeze %dma_start3A_225 : memref<1x80xi32, #tpu.memory_space<vmem>> -> memref<80xi32, #tpu.memory_space<vmem>>
      %dma_start3A_227 = arith.constant 0 : i32
      %dma_start3A_228 = arith.constant 0 : i32
      %dma_start3A_229 = tpu.memref_slice %arg9[%dma_start3A_227, %dma_start3A_228] : memref<10240x16xf32, #tpu.memory_space<vmem_shared>> -> memref<10240x16xf32, #tpu.memory_space<vmem_shared>>
      %dma_start3A_230 = tpu.memref_slice %arg12[%dma_start3A_219] : memref<5x!tpu.dma_semaphore, #tpu.memory_space<semaphore_mem>> -> memref<1x!tpu.dma_semaphore, #tpu.memory_space<semaphore_mem>>
      %dma_start3A_231 = tpu.memref_squeeze %dma_start3A_230 : memref<1x!tpu.dma_semaphore, #tpu.memory_space<semaphore_mem>> -> memref<!tpu.dma_semaphore, #tpu.memory_space<semaphore_mem>>
      tpu.enqueue_indirect_dma source(%dma_start3A_223 : memref<80x16xf32, #tpu.memory_space<vmem>>) target(%dma_start3A_229 : memref<10240x16xf32, #tpu.memory_space<vmem_shared>>) offsets(%dma_start3A_226 : memref<80xi32, #tpu.memory_space<vmem>>) semaphore(%dma_start3A_231 : memref<!tpu.dma_semaphore, #tpu.memory_space<semaphore_mem>>) {add = true}
      %add3A_232 = arith.constant 4 : i32
      %add3A_233 = arith.addi %mul3A_104, %add3A_232 : i32
      %dma_wait3A_234 = arith.constant 4 : i32
      %dma_wait3A_235 = arith.constant 4 : i32
      %dma_wait3A_236 = arith.constant 0 : i32
      %dma_wait3A_237 = arith.constant 0 : i32
      %dma_wait3A_238 = tpu.memref_slice %arg7[%dma_wait3A_234, %dma_wait3A_236, %dma_wait3A_237] : memref<5x80x16xf32, #tpu.memory_space<vmem>> -> memref<1x80x16xf32, #tpu.memory_space<vmem>>
      %dma_wait3A_239 = tpu.memref_squeeze %dma_wait3A_238 : memref<1x80x16xf32, #tpu.memory_space<vmem>> -> memref<80x16xf32, #tpu.memory_space<vmem>>
      %dma_wait3A_240 = arith.constant 0 : i32
      %dma_wait3A_241 = tpu.memref_slice %arg5[%add3A_233, %dma_wait3A_240] : memref<125x80xi32, #tpu.memory_space<vmem>> -> memref<1x80xi32, #tpu.memory_space<vmem>>
      %dma_wait3A_242 = tpu.memref_squeeze %dma_wait3A_241 : memref<1x80xi32, #tpu.memory_space<vmem>> -> memref<80xi32, #tpu.memory_space<vmem>>
      %dma_wait3A_243 = arith.constant 0 : i32
      %dma_wait3A_244 = arith.constant 0 : i32
      %dma_wait3A_245 = tpu.memref_slice %arg10[%dma_wait3A_243, %dma_wait3A_244] : memref<10240x16xf32, #tpu.memory_space<vmem_shared>> -> memref<10240x16xf32, #tpu.memory_space<vmem_shared>>
      %dma_wait3A_246 = tpu.memref_slice %arg11[%dma_wait3A_235] : memref<5x!tpu.dma_semaphore, #tpu.memory_space<semaphore_mem>> -> memref<1x!tpu.dma_semaphore, #tpu.memory_space<semaphore_mem>>
      %dma_wait3A_247 = tpu.memref_squeeze %dma_wait3A_246 : memref<1x!tpu.dma_semaphore, #tpu.memory_space<semaphore_mem>> -> memref<!tpu.dma_semaphore, #tpu.memory_space<semaphore_mem>>
      tpu.wait_indirect_dma semaphore(%dma_wait3A_247 : memref<!tpu.dma_semaphore, #tpu.memory_space<semaphore_mem>>) src(%dma_wait3A_245 : memref<10240x16xf32, #tpu.memory_space<vmem_shared>>) dst(%dma_wait3A_239 : memref<80x16xf32, #tpu.memory_space<vmem>>)
      %add3A_248 = arith.constant 4 : i32
      %add3A_249 = arith.addi %mul3A_104, %add3A_248 : i32
      %dma_start3A_250 = arith.constant 4 : i32
      %dma_start3A_251 = arith.constant 4 : i32
      %dma_start3A_252 = arith.constant 0 : i32
      %dma_start3A_253 = arith.constant 0 : i32
      %dma_start3A_254 = tpu.memref_slice %arg7[%dma_start3A_250, %dma_start3A_252, %dma_start3A_253] : memref<5x80x16xf32, #tpu.memory_space<vmem>> -> memref<1x80x16xf32, #tpu.memory_space<vmem>>
      %dma_start3A_255 = tpu.memref_squeeze %dma_start3A_254 : memref<1x80x16xf32, #tpu.memory_space<vmem>> -> memref<80x16xf32, #tpu.memory_space<vmem>>
      %dma_start3A_256 = arith.constant 0 : i32
      %dma_start3A_257 = tpu.memref_slice %arg6[%add3A_249, %dma_start3A_256] : memref<125x80xi32, #tpu.memory_space<vmem>> -> memref<1x80xi32, #tpu.memory_space<vmem>>
      %dma_start3A_258 = tpu.memref_squeeze %dma_start3A_257 : memref<1x80xi32, #tpu.memory_space<vmem>> -> memref<80xi32, #tpu.memory_space<vmem>>
      %dma_start3A_259 = arith.constant 0 : i32
      %dma_start3A_260 = arith.constant 0 : i32
      %dma_start3A_261 = tpu.memref_slice %arg9[%dma_start3A_259, %dma_start3A_260] : memref<10240x16xf32, #tpu.memory_space<vmem_shared>> -> memref<10240x16xf32, #tpu.memory_space<vmem_shared>>
      %dma_start3A_262 = tpu.memref_slice %arg12[%dma_start3A_251] : memref<5x!tpu.dma_semaphore, #tpu.memory_space<semaphore_mem>> -> memref<1x!tpu.dma_semaphore, #tpu.memory_space<semaphore_mem>>
      %dma_start3A_263 = tpu.memref_squeeze %dma_start3A_262 : memref<1x!tpu.dma_semaphore, #tpu.memory_space<semaphore_mem>> -> memref<!tpu.dma_semaphore, #tpu.memory_space<semaphore_mem>>
      tpu.enqueue_indirect_dma source(%dma_start3A_255 : memref<80x16xf32, #tpu.memory_space<vmem>>) target(%dma_start3A_261 : memref<10240x16xf32, #tpu.memory_space<vmem_shared>>) offsets(%dma_start3A_258 : memref<80xi32, #tpu.memory_space<vmem>>) semaphore(%dma_start3A_263 : memref<!tpu.dma_semaphore, #tpu.memory_space<semaphore_mem>>) {add = true}
      %add3A_264 = arith.constant 0 : i32
      %add3A_265 = arith.addi %mul3A_104, %add3A_264 : i32
      %dma_wait3A_266 = arith.constant 0 : i32
      %dma_wait3A_267 = arith.constant 0 : i32
      %dma_wait3A_268 = arith.constant 0 : i32
      %dma_wait3A_269 = arith.constant 0 : i32
      %dma_wait3A_270 = tpu.memref_slice %arg7[%dma_wait3A_266, %dma_wait3A_268, %dma_wait3A_269] : memref<5x80x16xf32, #tpu.memory_space<vmem>> -> memref<1x80x16xf32, #tpu.memory_space<vmem>>
      %dma_wait3A_271 = tpu.memref_squeeze %dma_wait3A_270 : memref<1x80x16xf32, #tpu.memory_space<vmem>> -> memref<80x16xf32, #tpu.memory_space<vmem>>
      %dma_wait3A_272 = arith.constant 0 : i32
      %dma_wait3A_273 = tpu.memref_slice %arg6[%add3A_265, %dma_wait3A_272] : memref<125x80xi32, #tpu.memory_space<vmem>> -> memref<1x80xi32, #tpu.memory_space<vmem>>
      %dma_wait3A_274 = tpu.memref_squeeze %dma_wait3A_273 : memref<1x80xi32, #tpu.memory_space<vmem>> -> memref<80xi32, #tpu.memory_space<vmem>>
      %dma_wait3A_275 = arith.constant 0 : i32
      %dma_wait3A_276 = arith.constant 0 : i32
      %dma_wait3A_277 = tpu.memref_slice %arg9[%dma_wait3A_275, %dma_wait3A_276] : memref<10240x16xf32, #tpu.memory_space<vmem_shared>> -> memref<10240x16xf32, #tpu.memory_space<vmem_shared>>
      %dma_wait3A_278 = tpu.memref_slice %arg12[%dma_wait3A_267] : memref<5x!tpu.dma_semaphore, #tpu.memory_space<semaphore_mem>> -> memref<1x!tpu.dma_semaphore, #tpu.memory_space<semaphore_mem>>
      %dma_wait3A_279 = tpu.memref_squeeze %dma_wait3A_278 : memref<1x!tpu.dma_semaphore, #tpu.memory_space<semaphore_mem>> -> memref<!tpu.dma_semaphore, #tpu.memory_space<semaphore_mem>>
      tpu.wait_indirect_dma semaphore(%dma_wait3A_279 : memref<!tpu.dma_semaphore, #tpu.memory_space<semaphore_mem>>) src(%dma_wait3A_271 : memref<80x16xf32, #tpu.memory_space<vmem>>) dst(%dma_wait3A_277 : memref<10240x16xf32, #tpu.memory_space<vmem_shared>>)
      %lt3A = arith.constant 24 : i32
      %lt3A_280 = arith.cmpi slt, %scan3A_101, %lt3A : i32
      %convert_element_type3A = arith.extui %lt3A_280 : i1 to i32
      %cond3A = arith.constant 0 : i32
      %cond3A_281 = arith.cmpi ne, %convert_element_type3A, %cond3A : i32
      scf.if %cond3A_281 {
        %add3A_367 = arith.constant 5 : i32
        %add3A_368 = arith.addi %mul3A_104, %add3A_367 : i32
        %add3A_369 = arith.constant 0 : i32
        %add3A_370 = arith.addi %add3A_368, %add3A_369 : i32
        %dma_start3A_371 = arith.constant 0 : i32
        %dma_start3A_372 = arith.constant 0 : i32
        %dma_start3A_373 = arith.constant 0 : i32
        %dma_start3A_374 = arith.constant 0 : i32
        %dma_start3A_375 = tpu.memref_slice %arg7[%dma_start3A_371, %dma_start3A_373, %dma_start3A_374] : memref<5x80x16xf32, #tpu.memory_space<vmem>> -> memref<1x80x16xf32, #tpu.memory_space<vmem>>
        %dma_start3A_376 = tpu.memref_squeeze %dma_start3A_375 : memref<1x80x16xf32, #tpu.memory_space<vmem>> -> memref<80x16xf32, #tpu.memory_space<vmem>>
        %dma_start3A_377 = arith.constant 0 : i32
        %dma_start3A_378 = tpu.memref_slice %arg5[%add3A_370, %dma_start3A_377] : memref<125x80xi32, #tpu.memory_space<vmem>> -> memref<1x80xi32, #tpu.memory_space<vmem>>
        %dma_start3A_379 = tpu.memref_squeeze %dma_start3A_378 : memref<1x80xi32, #tpu.memory_space<vmem>> -> memref<80xi32, #tpu.memory_space<vmem>>
        %dma_start3A_380 = arith.constant 0 : i32
        %dma_start3A_381 = arith.constant 0 : i32
        %dma_start3A_382 = tpu.memref_slice %arg10[%dma_start3A_380, %dma_start3A_381] : memref<10240x16xf32, #tpu.memory_space<vmem_shared>> -> memref<10240x16xf32, #tpu.memory_space<vmem_shared>>
        %dma_start3A_383 = tpu.memref_slice %arg11[%dma_start3A_372] : memref<5x!tpu.dma_semaphore, #tpu.memory_space<semaphore_mem>> -> memref<1x!tpu.dma_semaphore, #tpu.memory_space<semaphore_mem>>
        %dma_start3A_384 = tpu.memref_squeeze %dma_start3A_383 : memref<1x!tpu.dma_semaphore, #tpu.memory_space<semaphore_mem>> -> memref<!tpu.dma_semaphore, #tpu.memory_space<semaphore_mem>>
        tpu.enqueue_indirect_dma source(%dma_start3A_382 : memref<10240x16xf32, #tpu.memory_space<vmem_shared>>) target(%dma_start3A_376 : memref<80x16xf32, #tpu.memory_space<vmem>>) offsets(%dma_start3A_379 : memref<80xi32, #tpu.memory_space<vmem>>) semaphore(%dma_start3A_384 : memref<!tpu.dma_semaphore, #tpu.memory_space<semaphore_mem>>)
      } else {
      }
      %add3A_282 = arith.constant 1 : i32
      %add3A_283 = arith.addi %mul3A_104, %add3A_282 : i32
      %dma_wait3A_284 = arith.constant 1 : i32
      %dma_wait3A_285 = arith.constant 1 : i32
      %dma_wait3A_286 = arith.constant 0 : i32
      %dma_wait3A_287 = arith.constant 0 : i32
      %dma_wait3A_288 = tpu.memref_slice %arg7[%dma_wait3A_284, %dma_wait3A_286, %dma_wait3A_287] : memref<5x80x16xf32, #tpu.memory_space<vmem>> -> memref<1x80x16xf32, #tpu.memory_space<vmem>>
      %dma_wait3A_289 = tpu.memref_squeeze %dma_wait3A_288 : memref<1x80x16xf32, #tpu.memory_space<vmem>> -> memref<80x16xf32, #tpu.memory_space<vmem>>
      %dma_wait3A_290 = arith.constant 0 : i32
      %dma_wait3A_291 = tpu.memref_slice %arg6[%add3A_283, %dma_wait3A_290] : memref<125x80xi32, #tpu.memory_space<vmem>> -> memref<1x80xi32, #tpu.memory_space<vmem>>
      %dma_wait3A_292 = tpu.memref_squeeze %dma_wait3A_291 : memref<1x80xi32, #tpu.memory_space<vmem>> -> memref<80xi32, #tpu.memory_space<vmem>>
      %dma_wait3A_293 = arith.constant 0 : i32
      %dma_wait3A_294 = arith.constant 0 : i32
      %dma_wait3A_295 = tpu.memref_slice %arg9[%dma_wait3A_293, %dma_wait3A_294] : memref<10240x16xf32, #tpu.memory_space<vmem_shared>> -> memref<10240x16xf32, #tpu.memory_space<vmem_shared>>
      %dma_wait3A_296 = tpu.memref_slice %arg12[%dma_wait3A_285] : memref<5x!tpu.dma_semaphore, #tpu.memory_space<semaphore_mem>> -> memref<1x!tpu.dma_semaphore, #tpu.memory_space<semaphore_mem>>
      %dma_wait3A_297 = tpu.memref_squeeze %dma_wait3A_296 : memref<1x!tpu.dma_semaphore, #tpu.memory_space<semaphore_mem>> -> memref<!tpu.dma_semaphore, #tpu.memory_space<semaphore_mem>>
      tpu.wait_indirect_dma semaphore(%dma_wait3A_297 : memref<!tpu.dma_semaphore, #tpu.memory_space<semaphore_mem>>) src(%dma_wait3A_289 : memref<80x16xf32, #tpu.memory_space<vmem>>) dst(%dma_wait3A_295 : memref<10240x16xf32, #tpu.memory_space<vmem_shared>>)
      %lt3A_298 = arith.constant 24 : i32
      %lt3A_299 = arith.cmpi slt, %scan3A_101, %lt3A_298 : i32
      %convert_element_type3A_300 = arith.extui %lt3A_299 : i1 to i32
      %cond3A_301 = arith.constant 0 : i32
      %cond3A_302 = arith.cmpi ne, %convert_element_type3A_300, %cond3A_301 : i32
      scf.if %cond3A_302 {
        %add3A_367 = arith.constant 5 : i32
        %add3A_368 = arith.addi %mul3A_104, %add3A_367 : i32
        %add3A_369 = arith.constant 1 : i32
        %add3A_370 = arith.addi %add3A_368, %add3A_369 : i32
        %dma_start3A_371 = arith.constant 1 : i32
        %dma_start3A_372 = arith.constant 1 : i32
        %dma_start3A_373 = arith.constant 0 : i32
        %dma_start3A_374 = arith.constant 0 : i32
        %dma_start3A_375 = tpu.memref_slice %arg7[%dma_start3A_371, %dma_start3A_373, %dma_start3A_374] : memref<5x80x16xf32, #tpu.memory_space<vmem>> -> memref<1x80x16xf32, #tpu.memory_space<vmem>>
        %dma_start3A_376 = tpu.memref_squeeze %dma_start3A_375 : memref<1x80x16xf32, #tpu.memory_space<vmem>> -> memref<80x16xf32, #tpu.memory_space<vmem>>
        %dma_start3A_377 = arith.constant 0 : i32
        %dma_start3A_378 = tpu.memref_slice %arg5[%add3A_370, %dma_start3A_377] : memref<125x80xi32, #tpu.memory_space<vmem>> -> memref<1x80xi32, #tpu.memory_space<vmem>>
        %dma_start3A_379 = tpu.memref_squeeze %dma_start3A_378 : memref<1x80xi32, #tpu.memory_space<vmem>> -> memref<80xi32, #tpu.memory_space<vmem>>
        %dma_start3A_380 = arith.constant 0 : i32
        %dma_start3A_381 = arith.constant 0 : i32
        %dma_start3A_382 = tpu.memref_slice %arg10[%dma_start3A_380, %dma_start3A_381] : memref<10240x16xf32, #tpu.memory_space<vmem_shared>> -> memref<10240x16xf32, #tpu.memory_space<vmem_shared>>
        %dma_start3A_383 = tpu.memref_slice %arg11[%dma_start3A_372] : memref<5x!tpu.dma_semaphore, #tpu.memory_space<semaphore_mem>> -> memref<1x!tpu.dma_semaphore, #tpu.memory_space<semaphore_mem>>
        %dma_start3A_384 = tpu.memref_squeeze %dma_start3A_383 : memref<1x!tpu.dma_semaphore, #tpu.memory_space<semaphore_mem>> -> memref<!tpu.dma_semaphore, #tpu.memory_space<semaphore_mem>>
        tpu.enqueue_indirect_dma source(%dma_start3A_382 : memref<10240x16xf32, #tpu.memory_space<vmem_shared>>) target(%dma_start3A_376 : memref<80x16xf32, #tpu.memory_space<vmem>>) offsets(%dma_start3A_379 : memref<80xi32, #tpu.memory_space<vmem>>) semaphore(%dma_start3A_384 : memref<!tpu.dma_semaphore, #tpu.memory_space<semaphore_mem>>)
      } else {
      }
      %add3A_303 = arith.constant 2 : i32
      %add3A_304 = arith.addi %mul3A_104, %add3A_303 : i32
      %dma_wait3A_305 = arith.constant 2 : i32
      %dma_wait3A_306 = arith.constant 2 : i32
      %dma_wait3A_307 = arith.constant 0 : i32
      %dma_wait3A_308 = arith.constant 0 : i32
      %dma_wait3A_309 = tpu.memref_slice %arg7[%dma_wait3A_305, %dma_wait3A_307, %dma_wait3A_308] : memref<5x80x16xf32, #tpu.memory_space<vmem>> -> memref<1x80x16xf32, #tpu.memory_space<vmem>>
      %dma_wait3A_310 = tpu.memref_squeeze %dma_wait3A_309 : memref<1x80x16xf32, #tpu.memory_space<vmem>> -> memref<80x16xf32, #tpu.memory_space<vmem>>
      %dma_wait3A_311 = arith.constant 0 : i32
      %dma_wait3A_312 = tpu.memref_slice %arg6[%add3A_304, %dma_wait3A_311] : memref<125x80xi32, #tpu.memory_space<vmem>> -> memref<1x80xi32, #tpu.memory_space<vmem>>
      %dma_wait3A_313 = tpu.memref_squeeze %dma_wait3A_312 : memref<1x80xi32, #tpu.memory_space<vmem>> -> memref<80xi32, #tpu.memory_space<vmem>>
      %dma_wait3A_314 = arith.constant 0 : i32
      %dma_wait3A_315 = arith.constant 0 : i32
      %dma_wait3A_316 = tpu.memref_slice %arg9[%dma_wait3A_314, %dma_wait3A_315] : memref<10240x16xf32, #tpu.memory_space<vmem_shared>> -> memref<10240x16xf32, #tpu.memory_space<vmem_shared>>
      %dma_wait3A_317 = tpu.memref_slice %arg12[%dma_wait3A_306] : memref<5x!tpu.dma_semaphore, #tpu.memory_space<semaphore_mem>> -> memref<1x!tpu.dma_semaphore, #tpu.memory_space<semaphore_mem>>
      %dma_wait3A_318 = tpu.memref_squeeze %dma_wait3A_317 : memref<1x!tpu.dma_semaphore, #tpu.memory_space<semaphore_mem>> -> memref<!tpu.dma_semaphore, #tpu.memory_space<semaphore_mem>>
      tpu.wait_indirect_dma semaphore(%dma_wait3A_318 : memref<!tpu.dma_semaphore, #tpu.memory_space<semaphore_mem>>) src(%dma_wait3A_310 : memref<80x16xf32, #tpu.memory_space<vmem>>) dst(%dma_wait3A_316 : memref<10240x16xf32, #tpu.memory_space<vmem_shared>>)
      %lt3A_319 = arith.constant 24 : i32
      %lt3A_320 = arith.cmpi slt, %scan3A_101, %lt3A_319 : i32
      %convert_element_type3A_321 = arith.extui %lt3A_320 : i1 to i32
      %cond3A_322 = arith.constant 0 : i32
      %cond3A_323 = arith.cmpi ne, %convert_element_type3A_321, %cond3A_322 : i32
      scf.if %cond3A_323 {
        %add3A_367 = arith.constant 5 : i32
        %add3A_368 = arith.addi %mul3A_104, %add3A_367 : i32
        %add3A_369 = arith.constant 2 : i32
        %add3A_370 = arith.addi %add3A_368, %add3A_369 : i32
        %dma_start3A_371 = arith.constant 2 : i32
        %dma_start3A_372 = arith.constant 2 : i32
        %dma_start3A_373 = arith.constant 0 : i32
        %dma_start3A_374 = arith.constant 0 : i32
        %dma_start3A_375 = tpu.memref_slice %arg7[%dma_start3A_371, %dma_start3A_373, %dma_start3A_374] : memref<5x80x16xf32, #tpu.memory_space<vmem>> -> memref<1x80x16xf32, #tpu.memory_space<vmem>>
        %dma_start3A_376 = tpu.memref_squeeze %dma_start3A_375 : memref<1x80x16xf32, #tpu.memory_space<vmem>> -> memref<80x16xf32, #tpu.memory_space<vmem>>
        %dma_start3A_377 = arith.constant 0 : i32
        %dma_start3A_378 = tpu.memref_slice %arg5[%add3A_370, %dma_start3A_377] : memref<125x80xi32, #tpu.memory_space<vmem>> -> memref<1x80xi32, #tpu.memory_space<vmem>>
        %dma_start3A_379 = tpu.memref_squeeze %dma_start3A_378 : memref<1x80xi32, #tpu.memory_space<vmem>> -> memref<80xi32, #tpu.memory_space<vmem>>
        %dma_start3A_380 = arith.constant 0 : i32
        %dma_start3A_381 = arith.constant 0 : i32
        %dma_start3A_382 = tpu.memref_slice %arg10[%dma_start3A_380, %dma_start3A_381] : memref<10240x16xf32, #tpu.memory_space<vmem_shared>> -> memref<10240x16xf32, #tpu.memory_space<vmem_shared>>
        %dma_start3A_383 = tpu.memref_slice %arg11[%dma_start3A_372] : memref<5x!tpu.dma_semaphore, #tpu.memory_space<semaphore_mem>> -> memref<1x!tpu.dma_semaphore, #tpu.memory_space<semaphore_mem>>
        %dma_start3A_384 = tpu.memref_squeeze %dma_start3A_383 : memref<1x!tpu.dma_semaphore, #tpu.memory_space<semaphore_mem>> -> memref<!tpu.dma_semaphore, #tpu.memory_space<semaphore_mem>>
        tpu.enqueue_indirect_dma source(%dma_start3A_382 : memref<10240x16xf32, #tpu.memory_space<vmem_shared>>) target(%dma_start3A_376 : memref<80x16xf32, #tpu.memory_space<vmem>>) offsets(%dma_start3A_379 : memref<80xi32, #tpu.memory_space<vmem>>) semaphore(%dma_start3A_384 : memref<!tpu.dma_semaphore, #tpu.memory_space<semaphore_mem>>)
      } else {
      }
      %add3A_324 = arith.constant 3 : i32
      %add3A_325 = arith.addi %mul3A_104, %add3A_324 : i32
      %dma_wait3A_326 = arith.constant 3 : i32
      %dma_wait3A_327 = arith.constant 3 : i32
      %dma_wait3A_328 = arith.constant 0 : i32
      %dma_wait3A_329 = arith.constant 0 : i32
      %dma_wait3A_330 = tpu.memref_slice %arg7[%dma_wait3A_326, %dma_wait3A_328, %dma_wait3A_329] : memref<5x80x16xf32, #tpu.memory_space<vmem>> -> memref<1x80x16xf32, #tpu.memory_space<vmem>>
      %dma_wait3A_331 = tpu.memref_squeeze %dma_wait3A_330 : memref<1x80x16xf32, #tpu.memory_space<vmem>> -> memref<80x16xf32, #tpu.memory_space<vmem>>
      %dma_wait3A_332 = arith.constant 0 : i32
      %dma_wait3A_333 = tpu.memref_slice %arg6[%add3A_325, %dma_wait3A_332] : memref<125x80xi32, #tpu.memory_space<vmem>> -> memref<1x80xi32, #tpu.memory_space<vmem>>
      %dma_wait3A_334 = tpu.memref_squeeze %dma_wait3A_333 : memref<1x80xi32, #tpu.memory_space<vmem>> -> memref<80xi32, #tpu.memory_space<vmem>>
      %dma_wait3A_335 = arith.constant 0 : i32
      %dma_wait3A_336 = arith.constant 0 : i32
      %dma_wait3A_337 = tpu.memref_slice %arg9[%dma_wait3A_335, %dma_wait3A_336] : memref<10240x16xf32, #tpu.memory_space<vmem_shared>> -> memref<10240x16xf32, #tpu.memory_space<vmem_shared>>
      %dma_wait3A_338 = tpu.memref_slice %arg12[%dma_wait3A_327] : memref<5x!tpu.dma_semaphore, #tpu.memory_space<semaphore_mem>> -> memref<1x!tpu.dma_semaphore, #tpu.memory_space<semaphore_mem>>
      %dma_wait3A_339 = tpu.memref_squeeze %dma_wait3A_338 : memref<1x!tpu.dma_semaphore, #tpu.memory_space<semaphore_mem>> -> memref<!tpu.dma_semaphore, #tpu.memory_space<semaphore_mem>>
      tpu.wait_indirect_dma semaphore(%dma_wait3A_339 : memref<!tpu.dma_semaphore, #tpu.memory_space<semaphore_mem>>) src(%dma_wait3A_331 : memref<80x16xf32, #tpu.memory_space<vmem>>) dst(%dma_wait3A_337 : memref<10240x16xf32, #tpu.memory_space<vmem_shared>>)
      %lt3A_340 = arith.constant 24 : i32
      %lt3A_341 = arith.cmpi slt, %scan3A_101, %lt3A_340 : i32
      %convert_element_type3A_342 = arith.extui %lt3A_341 : i1 to i32
      %cond3A_343 = arith.constant 0 : i32
      %cond3A_344 = arith.cmpi ne, %convert_element_type3A_342, %cond3A_343 : i32
      scf.if %cond3A_344 {
        %add3A_367 = arith.constant 5 : i32
        %add3A_368 = arith.addi %mul3A_104, %add3A_367 : i32
        %add3A_369 = arith.constant 3 : i32
        %add3A_370 = arith.addi %add3A_368, %add3A_369 : i32
        %dma_start3A_371 = arith.constant 3 : i32
        %dma_start3A_372 = arith.constant 3 : i32
        %dma_start3A_373 = arith.constant 0 : i32
        %dma_start3A_374 = arith.constant 0 : i32
        %dma_start3A_375 = tpu.memref_slice %arg7[%dma_start3A_371, %dma_start3A_373, %dma_start3A_374] : memref<5x80x16xf32, #tpu.memory_space<vmem>> -> memref<1x80x16xf32, #tpu.memory_space<vmem>>
        %dma_start3A_376 = tpu.memref_squeeze %dma_start3A_375 : memref<1x80x16xf32, #tpu.memory_space<vmem>> -> memref<80x16xf32, #tpu.memory_space<vmem>>
        %dma_start3A_377 = arith.constant 0 : i32
        %dma_start3A_378 = tpu.memref_slice %arg5[%add3A_370, %dma_start3A_377] : memref<125x80xi32, #tpu.memory_space<vmem>> -> memref<1x80xi32, #tpu.memory_space<vmem>>
        %dma_start3A_379 = tpu.memref_squeeze %dma_start3A_378 : memref<1x80xi32, #tpu.memory_space<vmem>> -> memref<80xi32, #tpu.memory_space<vmem>>
        %dma_start3A_380 = arith.constant 0 : i32
        %dma_start3A_381 = arith.constant 0 : i32
        %dma_start3A_382 = tpu.memref_slice %arg10[%dma_start3A_380, %dma_start3A_381] : memref<10240x16xf32, #tpu.memory_space<vmem_shared>> -> memref<10240x16xf32, #tpu.memory_space<vmem_shared>>
        %dma_start3A_383 = tpu.memref_slice %arg11[%dma_start3A_372] : memref<5x!tpu.dma_semaphore, #tpu.memory_space<semaphore_mem>> -> memref<1x!tpu.dma_semaphore, #tpu.memory_space<semaphore_mem>>
        %dma_start3A_384 = tpu.memref_squeeze %dma_start3A_383 : memref<1x!tpu.dma_semaphore, #tpu.memory_space<semaphore_mem>> -> memref<!tpu.dma_semaphore, #tpu.memory_space<semaphore_mem>>
        tpu.enqueue_indirect_dma source(%dma_start3A_382 : memref<10240x16xf32, #tpu.memory_space<vmem_shared>>) target(%dma_start3A_376 : memref<80x16xf32, #tpu.memory_space<vmem>>) offsets(%dma_start3A_379 : memref<80xi32, #tpu.memory_space<vmem>>) semaphore(%dma_start3A_384 : memref<!tpu.dma_semaphore, #tpu.memory_space<semaphore_mem>>)
      } else {
      }
      %add3A_345 = arith.constant 4 : i32
      %add3A_346 = arith.addi %mul3A_104, %add3A_345 : i32
      %dma_wait3A_347 = arith.constant 4 : i32
      %dma_wait3A_348 = arith.constant 4 : i32
      %dma_wait3A_349 = arith.constant 0 : i32
      %dma_wait3A_350 = arith.constant 0 : i32
      %dma_wait3A_351 = tpu.memref_slice %arg7[%dma_wait3A_347, %dma_wait3A_349, %dma_wait3A_350] : memref<5x80x16xf32, #tpu.memory_space<vmem>> -> memref<1x80x16xf32, #tpu.memory_space<vmem>>
      %dma_wait3A_352 = tpu.memref_squeeze %dma_wait3A_351 : memref<1x80x16xf32, #tpu.memory_space<vmem>> -> memref<80x16xf32, #tpu.memory_space<vmem>>
      %dma_wait3A_353 = arith.constant 0 : i32
      %dma_wait3A_354 = tpu.memref_slice %arg6[%add3A_346, %dma_wait3A_353] : memref<125x80xi32, #tpu.memory_space<vmem>> -> memref<1x80xi32, #tpu.memory_space<vmem>>
      %dma_wait3A_355 = tpu.memref_squeeze %dma_wait3A_354 : memref<1x80xi32, #tpu.memory_space<vmem>> -> memref<80xi32, #tpu.memory_space<vmem>>
      %dma_wait3A_356 = arith.constant 0 : i32
      %dma_wait3A_357 = arith.constant 0 : i32
      %dma_wait3A_358 = tpu.memref_slice %arg9[%dma_wait3A_356, %dma_wait3A_357] : memref<10240x16xf32, #tpu.memory_space<vmem_shared>> -> memref<10240x16xf32, #tpu.memory_space<vmem_shared>>
      %dma_wait3A_359 = tpu.memref_slice %arg12[%dma_wait3A_348] : memref<5x!tpu.dma_semaphore, #tpu.memory_space<semaphore_mem>> -> memref<1x!tpu.dma_semaphore, #tpu.memory_space<semaphore_mem>>
      %dma_wait3A_360 = tpu.memref_squeeze %dma_wait3A_359 : memref<1x!tpu.dma_semaphore, #tpu.memory_space<semaphore_mem>> -> memref<!tpu.dma_semaphore, #tpu.memory_space<semaphore_mem>>
      tpu.wait_indirect_dma semaphore(%dma_wait3A_360 : memref<!tpu.dma_semaphore, #tpu.memory_space<semaphore_mem>>) src(%dma_wait3A_352 : memref<80x16xf32, #tpu.memory_space<vmem>>) dst(%dma_wait3A_358 : memref<10240x16xf32, #tpu.memory_space<vmem_shared>>)
      %lt3A_361 = arith.constant 24 : i32
      %lt3A_362 = arith.cmpi slt, %scan3A_101, %lt3A_361 : i32
      %convert_element_type3A_363 = arith.extui %lt3A_362 : i1 to i32
      %cond3A_364 = arith.constant 0 : i32
      %cond3A_365 = arith.cmpi ne, %convert_element_type3A_363, %cond3A_364 : i32
      scf.if %cond3A_365 {
        %add3A_367 = arith.constant 5 : i32
        %add3A_368 = arith.addi %mul3A_104, %add3A_367 : i32
        %add3A_369 = arith.constant 4 : i32
        %add3A_370 = arith.addi %add3A_368, %add3A_369 : i32
        %dma_start3A_371 = arith.constant 4 : i32
        %dma_start3A_372 = arith.constant 4 : i32
        %dma_start3A_373 = arith.constant 0 : i32
        %dma_start3A_374 = arith.constant 0 : i32
        %dma_start3A_375 = tpu.memref_slice %arg7[%dma_start3A_371, %dma_start3A_373, %dma_start3A_374] : memref<5x80x16xf32, #tpu.memory_space<vmem>> -> memref<1x80x16xf32, #tpu.memory_space<vmem>>
        %dma_start3A_376 = tpu.memref_squeeze %dma_start3A_375 : memref<1x80x16xf32, #tpu.memory_space<vmem>> -> memref<80x16xf32, #tpu.memory_space<vmem>>
        %dma_start3A_377 = arith.constant 0 : i32
        %dma_start3A_378 = tpu.memref_slice %arg5[%add3A_370, %dma_start3A_377] : memref<125x80xi32, #tpu.memory_space<vmem>> -> memref<1x80xi32, #tpu.memory_space<vmem>>
        %dma_start3A_379 = tpu.memref_squeeze %dma_start3A_378 : memref<1x80xi32, #tpu.memory_space<vmem>> -> memref<80xi32, #tpu.memory_space<vmem>>
        %dma_start3A_380 = arith.constant 0 : i32
        %dma_start3A_381 = arith.constant 0 : i32
        %dma_start3A_382 = tpu.memref_slice %arg10[%dma_start3A_380, %dma_start3A_381] : memref<10240x16xf32, #tpu.memory_space<vmem_shared>> -> memref<10240x16xf32, #tpu.memory_space<vmem_shared>>
        %dma_start3A_383 = tpu.memref_slice %arg11[%dma_start3A_372] : memref<5x!tpu.dma_semaphore, #tpu.memory_space<semaphore_mem>> -> memref<1x!tpu.dma_semaphore, #tpu.memory_space<semaphore_mem>>
        %dma_start3A_384 = tpu.memref_squeeze %dma_start3A_383 : memref<1x!tpu.dma_semaphore, #tpu.memory_space<semaphore_mem>> -> memref<!tpu.dma_semaphore, #tpu.memory_space<semaphore_mem>>
        tpu.enqueue_indirect_dma source(%dma_start3A_382 : memref<10240x16xf32, #tpu.memory_space<vmem_shared>>) target(%dma_start3A_376 : memref<80x16xf32, #tpu.memory_space<vmem>>) offsets(%dma_start3A_379 : memref<80xi32, #tpu.memory_space<vmem>>) semaphore(%dma_start3A_384 : memref<!tpu.dma_semaphore, #tpu.memory_space<semaphore_mem>>)
      } else {
      }
      %scan3A_366 = arith.constant 0 : i32
      scf.yield %scan3A_366 : i32
    }
    %scan3A_95 = arith.constant 25 : i32
    %barrier3A_96 = arith.constant 0 : index
    tpu.barrier barrier_id(%barrier3A_96)
    %mul3A_97 = arith.constant 640 : i32
    %mul3A_98 = arith.muli %arg1, %mul3A_97 : i32
    "tpu.region"() ({
      %run_scoped3A_101 = tpu.sem_alloc : memref<!tpu.dma_semaphore, #tpu.memory_space<semaphore_mem>>
      %dma_start3A_102 = arith.constant 0 : i32
      %dma_start3A_103 = tpu.memref_slice %arg9[%mul3A_98, %dma_start3A_102] : memref<10240x16xf32, #tpu.memory_space<vmem_shared>> -> memref<640x16xf32, #tpu.memory_space<vmem_shared>>
      %dma_start3A_104 = arith.constant 0 : i32
      %dma_start3A_105 = tpu.memref_slice %arg9[%mul3A_98, %dma_start3A_104] : memref<10240x16xf32, #tpu.memory_space<vmem_shared>> -> memref<640x16xf32, #tpu.memory_space<vmem_shared>>
      tpu.enqueue_dma source(%dma_start3A_105 : memref<640x16xf32, #tpu.memory_space<vmem_shared>>) target(%arg8 : memref<640x16xf32, #tpu.memory_space<vmem>>) target_semaphore(%run_scoped3A_101 : memref<!tpu.dma_semaphore, #tpu.memory_space<semaphore_mem>>)
      %dma_wait3A = arith.constant 0 : i32
      %dma_wait3A_106 = tpu.memref_slice %arg9[%mul3A_98, %dma_wait3A] : memref<10240x16xf32, #tpu.memory_space<vmem_shared>> -> memref<640x16xf32, #tpu.memory_space<vmem_shared>>
      %dma_wait3A_107 = arith.constant 0 : i32
      %dma_wait3A_108 = tpu.memref_slice %arg9[%mul3A_98, %dma_wait3A_107] : memref<10240x16xf32, #tpu.memory_space<vmem_shared>> -> memref<640x16xf32, #tpu.memory_space<vmem_shared>>
      tpu.wait_dma2 semaphore(%run_scoped3A_101 : memref<!tpu.dma_semaphore, #tpu.memory_space<semaphore_mem>>) src(%dma_wait3A_108 : memref<640x16xf32, #tpu.memory_space<vmem_shared>>) dst(%arg8 : memref<640x16xf32, #tpu.memory_space<vmem>>)
      tpu.yield
    }) : () -> ()
    %mul3A_99 = arith.constant 640 : i32
    %mul3A_100 = arith.muli %arg1, %mul3A_99 : i32
    "tpu.region"() ({
      %run_scoped3A_101 = tpu.sem_alloc : memref<!tpu.dma_semaphore, #tpu.memory_space<semaphore_mem>>
      %dma_start3A_102 = arith.constant 0 : i32
      %dma_start3A_103 = tpu.memref_slice %arg4[%arg0, %mul3A_100, %dma_start3A_102] : memref<2x10240x16xf32, #tpu.memory_space<hbm>> -> memref<1x640x16xf32, #tpu.memory_space<hbm>>
      %dma_start3A_104 = tpu.memref_squeeze %dma_start3A_103 : memref<1x640x16xf32, #tpu.memory_space<hbm>> -> memref<640x16xf32, #tpu.memory_space<hbm>>
      %dma_start3A_105 = arith.constant 0 : i32
      %dma_start3A_106 = tpu.memref_slice %arg4[%arg0, %mul3A_100, %dma_start3A_105] : memref<2x10240x16xf32, #tpu.memory_space<hbm>> -> memref<1x640x16xf32, #tpu.memory_space<hbm>>
      %dma_start3A_107 = tpu.memref_squeeze %dma_start3A_106 : memref<1x640x16xf32, #tpu.memory_space<hbm>> -> memref<640x16xf32, #tpu.memory_space<hbm>>
      tpu.enqueue_dma source(%arg8 : memref<640x16xf32, #tpu.memory_space<vmem>>) target(%dma_start3A_107 : memref<640x16xf32, #tpu.memory_space<hbm>>) target_semaphore(%run_scoped3A_101 : memref<!tpu.dma_semaphore, #tpu.memory_space<semaphore_mem>>)
      %dma_wait3A = arith.constant 0 : i32
      %dma_wait3A_108 = tpu.memref_slice %arg4[%arg0, %mul3A_100, %dma_wait3A] : memref<2x10240x16xf32, #tpu.memory_space<hbm>> -> memref<1x640x16xf32, #tpu.memory_space<hbm>>
      %dma_wait3A_109 = tpu.memref_squeeze %dma_wait3A_108 : memref<1x640x16xf32, #tpu.memory_space<hbm>> -> memref<640x16xf32, #tpu.memory_space<hbm>>
      %dma_wait3A_110 = arith.constant 0 : i32
      %dma_wait3A_111 = tpu.memref_slice %arg4[%arg0, %mul3A_100, %dma_wait3A_110] : memref<2x10240x16xf32, #tpu.memory_space<hbm>> -> memref<1x640x16xf32, #tpu.memory_space<hbm>>
      %dma_wait3A_112 = tpu.memref_squeeze %dma_wait3A_111 : memref<1x640x16xf32, #tpu.memory_space<hbm>> -> memref<640x16xf32, #tpu.memory_space<hbm>>
      tpu.wait_dma2 semaphore(%run_scoped3A_101 : memref<!tpu.dma_semaphore, #tpu.memory_space<semaphore_mem>>) src(%arg8 : memref<640x16xf32, #tpu.memory_space<vmem>>) dst(%dma_wait3A_112 : memref<640x16xf32, #tpu.memory_space<hbm>>)
      tpu.yield
    }) : () -> ()
    return
  }
}

#map = affine_map<(d0, d1) -> (0, 0)>
#map1 = affine_map<(d0, d1) -> (0, 0, 0, 0)>
#map2 = affine_map<(d0, d1) -> (0, 0, 0)>
module attributes {stable_mosaic.version = 14 : i64} {
  func.func @k(%arg0: i32, %arg1: i32, %arg2: memref<10240x16xf32, #tpu.memory_space<hbm>>, %arg3: memref<2x32x125x80xi32, #tpu.memory_space<hbm>>, %arg4: memref<2x10240x16xf32, #tpu.memory_space<hbm>>, %arg5: memref<125x80xi32, #tpu.memory_space<vmem>>, %arg6: memref<125x80xi32, #tpu.memory_space<vmem>>, %arg7: memref<5x80x16xf32, #tpu.memory_space<vmem>>, %arg8: memref<640x16xf32, #tpu.memory_space<vmem>>, %arg9: memref<10240x16xf32, #tpu.memory_space<vmem_shared>>, %arg10: memref<10240x16xf32, #tpu.memory_space<vmem_shared>>, %arg11: memref<5x!tpu.dma_semaphore, #tpu.memory_space<semaphore_mem>>, %arg12: memref<5x!tpu.dma_semaphore, #tpu.memory_space<semaphore_mem>>) attributes {dimension_semantics = [#tpu.dimension_semantics<core_parallel>, #tpu.dimension_semantics<subcore_parallel>], iteration_bounds = array<i64: 2, 16>, scalar_prefetch = 0 : i64, scratch_operands = 8 : i64, tpu.core_type = #tpu.core_type<sc_vector_subcore>, window_params = [{transform_indices = #map}, {transform_indices = #map1}, {transform_indices = #map2}]} {
    %mul3A = arith.constant 16 : i32
    %mul3A_0 = arith.muli %arg0, %mul3A : i32
    %add3A = arith.addi %mul3A_0, %arg1 : i32
    %broadcast_in_dim3A = arith.constant 0.000000e+00 : f32
    %broadcast_in_dim3A_1 = vector.broadcast %broadcast_in_dim3A : f32 to vector<16xf32>
    %scan3A = arith.constant 0 : i32
    %scan3A_2 = arith.constant 0 : i32
    %scan3A_3 = arith.constant 640 : i32
    %scan3A_4 = arith.addi %scan3A_2, %scan3A_3 : i32
    %scan3A_5 = arith.constant 1 : i32
    %scan3A_6 = scf.for %scan3A_101 = %scan3A_2 to %scan3A_4 step %scan3A_5 iter_args(%scan3A_102 = %scan3A) -> (i32)  : i32 {
      %swap3A = arith.index_cast %scan3A_101 : i32 to index
      %swap3A_103 = arith.constant 0 : index
      %swap3A_104 = tpu.vector_load %arg8[%swap3A, %swap3A_103] {strides = array<i32>} : memref<640x16xf32, #tpu.memory_space<vmem>>, vector<1x16xf32>,
      %swap3A_105 = vector.shape_cast %swap3A_104 : vector<1x16xf32> to vector<16xf32>
      %swap3A_106 = vector.shape_cast %broadcast_in_dim3A_1 : vector<16xf32> to vector<1x16xf32>
      tpu.vector_store %arg8[%swap3A, %swap3A_103], %swap3A_106 {strides = array<i32>} : memref<640x16xf32, #tpu.memory_space<vmem>>, vector<1x16xf32>,
      %scan3A_107 = arith.constant 0 : i32
      scf.yield %scan3A_107 : i32
    }
    %scan3A_7 = arith.constant 640 : i32
    %mul3A_8 = arith.constant 640 : i32
    %mul3A_9 = arith.muli %arg1, %mul3A_8 : i32
    "tpu.region"() ({
      %run_scoped3A_101 = tpu.sem_alloc : memref<!tpu.dma_semaphore, #tpu.memory_space<semaphore_mem>>
      %dma_start3A_102 = arith.constant 0 : i32
      %dma_start3A_103 = tpu.memref_slice %arg9[%mul3A_9, %dma_start3A_102] : memref<10240x16xf32, #tpu.memory_space<vmem_shared>> -> memref<640x16xf32, #tpu.memory_space<vmem_shared>>
      %dma_start3A_104 = arith.constant 0 : i32
      %dma_start3A_105 = tpu.memref_slice %arg9[%mul3A_9, %dma_start3A_104] : memref<10240x16xf32, #tpu.memory_space<vmem_shared>> -> memref<640x16xf32, #tpu.memory_space<vmem_shared>>
      tpu.enqueue_dma source(%arg8 : memref<640x16xf32, #tpu.memory_space<vmem>>) target(%dma_start3A_105 : memref<640x16xf32, #tpu.memory_space<vmem_shared>>) target_semaphore(%run_scoped3A_101 : memref<!tpu.dma_semaphore, #tpu.memory_space<semaphore_mem>>)
      %dma_wait3A = arith.constant 0 : i32
      %dma_wait3A_106 = tpu.memref_slice %arg9[%mul3A_9, %dma_wait3A] : memref<10240x16xf32, #tpu.memory_space<vmem_shared>> -> memref<640x16xf32, #tpu.memory_space<vmem_shared>>
      %dma_wait3A_107 = arith.constant 0 : i32
      %dma_wait3A_108 = tpu.memref_slice %arg9[%mul3A_9, %dma_wait3A_107] : memref<10240x16xf32, #tpu.memory_space<vmem_shared>> -> memref<640x16xf32, #tpu.memory_space<vmem_shared>>
      tpu.wait_dma2 semaphore(%run_scoped3A_101 : memref<!tpu.dma_semaphore, #tpu.memory_space<semaphore_mem>>) src(%arg8 : memref<640x16xf32, #tpu.memory_space<vmem>>) dst(%dma_wait3A_108 : memref<640x16xf32, #tpu.memory_space<vmem_shared>>)
      tpu.yield
    }) : () -> ()
    %mul3A_10 = arith.constant 640 : i32
    %mul3A_11 = arith.muli %arg1, %mul3A_10 : i32
    %mul3A_12 = arith.constant 640 : i32
    %mul3A_13 = arith.muli %arg1, %mul3A_12 : i32
    "tpu.region"() ({
      %run_scoped3A_101 = tpu.sem_alloc : memref<!tpu.dma_semaphore, #tpu.memory_space<semaphore_mem>>
      %dma_start3A_102 = arith.constant 0 : i32
      %dma_start3A_103 = tpu.memref_slice %arg10[%mul3A_13, %dma_start3A_102] : memref<10240x16xf32, #tpu.memory_space<vmem_shared>> -> memref<640x16xf32, #tpu.memory_space<vmem_shared>>
      %dma_start3A_104 = arith.constant 0 : i32
      %dma_start3A_105 = tpu.memref_slice %arg2[%mul3A_11, %dma_start3A_104] : memref<10240x16xf32, #tpu.memory_space<hbm>> -> memref<640x16xf32, #tpu.memory_space<hbm>>
      tpu.enqueue_dma source(%dma_start3A_105 : memref<640x16xf32, #tpu.memory_space<hbm>>) target(%dma_start3A_103 : memref<640x16xf32, #tpu.memory_space<vmem_shared>>) target_semaphore(%run_scoped3A_101 : memref<!tpu.dma_semaphore, #tpu.memory_space<semaphore_mem>>)
      %dma_wait3A = arith.constant 0 : i32
      %dma_wait3A_106 = tpu.memref_slice %arg10[%mul3A_13, %dma_wait3A] : memref<10240x16xf32, #tpu.memory_space<vmem_shared>> -> memref<640x16xf32, #tpu.memory_space<vmem_shared>>
      %dma_wait3A_107 = arith.constant 0 : i32
      %dma_wait3A_108 = tpu.memref_slice %arg2[%mul3A_11, %dma_wait3A_107] : memref<10240x16xf32, #tpu.memory_space<hbm>> -> memref<640x16xf32, #tpu.memory_space<hbm>>
      tpu.wait_dma2 semaphore(%run_scoped3A_101 : memref<!tpu.dma_semaphore, #tpu.memory_space<semaphore_mem>>) src(%dma_wait3A_108 : memref<640x16xf32, #tpu.memory_space<hbm>>) dst(%dma_wait3A_106 : memref<640x16xf32, #tpu.memory_space<vmem_shared>>)
      tpu.yield
    }) : () -> ()
    %barrier3A = arith.constant 0 : index
    tpu.barrier barrier_id(%barrier3A)
    %run_scoped3A = arith.constant 0 : i32
    "tpu.region"() ({
      %run_scoped3A_101 = tpu.sem_alloc : memref<!tpu.dma_semaphore, #tpu.memory_space<semaphore_mem>>
      %dma_start3A_102 = arith.constant 0 : i32
      %dma_start3A_103 = arith.constant 0 : i32
      %dma_start3A_104 = tpu.memref_slice %arg3[%run_scoped3A, %add3A, %dma_start3A_102, %dma_start3A_103] : memref<2x32x125x80xi32, #tpu.memory_space<hbm>> -> memref<1x1x125x80xi32, #tpu.memory_space<hbm>>
      %dma_start3A_105 = tpu.memref_squeeze %dma_start3A_104 : memref<1x1x125x80xi32, #tpu.memory_space<hbm>> -> memref<125x80xi32, #tpu.memory_space<hbm>>
      %dma_start3A_106 = arith.constant 0 : i32
      %dma_start3A_107 = arith.constant 0 : i32
      %dma_start3A_108 = tpu.memref_slice %arg3[%run_scoped3A, %add3A, %dma_start3A_106, %dma_start3A_107] : memref<2x32x125x80xi32, #tpu.memory_space<hbm>> -> memref<1x1x125x80xi32, #tpu.memory_space<hbm>>
      %dma_start3A_109 = tpu.memref_squeeze %dma_start3A_108 : memref<1x1x125x80xi32, #tpu.memory_space<hbm>> -> memref<125x80xi32, #tpu.memory_space<hbm>>
      tpu.enqueue_dma source(%dma_start3A_109 : memref<125x80xi32, #tpu.memory_space<hbm>>) target(%arg5 : memref<125x80xi32, #tpu.memory_space<vmem>>) target_semaphore(%run_scoped3A_101 : memref<!tpu.dma_semaphore, #tpu.memory_space<semaphore_mem>>)
      %dma_wait3A = arith.constant 0 : i32
      %dma_wait3A_110 = arith.constant 0 : i32
      %dma_wait3A_111 = tpu.memref_slice %arg3[%run_scoped3A, %add3A, %dma_wait3A, %dma_wait3A_110] : memref<2x32x125x80xi32, #tpu.memory_space<hbm>> -> memref<1x1x125x80xi32, #tpu.memory_space<hbm>>
      %dma_wait3A_112 = tpu.memref_squeeze %dma_wait3A_111 : memref<1x1x125x80xi32, #tpu.memory_space<hbm>> -> memref<125x80xi32, #tpu.memory_space<hbm>>
      %dma_wait3A_113 = arith.constant 0 : i32
      %dma_wait3A_114 = arith.constant 0 : i32
      %dma_wait3A_115 = tpu.memref_slice %arg3[%run_scoped3A, %add3A, %dma_wait3A_113, %dma_wait3A_114] : memref<2x32x125x80xi32, #tpu.memory_space<hbm>> -> memref<1x1x125x80xi32, #tpu.memory_space<hbm>>
      %dma_wait3A_116 = tpu.memref_squeeze %dma_wait3A_115 : memref<1x1x125x80xi32, #tpu.memory_space<hbm>> -> memref<125x80xi32, #tpu.memory_space<hbm>>
      tpu.wait_dma2 semaphore(%run_scoped3A_101 : memref<!tpu.dma_semaphore, #tpu.memory_space<semaphore_mem>>) src(%dma_wait3A_116 : memref<125x80xi32, #tpu.memory_space<hbm>>) dst(%arg5 : memref<125x80xi32, #tpu.memory_space<vmem>>)
      tpu.yield
    }) : () -> ()
    %run_scoped3A_14 = arith.constant 1 : i32
    "tpu.region"() ({
      %run_scoped3A_101 = tpu.sem_alloc : memref<!tpu.dma_semaphore, #tpu.memory_space<semaphore_mem>>
      %dma_start3A_102 = arith.constant 0 : i32
      %dma_start3A_103 = arith.constant 0 : i32
      %dma_start3A_104 = tpu.memref_slice %arg3[%run_scoped3A_14, %add3A, %dma_start3A_102, %dma_start3A_103] : memref<2x32x125x80xi32, #tpu.memory_space<hbm>> -> memref<1x1x125x80xi32, #tpu.memory_space<hbm>>
      %dma_start3A_105 = tpu.memref_squeeze %dma_start3A_104 : memref<1x1x125x80xi32, #tpu.memory_space<hbm>> -> memref<125x80xi32, #tpu.memory_space<hbm>>
      %dma_start3A_106 = arith.constant 0 : i32
      %dma_start3A_107 = arith.constant 0 : i32
      %dma_start3A_108 = tpu.memref_slice %arg3[%run_scoped3A_14, %add3A, %dma_start3A_106, %dma_start3A_107] : memref<2x32x125x80xi32, #tpu.memory_space<hbm>> -> memref<1x1x125x80xi32, #tpu.memory_space<hbm>>
      %dma_start3A_109 = tpu.memref_squeeze %dma_start3A_108 : memref<1x1x125x80xi32, #tpu.memory_space<hbm>> -> memref<125x80xi32, #tpu.memory_space<hbm>>
      tpu.enqueue_dma source(%dma_start3A_109 : memref<125x80xi32, #tpu.memory_space<hbm>>) target(%arg6 : memref<125x80xi32, #tpu.memory_space<vmem>>) target_semaphore(%run_scoped3A_101 : memref<!tpu.dma_semaphore, #tpu.memory_space<semaphore_mem>>)
      %dma_wait3A = arith.constant 0 : i32
      %dma_wait3A_110 = arith.constant 0 : i32
      %dma_wait3A_111 = tpu.memref_slice %arg3[%run_scoped3A_14, %add3A, %dma_wait3A, %dma_wait3A_110] : memref<2x32x125x80xi32, #tpu.memory_space<hbm>> -> memref<1x1x125x80xi32, #tpu.memory_space<hbm>>
      %dma_wait3A_112 = tpu.memref_squeeze %dma_wait3A_111 : memref<1x1x125x80xi32, #tpu.memory_space<hbm>> -> memref<125x80xi32, #tpu.memory_space<hbm>>
      %dma_wait3A_113 = arith.constant 0 : i32
      %dma_wait3A_114 = arith.constant 0 : i32
      %dma_wait3A_115 = tpu.memref_slice %arg3[%run_scoped3A_14, %add3A, %dma_wait3A_113, %dma_wait3A_114] : memref<2x32x125x80xi32, #tpu.memory_space<hbm>> -> memref<1x1x125x80xi32, #tpu.memory_space<hbm>>
      %dma_wait3A_116 = tpu.memref_squeeze %dma_wait3A_115 : memref<1x1x125x80xi32, #tpu.memory_space<hbm>> -> memref<125x80xi32, #tpu.memory_space<hbm>>
      tpu.wait_dma2 semaphore(%run_scoped3A_101 : memref<!tpu.dma_semaphore, #tpu.memory_space<semaphore_mem>>) src(%dma_wait3A_116 : memref<125x80xi32, #tpu.memory_space<hbm>>) dst(%arg6 : memref<125x80xi32, #tpu.memory_space<vmem>>)
      tpu.yield
    }) : () -> ()
    %dma_start3A = arith.constant 0 : i32
    %dma_start3A_15 = arith.constant 0 : i32
    %dma_start3A_16 = arith.constant 0 : i32
    %dma_start3A_17 = arith.constant 0 : i32
    %dma_start3A_18 = arith.constant 0 : i32
    %dma_start3A_19 = tpu.memref_slice %arg7[%dma_start3A_15, %dma_start3A_17, %dma_start3A_18] : memref<5x80x16xf32, #tpu.memory_space<vmem>> -> memref<1x80x16xf32, #tpu.memory_space<vmem>>
    %dma_start3A_20 = tpu.memref_squeeze %dma_start3A_19 : memref<1x80x16xf32, #tpu.memory_space<vmem>> -> memref<80x16xf32, #tpu.memory_space<vmem>>
    %dma_start3A_21 = arith.constant 0 : i32
    %dma_start3A_22 = tpu.memref_slice %arg5[%dma_start3A, %dma_start3A_21] : memref<125x80xi32, #tpu.memory_space<vmem>> -> memref<1x80xi32, #tpu.memory_space<vmem>>
    %dma_start3A_23 = tpu.memref_squeeze %dma_start3A_22 : memref<1x80xi32, #tpu.memory_space<vmem>> -> memref<80xi32, #tpu.memory_space<vmem>>
    %dma_start3A_24 = arith.constant 0 : i32
    %dma_start3A_25 = arith.constant 0 : i32
    %dma_start3A_26 = tpu.memref_slice %arg10[%dma_start3A_24, %dma_start3A_25] : memref<10240x16xf32, #tpu.memory_space<vmem_shared>> -> memref<10240x16xf32, #tpu.memory_space<vmem_shared>>
    %dma_start3A_27 = tpu.memref_slice %arg11[%dma_start3A_16] : memref<5x!tpu.dma_semaphore, #tpu.memory_space<semaphore_mem>> -> memref<1x!tpu.dma_semaphore, #tpu.memory_space<semaphore_mem>>
    %dma_start3A_28 = tpu.memref_squeeze %dma_start3A_27 : memref<1x!tpu.dma_semaphore, #tpu.memory_space<semaphore_mem>> -> memref<!tpu.dma_semaphore, #tpu.memory_space<semaphore_mem>>
    tpu.enqueue_indirect_dma source(%dma_start3A_26 : memref<10240x16xf32, #tpu.memory_space<vmem_shared>>) target(%dma_start3A_20 : memref<80x16xf32, #tpu.memory_space<vmem>>) offsets(%dma_start3A_23 : memref<80xi32, #tpu.memory_space<vmem>>) semaphore(%dma_start3A_28 : memref<!tpu.dma_semaphore, #tpu.memory_space<semaphore_mem>>)
    %dma_start3A_29 = arith.constant 1 : i32
    %dma_start3A_30 = arith.constant 1 : i32
    %dma_start3A_31 = arith.constant 1 : i32
    %dma_start3A_32 = arith.constant 0 : i32
    %dma_start3A_33 = arith.constant 0 : i32
    %dma_start3A_34 = tpu.memref_slice %arg7[%dma_start3A_30, %dma_start3A_32, %dma_start3A_33] : memref<5x80x16xf32, #tpu.memory_space<vmem>> -> memref<1x80x16xf32, #tpu.memory_space<vmem>>
    %dma_start3A_35 = tpu.memref_squeeze %dma_start3A_34 : memref<1x80x16xf32, #tpu.memory_space<vmem>> -> memref<80x16xf32, #tpu.memory_space<vmem>>
    %dma_start3A_36 = arith.constant 0 : i32
    %dma_start3A_37 = tpu.memref_slice %arg5[%dma_start3A_29, %dma_start3A_36] : memref<125x80xi32, #tpu.memory_space<vmem>> -> memref<1x80xi32, #tpu.memory_space<vmem>>
    %dma_start3A_38 = tpu.memref_squeeze %dma_start3A_37 : memref<1x80xi32, #tpu.memory_space<vmem>> -> memref<80xi32, #tpu.memory_space<vmem>>
    %dma_start3A_39 = arith.constant 0 : i32
    %dma_start3A_40 = arith.constant 0 : i32
    %dma_start3A_41 = tpu.memref_slice %arg10[%dma_start3A_39, %dma_start3A_40] : memref<10240x16xf32, #tpu.memory_space<vmem_shared>> -> memref<10240x16xf32, #tpu.memory_space<vmem_shared>>
    %dma_start3A_42 = tpu.memref_slice %arg11[%dma_start3A_31] : memref<5x!tpu.dma_semaphore, #tpu.memory_space<semaphore_mem>> -> memref<1x!tpu.dma_semaphore, #tpu.memory_space<semaphore_mem>>
    %dma_start3A_43 = tpu.memref_squeeze %dma_start3A_42 : memref<1x!tpu.dma_semaphore, #tpu.memory_space<semaphore_mem>> -> memref<!tpu.dma_semaphore, #tpu.memory_space<semaphore_mem>>
    tpu.enqueue_indirect_dma source(%dma_start3A_41 : memref<10240x16xf32, #tpu.memory_space<vmem_shared>>) target(%dma_start3A_35 : memref<80x16xf32, #tpu.memory_space<vmem>>) offsets(%dma_start3A_38 : memref<80xi32, #tpu.memory_space<vmem>>) semaphore(%dma_start3A_43 : memref<!tpu.dma_semaphore, #tpu.memory_space<semaphore_mem>>)
    %dma_start3A_44 = arith.constant 2 : i32
    %dma_start3A_45 = arith.constant 2 : i32
    %dma_start3A_46 = arith.constant 2 : i32
    %dma_start3A_47 = arith.constant 0 : i32
    %dma_start3A_48 = arith.constant 0 : i32
    %dma_start3A_49 = tpu.memref_slice %arg7[%dma_start3A_45, %dma_start3A_47, %dma_start3A_48] : memref<5x80x16xf32, #tpu.memory_space<vmem>> -> memref<1x80x16xf32, #tpu.memory_space<vmem>>
    %dma_start3A_50 = tpu.memref_squeeze %dma_start3A_49 : memref<1x80x16xf32, #tpu.memory_space<vmem>> -> memref<80x16xf32, #tpu.memory_space<vmem>>
    %dma_start3A_51 = arith.constant 0 : i32
    %dma_start3A_52 = tpu.memref_slice %arg5[%dma_start3A_44, %dma_start3A_51] : memref<125x80xi32, #tpu.memory_space<vmem>> -> memref<1x80xi32, #tpu.memory_space<vmem>>
    %dma_start3A_53 = tpu.memref_squeeze %dma_start3A_52 : memref<1x80xi32, #tpu.memory_space<vmem>> -> memref<80xi32, #tpu.memory_space<vmem>>
    %dma_start3A_54 = arith.constant 0 : i32
    %dma_start3A_55 = arith.constant 0 : i32
    %dma_start3A_56 = tpu.memref_slice %arg10[%dma_start3A_54, %dma_start3A_55] : memref<10240x16xf32, #tpu.memory_space<vmem_shared>> -> memref<10240x16xf32, #tpu.memory_space<vmem_shared>>
    %dma_start3A_57 = tpu.memref_slice %arg11[%dma_start3A_46] : memref<5x!tpu.dma_semaphore, #tpu.memory_space<semaphore_mem>> -> memref<1x!tpu.dma_semaphore, #tpu.memory_space<semaphore_mem>>
    %dma_start3A_58 = tpu.memref_squeeze %dma_start3A_57 : memref<1x!tpu.dma_semaphore, #tpu.memory_space<semaphore_mem>> -> memref<!tpu.dma_semaphore, #tpu.memory_space<semaphore_mem>>
    tpu.enqueue_indirect_dma source(%dma_start3A_56 : memref<10240x16xf32, #tpu.memory_space<vmem_shared>>) target(%dma_start3A_50 : memref<80x16xf32, #tpu.memory_space<vmem>>) offsets(%dma_start3A_53 : memref<80xi32, #tpu.memory_space<vmem>>) semaphore(%dma_start3A_58 : memref<!tpu.dma_semaphore, #tpu.memory_space<semaphore_mem>>)
    %dma_start3A_59 = arith.constant 3 : i32
    %dma_start3A_60 = arith.constant 3 : i32
    %dma_start3A_61 = arith.constant 3 : i32
    %dma_start3A_62 = arith.constant 0 : i32
    %dma_start3A_63 = arith.constant 0 : i32
    %dma_start3A_64 = tpu.memref_slice %arg7[%dma_start3A_60, %dma_start3A_62, %dma_start3A_63] : memref<5x80x16xf32, #tpu.memory_space<vmem>> -> memref<1x80x16xf32, #tpu.memory_space<vmem>>
    %dma_start3A_65 = tpu.memref_squeeze %dma_start3A_64 : memref<1x80x16xf32, #tpu.memory_space<vmem>> -> memref<80x16xf32, #tpu.memory_space<vmem>>
    %dma_start3A_66 = arith.constant 0 : i32
    %dma_start3A_67 = tpu.memref_slice %arg5[%dma_start3A_59, %dma_start3A_66] : memref<125x80xi32, #tpu.memory_space<vmem>> -> memref<1x80xi32, #tpu.memory_space<vmem>>
    %dma_start3A_68 = tpu.memref_squeeze %dma_start3A_67 : memref<1x80xi32, #tpu.memory_space<vmem>> -> memref<80xi32, #tpu.memory_space<vmem>>
    %dma_start3A_69 = arith.constant 0 : i32
    %dma_start3A_70 = arith.constant 0 : i32
    %dma_start3A_71 = tpu.memref_slice %arg10[%dma_start3A_69, %dma_start3A_70] : memref<10240x16xf32, #tpu.memory_space<vmem_shared>> -> memref<10240x16xf32, #tpu.memory_space<vmem_shared>>
    %dma_start3A_72 = tpu.memref_slice %arg11[%dma_start3A_61] : memref<5x!tpu.dma_semaphore, #tpu.memory_space<semaphore_mem>> -> memref<1x!tpu.dma_semaphore, #tpu.memory_space<semaphore_mem>>
    %dma_start3A_73 = tpu.memref_squeeze %dma_start3A_72 : memref<1x!tpu.dma_semaphore, #tpu.memory_space<semaphore_mem>> -> memref<!tpu.dma_semaphore, #tpu.memory_space<semaphore_mem>>
    tpu.enqueue_indirect_dma source(%dma_start3A_71 : memref<10240x16xf32, #tpu.memory_space<vmem_shared>>) target(%dma_start3A_65 : memref<80x16xf32, #tpu.memory_space<vmem>>) offsets(%dma_start3A_68 : memref<80xi32, #tpu.memory_space<vmem>>) semaphore(%dma_start3A_73 : memref<!tpu.dma_semaphore, #tpu.memory_space<semaphore_mem>>)
    %dma_start3A_74 = arith.constant 4 : i32
    %dma_start3A_75 = arith.constant 4 : i32
    %dma_start3A_76 = arith.constant 4 : i32
    %dma_start3A_77 = arith.constant 0 : i32
    %dma_start3A_78 = arith.constant 0 : i32
    %dma_start3A_79 = tpu.memref_slice %arg7[%dma_start3A_75, %dma_start3A_77, %dma_start3A_78] : memref<5x80x16xf32, #tpu.memory_space<vmem>> -> memref<1x80x16xf32, #tpu.memory_space<vmem>>
    %dma_start3A_80 = tpu.memref_squeeze %dma_start3A_79 : memref<1x80x16xf32, #tpu.memory_space<vmem>> -> memref<80x16xf32, #tpu.memory_space<vmem>>
    %dma_start3A_81 = arith.constant 0 : i32
    %dma_start3A_82 = tpu.memref_slice %arg5[%dma_start3A_74, %dma_start3A_81] : memref<125x80xi32, #tpu.memory_space<vmem>> -> memref<1x80xi32, #tpu.memory_space<vmem>>
    %dma_start3A_83 = tpu.memref_squeeze %dma_start3A_82 : memref<1x80xi32, #tpu.memory_space<vmem>> -> memref<80xi32, #tpu.memory_space<vmem>>
    %dma_start3A_84 = arith.constant 0 : i32
    %dma_start3A_85 = arith.constant 0 : i32
    %dma_start3A_86 = tpu.memref_slice %arg10[%dma_start3A_84, %dma_start3A_85] : memref<10240x16xf32, #tpu.memory_space<vmem_shared>> -> memref<10240x16xf32, #tpu.memory_space<vmem_shared>>
    %dma_start3A_87 = tpu.memref_slice %arg11[%dma_start3A_76] : memref<5x!tpu.dma_semaphore, #tpu.memory_space<semaphore_mem>> -> memref<1x!tpu.dma_semaphore, #tpu.memory_space<semaphore_mem>>
    %dma_start3A_88 = tpu.memref_squeeze %dma_start3A_87 : memref<1x!tpu.dma_semaphore, #tpu.memory_space<semaphore_mem>> -> memref<!tpu.dma_semaphore, #tpu.memory_space<semaphore_mem>>
    tpu.enqueue_indirect_dma source(%dma_start3A_86 : memref<10240x16xf32, #tpu.memory_space<vmem_shared>>) target(%dma_start3A_80 : memref<80x16xf32, #tpu.memory_space<vmem>>) offsets(%dma_start3A_83 : memref<80xi32, #tpu.memory_space<vmem>>) semaphore(%dma_start3A_88 : memref<!tpu.dma_semaphore, #tpu.memory_space<semaphore_mem>>)
    %scan3A_89 = arith.constant 0 : i32
    %scan3A_90 = arith.constant 0 : i32
    %scan3A_91 = arith.constant 25 : i32
    %scan3A_92 = arith.addi %scan3A_90, %scan3A_91 : i32
    %scan3A_93 = arith.constant 1 : i32
    %scan3A_94 = scf.for %scan3A_101 = %scan3A_90 to %scan3A_92 step %scan3A_93 iter_args(%scan3A_102 = %scan3A_89) -> (i32)  : i32 {
      %mul3A_103 = arith.constant 5 : i32
      %mul3A_104 = arith.muli %scan3A_101, %mul3A_103 : i32
      %add3A_105 = arith.constant 0 : i32
      %add3A_106 = arith.addi %mul3A_104, %add3A_105 : i32
      %dma_wait3A = arith.constant 0 : i32
      %dma_wait3A_107 = arith.constant 0 : i32
      %dma_wait3A_108 = arith.constant 0 : i32
      %dma_wait3A_109 = arith.constant 0 : i32
      %dma_wait3A_110 = tpu.memref_slice %arg7[%dma_wait3A, %dma_wait3A_108, %dma_wait3A_109] : memref<5x80x16xf32, #tpu.memory_space<vmem>> -> memref<1x80x16xf32, #tpu.memory_space<vmem>>
      %dma_wait3A_111 = tpu.memref_squeeze %dma_wait3A_110 : memref<1x80x16xf32, #tpu.memory_space<vmem>> -> memref<80x16xf32, #tpu.memory_space<vmem>>
      %dma_wait3A_112 = arith.constant 0 : i32
      %dma_wait3A_113 = tpu.memref_slice %arg5[%add3A_106, %dma_wait3A_112] : memref<125x80xi32, #tpu.memory_space<vmem>> -> memref<1x80xi32, #tpu.memory_space<vmem>>
      %dma_wait3A_114 = tpu.memref_squeeze %dma_wait3A_113 : memref<1x80xi32, #tpu.memory_space<vmem>> -> memref<80xi32, #tpu.memory_space<vmem>>
      %dma_wait3A_115 = arith.constant 0 : i32
      %dma_wait3A_116 = arith.constant 0 : i32
      %dma_wait3A_117 = tpu.memref_slice %arg10[%dma_wait3A_115, %dma_wait3A_116] : memref<10240x16xf32, #tpu.memory_space<vmem_shared>> -> memref<10240x16xf32, #tpu.memory_space<vmem_shared>>
      %dma_wait3A_118 = tpu.memref_slice %arg11[%dma_wait3A_107] : memref<5x!tpu.dma_semaphore, #tpu.memory_space<semaphore_mem>> -> memref<1x!tpu.dma_semaphore, #tpu.memory_space<semaphore_mem>>
      %dma_wait3A_119 = tpu.memref_squeeze %dma_wait3A_118 : memref<1x!tpu.dma_semaphore, #tpu.memory_space<semaphore_mem>> -> memref<!tpu.dma_semaphore, #tpu.memory_space<semaphore_mem>>
      tpu.wait_indirect_dma semaphore(%dma_wait3A_119 : memref<!tpu.dma_semaphore, #tpu.memory_space<semaphore_mem>>) src(%dma_wait3A_117 : memref<10240x16xf32, #tpu.memory_space<vmem_shared>>) dst(%dma_wait3A_111 : memref<80x16xf32, #tpu.memory_space<vmem>>)
      %add3A_120 = arith.constant 0 : i32
      %add3A_121 = arith.addi %mul3A_104, %add3A_120 : i32
      %dma_start3A_122 = arith.constant 0 : i32
      %dma_start3A_123 = arith.constant 0 : i32
      %dma_start3A_124 = arith.constant 0 : i32
      %dma_start3A_125 = arith.constant 0 : i32
      %dma_start3A_126 = tpu.memref_slice %arg7[%dma_start3A_122, %dma_start3A_124, %dma_start3A_125] : memref<5x80x16xf32, #tpu.memory_space<vmem>> -> memref<1x80x16xf32, #tpu.memory_space<vmem>>
      %dma_start3A_127 = tpu.memref_squeeze %dma_start3A_126 : memref<1x80x16xf32, #tpu.memory_space<vmem>> -> memref<80x16xf32, #tpu.memory_space<vmem>>
      %dma_start3A_128 = arith.constant 0 : i32
      %dma_start3A_129 = tpu.memref_slice %arg6[%add3A_121, %dma_start3A_128] : memref<125x80xi32, #tpu.memory_space<vmem>> -> memref<1x80xi32, #tpu.memory_space<vmem>>
      %dma_start3A_130 = tpu.memref_squeeze %dma_start3A_129 : memref<1x80xi32, #tpu.memory_space<vmem>> -> memref<80xi32, #tpu.memory_space<vmem>>
      %dma_start3A_131 = arith.constant 0 : i32
      %dma_start3A_132 = arith.constant 0 : i32
      %dma_start3A_133 = tpu.memref_slice %arg9[%dma_start3A_131, %dma_start3A_132] : memref<10240x16xf32, #tpu.memory_space<vmem_shared>> -> memref<10240x16xf32, #tpu.memory_space<vmem_shared>>
      %dma_start3A_134 = tpu.memref_slice %arg12[%dma_start3A_123] : memref<5x!tpu.dma_semaphore, #tpu.memory_space<semaphore_mem>> -> memref<1x!tpu.dma_semaphore, #tpu.memory_space<semaphore_mem>>
      %dma_start3A_135 = tpu.memref_squeeze %dma_start3A_134 : memref<1x!tpu.dma_semaphore, #tpu.memory_space<semaphore_mem>> -> memref<!tpu.dma_semaphore, #tpu.memory_space<semaphore_mem>>
      tpu.enqueue_indirect_dma source(%dma_start3A_127 : memref<80x16xf32, #tpu.memory_space<vmem>>) target(%dma_start3A_133 : memref<10240x16xf32, #tpu.memory_space<vmem_shared>>) offsets(%dma_start3A_130 : memref<80xi32, #tpu.memory_space<vmem>>) semaphore(%dma_start3A_135 : memref<!tpu.dma_semaphore, #tpu.memory_space<semaphore_mem>>) {add = true}
      %add3A_136 = arith.constant 1 : i32
      %add3A_137 = arith.addi %mul3A_104, %add3A_136 : i32
      %dma_wait3A_138 = arith.constant 1 : i32
      %dma_wait3A_139 = arith.constant 1 : i32
      %dma_wait3A_140 = arith.constant 0 : i32
      %dma_wait3A_141 = arith.constant 0 : i32
      %dma_wait3A_142 = tpu.memref_slice %arg7[%dma_wait3A_138, %dma_wait3A_140, %dma_wait3A_141] : memref<5x80x16xf32, #tpu.memory_space<vmem>> -> memref<1x80x16xf32, #tpu.memory_space<vmem>>
      %dma_wait3A_143 = tpu.memref_squeeze %dma_wait3A_142 : memref<1x80x16xf32, #tpu.memory_space<vmem>> -> memref<80x16xf32, #tpu.memory_space<vmem>>
      %dma_wait3A_144 = arith.constant 0 : i32
      %dma_wait3A_145 = tpu.memref_slice %arg5[%add3A_137, %dma_wait3A_144] : memref<125x80xi32, #tpu.memory_space<vmem>> -> memref<1x80xi32, #tpu.memory_space<vmem>>
      %dma_wait3A_146 = tpu.memref_squeeze %dma_wait3A_145 : memref<1x80xi32, #tpu.memory_space<vmem>> -> memref<80xi32, #tpu.memory_space<vmem>>
      %dma_wait3A_147 = arith.constant 0 : i32
      %dma_wait3A_148 = arith.constant 0 : i32
      %dma_wait3A_149 = tpu.memref_slice %arg10[%dma_wait3A_147, %dma_wait3A_148] : memref<10240x16xf32, #tpu.memory_space<vmem_shared>> -> memref<10240x16xf32, #tpu.memory_space<vmem_shared>>
      %dma_wait3A_150 = tpu.memref_slice %arg11[%dma_wait3A_139] : memref<5x!tpu.dma_semaphore, #tpu.memory_space<semaphore_mem>> -> memref<1x!tpu.dma_semaphore, #tpu.memory_space<semaphore_mem>>
      %dma_wait3A_151 = tpu.memref_squeeze %dma_wait3A_150 : memref<1x!tpu.dma_semaphore, #tpu.memory_space<semaphore_mem>> -> memref<!tpu.dma_semaphore, #tpu.memory_space<semaphore_mem>>
      tpu.wait_indirect_dma semaphore(%dma_wait3A_151 : memref<!tpu.dma_semaphore, #tpu.memory_space<semaphore_mem>>) src(%dma_wait3A_149 : memref<10240x16xf32, #tpu.memory_space<vmem_shared>>) dst(%dma_wait3A_143 : memref<80x16xf32, #tpu.memory_space<vmem>>)
      %add3A_152 = arith.constant 1 : i32
      %add3A_153 = arith.addi %mul3A_104, %add3A_152 : i32
      %dma_start3A_154 = arith.constant 1 : i32
      %dma_start3A_155 = arith.constant 1 : i32
      %dma_start3A_156 = arith.constant 0 : i32
      %dma_start3A_157 = arith.constant 0 : i32
      %dma_start3A_158 = tpu.memref_slice %arg7[%dma_start3A_154, %dma_start3A_156, %dma_start3A_157] : memref<5x80x16xf32, #tpu.memory_space<vmem>> -> memref<1x80x16xf32, #tpu.memory_space<vmem>>
      %dma_start3A_159 = tpu.memref_squeeze %dma_start3A_158 : memref<1x80x16xf32, #tpu.memory_space<vmem>> -> memref<80x16xf32, #tpu.memory_space<vmem>>
      %dma_start3A_160 = arith.constant 0 : i32
      %dma_start3A_161 = tpu.memref_slice %arg6[%add3A_153, %dma_start3A_160] : memref<125x80xi32, #tpu.memory_space<vmem>> -> memref<1x80xi32, #tpu.memory_space<vmem>>
      %dma_start3A_162 = tpu.memref_squeeze %dma_start3A_161 : memref<1x80xi32, #tpu.memory_space<vmem>> -> memref<80xi32, #tpu.memory_space<vmem>>
      %dma_start3A_163 = arith.constant 0 : i32
      %dma_start3A_164 = arith.constant 0 : i32
      %dma_start3A_165 = tpu.memref_slice %arg9[%dma_start3A_163, %dma_start3A_164] : memref<10240x16xf32, #tpu.memory_space<vmem_shared>> -> memref<10240x16xf32, #tpu.memory_space<vmem_shared>>
      %dma_start3A_166 = tpu.memref_slice %arg12[%dma_start3A_155] : memref<5x!tpu.dma_semaphore, #tpu.memory_space<semaphore_mem>> -> memref<1x!tpu.dma_semaphore, #tpu.memory_space<semaphore_mem>>
      %dma_start3A_167 = tpu.memref_squeeze %dma_start3A_166 : memref<1x!tpu.dma_semaphore, #tpu.memory_space<semaphore_mem>> -> memref<!tpu.dma_semaphore, #tpu.memory_space<semaphore_mem>>
      tpu.enqueue_indirect_dma source(%dma_start3A_159 : memref<80x16xf32, #tpu.memory_space<vmem>>) target(%dma_start3A_165 : memref<10240x16xf32, #tpu.memory_space<vmem_shared>>) offsets(%dma_start3A_162 : memref<80xi32, #tpu.memory_space<vmem>>) semaphore(%dma_start3A_167 : memref<!tpu.dma_semaphore, #tpu.memory_space<semaphore_mem>>) {add = true}
      %add3A_168 = arith.constant 2 : i32
      %add3A_169 = arith.addi %mul3A_104, %add3A_168 : i32
      %dma_wait3A_170 = arith.constant 2 : i32
      %dma_wait3A_171 = arith.constant 2 : i32
      %dma_wait3A_172 = arith.constant 0 : i32
      %dma_wait3A_173 = arith.constant 0 : i32
      %dma_wait3A_174 = tpu.memref_slice %arg7[%dma_wait3A_170, %dma_wait3A_172, %dma_wait3A_173] : memref<5x80x16xf32, #tpu.memory_space<vmem>> -> memref<1x80x16xf32, #tpu.memory_space<vmem>>
      %dma_wait3A_175 = tpu.memref_squeeze %dma_wait3A_174 : memref<1x80x16xf32, #tpu.memory_space<vmem>> -> memref<80x16xf32, #tpu.memory_space<vmem>>
      %dma_wait3A_176 = arith.constant 0 : i32
      %dma_wait3A_177 = tpu.memref_slice %arg5[%add3A_169, %dma_wait3A_176] : memref<125x80xi32, #tpu.memory_space<vmem>> -> memref<1x80xi32, #tpu.memory_space<vmem>>
      %dma_wait3A_178 = tpu.memref_squeeze %dma_wait3A_177 : memref<1x80xi32, #tpu.memory_space<vmem>> -> memref<80xi32, #tpu.memory_space<vmem>>
      %dma_wait3A_179 = arith.constant 0 : i32
      %dma_wait3A_180 = arith.constant 0 : i32
      %dma_wait3A_181 = tpu.memref_slice %arg10[%dma_wait3A_179, %dma_wait3A_180] : memref<10240x16xf32, #tpu.memory_space<vmem_shared>> -> memref<10240x16xf32, #tpu.memory_space<vmem_shared>>
      %dma_wait3A_182 = tpu.memref_slice %arg11[%dma_wait3A_171] : memref<5x!tpu.dma_semaphore, #tpu.memory_space<semaphore_mem>> -> memref<1x!tpu.dma_semaphore, #tpu.memory_space<semaphore_mem>>
      %dma_wait3A_183 = tpu.memref_squeeze %dma_wait3A_182 : memref<1x!tpu.dma_semaphore, #tpu.memory_space<semaphore_mem>> -> memref<!tpu.dma_semaphore, #tpu.memory_space<semaphore_mem>>
      tpu.wait_indirect_dma semaphore(%dma_wait3A_183 : memref<!tpu.dma_semaphore, #tpu.memory_space<semaphore_mem>>) src(%dma_wait3A_181 : memref<10240x16xf32, #tpu.memory_space<vmem_shared>>) dst(%dma_wait3A_175 : memref<80x16xf32, #tpu.memory_space<vmem>>)
      %add3A_184 = arith.constant 2 : i32
      %add3A_185 = arith.addi %mul3A_104, %add3A_184 : i32
      %dma_start3A_186 = arith.constant 2 : i32
      %dma_start3A_187 = arith.constant 2 : i32
      %dma_start3A_188 = arith.constant 0 : i32
      %dma_start3A_189 = arith.constant 0 : i32
      %dma_start3A_190 = tpu.memref_slice %arg7[%dma_start3A_186, %dma_start3A_188, %dma_start3A_189] : memref<5x80x16xf32, #tpu.memory_space<vmem>> -> memref<1x80x16xf32, #tpu.memory_space<vmem>>
      %dma_start3A_191 = tpu.memref_squeeze %dma_start3A_190 : memref<1x80x16xf32, #tpu.memory_space<vmem>> -> memref<80x16xf32, #tpu.memory_space<vmem>>
      %dma_start3A_192 = arith.constant 0 : i32
      %dma_start3A_193 = tpu.memref_slice %arg6[%add3A_185, %dma_start3A_192] : memref<125x80xi32, #tpu.memory_space<vmem>> -> memref<1x80xi32, #tpu.memory_space<vmem>>
      %dma_start3A_194 = tpu.memref_squeeze %dma_start3A_193 : memref<1x80xi32, #tpu.memory_space<vmem>> -> memref<80xi32, #tpu.memory_space<vmem>>
      %dma_start3A_195 = arith.constant 0 : i32
      %dma_start3A_196 = arith.constant 0 : i32
      %dma_start3A_197 = tpu.memref_slice %arg9[%dma_start3A_195, %dma_start3A_196] : memref<10240x16xf32, #tpu.memory_space<vmem_shared>> -> memref<10240x16xf32, #tpu.memory_space<vmem_shared>>
      %dma_start3A_198 = tpu.memref_slice %arg12[%dma_start3A_187] : memref<5x!tpu.dma_semaphore, #tpu.memory_space<semaphore_mem>> -> memref<1x!tpu.dma_semaphore, #tpu.memory_space<semaphore_mem>>
      %dma_start3A_199 = tpu.memref_squeeze %dma_start3A_198 : memref<1x!tpu.dma_semaphore, #tpu.memory_space<semaphore_mem>> -> memref<!tpu.dma_semaphore, #tpu.memory_space<semaphore_mem>>
      tpu.enqueue_indirect_dma source(%dma_start3A_191 : memref<80x16xf32, #tpu.memory_space<vmem>>) target(%dma_start3A_197 : memref<10240x16xf32, #tpu.memory_space<vmem_shared>>) offsets(%dma_start3A_194 : memref<80xi32, #tpu.memory_space<vmem>>) semaphore(%dma_start3A_199 : memref<!tpu.dma_semaphore, #tpu.memory_space<semaphore_mem>>) {add = true}
      %add3A_200 = arith.constant 3 : i32
      %add3A_201 = arith.addi %mul3A_104, %add3A_200 : i32
      %dma_wait3A_202 = arith.constant 3 : i32
      %dma_wait3A_203 = arith.constant 3 : i32
      %dma_wait3A_204 = arith.constant 0 : i32
      %dma_wait3A_205 = arith.constant 0 : i32
      %dma_wait3A_206 = tpu.memref_slice %arg7[%dma_wait3A_202, %dma_wait3A_204, %dma_wait3A_205] : memref<5x80x16xf32, #tpu.memory_space<vmem>> -> memref<1x80x16xf32, #tpu.memory_space<vmem>>
      %dma_wait3A_207 = tpu.memref_squeeze %dma_wait3A_206 : memref<1x80x16xf32, #tpu.memory_space<vmem>> -> memref<80x16xf32, #tpu.memory_space<vmem>>
      %dma_wait3A_208 = arith.constant 0 : i32
      %dma_wait3A_209 = tpu.memref_slice %arg5[%add3A_201, %dma_wait3A_208] : memref<125x80xi32, #tpu.memory_space<vmem>> -> memref<1x80xi32, #tpu.memory_space<vmem>>
      %dma_wait3A_210 = tpu.memref_squeeze %dma_wait3A_209 : memref<1x80xi32, #tpu.memory_space<vmem>> -> memref<80xi32, #tpu.memory_space<vmem>>
      %dma_wait3A_211 = arith.constant 0 : i32
      %dma_wait3A_212 = arith.constant 0 : i32
      %dma_wait3A_213 = tpu.memref_slice %arg10[%dma_wait3A_211, %dma_wait3A_212] : memref<10240x16xf32, #tpu.memory_space<vmem_shared>> -> memref<10240x16xf32, #tpu.memory_space<vmem_shared>>
      %dma_wait3A_214 = tpu.memref_slice %arg11[%dma_wait3A_203] : memref<5x!tpu.dma_semaphore, #tpu.memory_space<semaphore_mem>> -> memref<1x!tpu.dma_semaphore, #tpu.memory_space<semaphore_mem>>
      %dma_wait3A_215 = tpu.memref_squeeze %dma_wait3A_214 : memref<1x!tpu.dma_semaphore, #tpu.memory_space<semaphore_mem>> -> memref<!tpu.dma_semaphore, #tpu.memory_space<semaphore_mem>>
      tpu.wait_indirect_dma semaphore(%dma_wait3A_215 : memref<!tpu.dma_semaphore, #tpu.memory_space<semaphore_mem>>) src(%dma_wait3A_213 : memref<10240x16xf32, #tpu.memory_space<vmem_shared>>) dst(%dma_wait3A_207 : memref<80x16xf32, #tpu.memory_space<vmem>>)
      %add3A_216 = arith.constant 3 : i32
      %add3A_217 = arith.addi %mul3A_104, %add3A_216 : i32
      %dma_start3A_218 = arith.constant 3 : i32
      %dma_start3A_219 = arith.constant 3 : i32
      %dma_start3A_220 = arith.constant 0 : i32
      %dma_start3A_221 = arith.constant 0 : i32
      %dma_start3A_222 = tpu.memref_slice %arg7[%dma_start3A_218, %dma_start3A_220, %dma_start3A_221] : memref<5x80x16xf32, #tpu.memory_space<vmem>> -> memref<1x80x16xf32, #tpu.memory_space<vmem>>
      %dma_start3A_223 = tpu.memref_squeeze %dma_start3A_222 : memref<1x80x16xf32, #tpu.memory_space<vmem>> -> memref<80x16xf32, #tpu.memory_space<vmem>>
      %dma_start3A_224 = arith.constant 0 : i32
      %dma_start3A_225 = tpu.memref_slice %arg6[%add3A_217, %dma_start3A_224] : memref<125x80xi32, #tpu.memory_space<vmem>> -> memref<1x80xi32, #tpu.memory_space<vmem>>
      %dma_start3A_226 = tpu.memref_squeeze %dma_start3A_225 : memref<1x80xi32, #tpu.memory_space<vmem>> -> memref<80xi32, #tpu.memory_space<vmem>>
      %dma_start3A_227 = arith.constant 0 : i32
      %dma_start3A_228 = arith.constant 0 : i32
      %dma_start3A_229 = tpu.memref_slice %arg9[%dma_start3A_227, %dma_start3A_228] : memref<10240x16xf32, #tpu.memory_space<vmem_shared>> -> memref<10240x16xf32, #tpu.memory_space<vmem_shared>>
      %dma_start3A_230 = tpu.memref_slice %arg12[%dma_start3A_219] : memref<5x!tpu.dma_semaphore, #tpu.memory_space<semaphore_mem>> -> memref<1x!tpu.dma_semaphore, #tpu.memory_space<semaphore_mem>>
      %dma_start3A_231 = tpu.memref_squeeze %dma_start3A_230 : memref<1x!tpu.dma_semaphore, #tpu.memory_space<semaphore_mem>> -> memref<!tpu.dma_semaphore, #tpu.memory_space<semaphore_mem>>
      tpu.enqueue_indirect_dma source(%dma_start3A_223 : memref<80x16xf32, #tpu.memory_space<vmem>>) target(%dma_start3A_229 : memref<10240x16xf32, #tpu.memory_space<vmem_shared>>) offsets(%dma_start3A_226 : memref<80xi32, #tpu.memory_space<vmem>>) semaphore(%dma_start3A_231 : memref<!tpu.dma_semaphore, #tpu.memory_space<semaphore_mem>>) {add = true}
      %add3A_232 = arith.constant 4 : i32
      %add3A_233 = arith.addi %mul3A_104, %add3A_232 : i32
      %dma_wait3A_234 = arith.constant 4 : i32
      %dma_wait3A_235 = arith.constant 4 : i32
      %dma_wait3A_236 = arith.constant 0 : i32
      %dma_wait3A_237 = arith.constant 0 : i32
      %dma_wait3A_238 = tpu.memref_slice %arg7[%dma_wait3A_234, %dma_wait3A_236, %dma_wait3A_237] : memref<5x80x16xf32, #tpu.memory_space<vmem>> -> memref<1x80x16xf32, #tpu.memory_space<vmem>>
      %dma_wait3A_239 = tpu.memref_squeeze %dma_wait3A_238 : memref<1x80x16xf32, #tpu.memory_space<vmem>> -> memref<80x16xf32, #tpu.memory_space<vmem>>
      %dma_wait3A_240 = arith.constant 0 : i32
      %dma_wait3A_241 = tpu.memref_slice %arg5[%add3A_233, %dma_wait3A_240] : memref<125x80xi32, #tpu.memory_space<vmem>> -> memref<1x80xi32, #tpu.memory_space<vmem>>
      %dma_wait3A_242 = tpu.memref_squeeze %dma_wait3A_241 : memref<1x80xi32, #tpu.memory_space<vmem>> -> memref<80xi32, #tpu.memory_space<vmem>>
      %dma_wait3A_243 = arith.constant 0 : i32
      %dma_wait3A_244 = arith.constant 0 : i32
      %dma_wait3A_245 = tpu.memref_slice %arg10[%dma_wait3A_243, %dma_wait3A_244] : memref<10240x16xf32, #tpu.memory_space<vmem_shared>> -> memref<10240x16xf32, #tpu.memory_space<vmem_shared>>
      %dma_wait3A_246 = tpu.memref_slice %arg11[%dma_wait3A_235] : memref<5x!tpu.dma_semaphore, #tpu.memory_space<semaphore_mem>> -> memref<1x!tpu.dma_semaphore, #tpu.memory_space<semaphore_mem>>
      %dma_wait3A_247 = tpu.memref_squeeze %dma_wait3A_246 : memref<1x!tpu.dma_semaphore, #tpu.memory_space<semaphore_mem>> -> memref<!tpu.dma_semaphore, #tpu.memory_space<semaphore_mem>>
      tpu.wait_indirect_dma semaphore(%dma_wait3A_247 : memref<!tpu.dma_semaphore, #tpu.memory_space<semaphore_mem>>) src(%dma_wait3A_245 : memref<10240x16xf32, #tpu.memory_space<vmem_shared>>) dst(%dma_wait3A_239 : memref<80x16xf32, #tpu.memory_space<vmem>>)
      %add3A_248 = arith.constant 4 : i32
      %add3A_249 = arith.addi %mul3A_104, %add3A_248 : i32
      %dma_start3A_250 = arith.constant 4 : i32
      %dma_start3A_251 = arith.constant 4 : i32
      %dma_start3A_252 = arith.constant 0 : i32
      %dma_start3A_253 = arith.constant 0 : i32
      %dma_start3A_254 = tpu.memref_slice %arg7[%dma_start3A_250, %dma_start3A_252, %dma_start3A_253] : memref<5x80x16xf32, #tpu.memory_space<vmem>> -> memref<1x80x16xf32, #tpu.memory_space<vmem>>
      %dma_start3A_255 = tpu.memref_squeeze %dma_start3A_254 : memref<1x80x16xf32, #tpu.memory_space<vmem>> -> memref<80x16xf32, #tpu.memory_space<vmem>>
      %dma_start3A_256 = arith.constant 0 : i32
      %dma_start3A_257 = tpu.memref_slice %arg6[%add3A_249, %dma_start3A_256] : memref<125x80xi32, #tpu.memory_space<vmem>> -> memref<1x80xi32, #tpu.memory_space<vmem>>
      %dma_start3A_258 = tpu.memref_squeeze %dma_start3A_257 : memref<1x80xi32, #tpu.memory_space<vmem>> -> memref<80xi32, #tpu.memory_space<vmem>>
      %dma_start3A_259 = arith.constant 0 : i32
      %dma_start3A_260 = arith.constant 0 : i32
      %dma_start3A_261 = tpu.memref_slice %arg9[%dma_start3A_259, %dma_start3A_260] : memref<10240x16xf32, #tpu.memory_space<vmem_shared>> -> memref<10240x16xf32, #tpu.memory_space<vmem_shared>>
      %dma_start3A_262 = tpu.memref_slice %arg12[%dma_start3A_251] : memref<5x!tpu.dma_semaphore, #tpu.memory_space<semaphore_mem>> -> memref<1x!tpu.dma_semaphore, #tpu.memory_space<semaphore_mem>>
      %dma_start3A_263 = tpu.memref_squeeze %dma_start3A_262 : memref<1x!tpu.dma_semaphore, #tpu.memory_space<semaphore_mem>> -> memref<!tpu.dma_semaphore, #tpu.memory_space<semaphore_mem>>
      tpu.enqueue_indirect_dma source(%dma_start3A_255 : memref<80x16xf32, #tpu.memory_space<vmem>>) target(%dma_start3A_261 : memref<10240x16xf32, #tpu.memory_space<vmem_shared>>) offsets(%dma_start3A_258 : memref<80xi32, #tpu.memory_space<vmem>>) semaphore(%dma_start3A_263 : memref<!tpu.dma_semaphore, #tpu.memory_space<semaphore_mem>>) {add = true}
      %add3A_264 = arith.constant 0 : i32
      %add3A_265 = arith.addi %mul3A_104, %add3A_264 : i32
      %dma_wait3A_266 = arith.constant 0 : i32
      %dma_wait3A_267 = arith.constant 0 : i32
      %dma_wait3A_268 = arith.constant 0 : i32
      %dma_wait3A_269 = arith.constant 0 : i32
      %dma_wait3A_270 = tpu.memref_slice %arg7[%dma_wait3A_266, %dma_wait3A_268, %dma_wait3A_269] : memref<5x80x16xf32, #tpu.memory_space<vmem>> -> memref<1x80x16xf32, #tpu.memory_space<vmem>>
      %dma_wait3A_271 = tpu.memref_squeeze %dma_wait3A_270 : memref<1x80x16xf32, #tpu.memory_space<vmem>> -> memref<80x16xf32, #tpu.memory_space<vmem>>
      %dma_wait3A_272 = arith.constant 0 : i32
      %dma_wait3A_273 = tpu.memref_slice %arg6[%add3A_265, %dma_wait3A_272] : memref<125x80xi32, #tpu.memory_space<vmem>> -> memref<1x80xi32, #tpu.memory_space<vmem>>
      %dma_wait3A_274 = tpu.memref_squeeze %dma_wait3A_273 : memref<1x80xi32, #tpu.memory_space<vmem>> -> memref<80xi32, #tpu.memory_space<vmem>>
      %dma_wait3A_275 = arith.constant 0 : i32
      %dma_wait3A_276 = arith.constant 0 : i32
      %dma_wait3A_277 = tpu.memref_slice %arg9[%dma_wait3A_275, %dma_wait3A_276] : memref<10240x16xf32, #tpu.memory_space<vmem_shared>> -> memref<10240x16xf32, #tpu.memory_space<vmem_shared>>
      %dma_wait3A_278 = tpu.memref_slice %arg12[%dma_wait3A_267] : memref<5x!tpu.dma_semaphore, #tpu.memory_space<semaphore_mem>> -> memref<1x!tpu.dma_semaphore, #tpu.memory_space<semaphore_mem>>
      %dma_wait3A_279 = tpu.memref_squeeze %dma_wait3A_278 : memref<1x!tpu.dma_semaphore, #tpu.memory_space<semaphore_mem>> -> memref<!tpu.dma_semaphore, #tpu.memory_space<semaphore_mem>>
      tpu.wait_indirect_dma semaphore(%dma_wait3A_279 : memref<!tpu.dma_semaphore, #tpu.memory_space<semaphore_mem>>) src(%dma_wait3A_271 : memref<80x16xf32, #tpu.memory_space<vmem>>) dst(%dma_wait3A_277 : memref<10240x16xf32, #tpu.memory_space<vmem_shared>>)
      %lt3A = arith.constant 24 : i32
      %lt3A_280 = arith.cmpi slt, %scan3A_101, %lt3A : i32
      %convert_element_type3A = arith.extui %lt3A_280 : i1 to i32
      %cond3A = arith.constant 0 : i32
      %cond3A_281 = arith.cmpi ne, %convert_element_type3A, %cond3A : i32
      scf.if %cond3A_281 {
        %add3A_367 = arith.constant 5 : i32
        %add3A_368 = arith.addi %mul3A_104, %add3A_367 : i32
        %add3A_369 = arith.constant 0 : i32
        %add3A_370 = arith.addi %add3A_368, %add3A_369 : i32
        %dma_start3A_371 = arith.constant 0 : i32
        %dma_start3A_372 = arith.constant 0 : i32
        %dma_start3A_373 = arith.constant 0 : i32
        %dma_start3A_374 = arith.constant 0 : i32
        %dma_start3A_375 = tpu.memref_slice %arg7[%dma_start3A_371, %dma_start3A_373, %dma_start3A_374] : memref<5x80x16xf32, #tpu.memory_space<vmem>> -> memref<1x80x16xf32, #tpu.memory_space<vmem>>
        %dma_start3A_376 = tpu.memref_squeeze %dma_start3A_375 : memref<1x80x16xf32, #tpu.memory_space<vmem>> -> memref<80x16xf32, #tpu.memory_space<vmem>>
        %dma_start3A_377 = arith.constant 0 : i32
        %dma_start3A_378 = tpu.memref_slice %arg5[%add3A_370, %dma_start3A_377] : memref<125x80xi32, #tpu.memory_space<vmem>> -> memref<1x80xi32, #tpu.memory_space<vmem>>
        %dma_start3A_379 = tpu.memref_squeeze %dma_start3A_378 : memref<1x80xi32, #tpu.memory_space<vmem>> -> memref<80xi32, #tpu.memory_space<vmem>>
        %dma_start3A_380 = arith.constant 0 : i32
        %dma_start3A_381 = arith.constant 0 : i32
        %dma_start3A_382 = tpu.memref_slice %arg10[%dma_start3A_380, %dma_start3A_381] : memref<10240x16xf32, #tpu.memory_space<vmem_shared>> -> memref<10240x16xf32, #tpu.memory_space<vmem_shared>>
        %dma_start3A_383 = tpu.memref_slice %arg11[%dma_start3A_372] : memref<5x!tpu.dma_semaphore, #tpu.memory_space<semaphore_mem>> -> memref<1x!tpu.dma_semaphore, #tpu.memory_space<semaphore_mem>>
        %dma_start3A_384 = tpu.memref_squeeze %dma_start3A_383 : memref<1x!tpu.dma_semaphore, #tpu.memory_space<semaphore_mem>> -> memref<!tpu.dma_semaphore, #tpu.memory_space<semaphore_mem>>
        tpu.enqueue_indirect_dma source(%dma_start3A_382 : memref<10240x16xf32, #tpu.memory_space<vmem_shared>>) target(%dma_start3A_376 : memref<80x16xf32, #tpu.memory_space<vmem>>) offsets(%dma_start3A_379 : memref<80xi32, #tpu.memory_space<vmem>>) semaphore(%dma_start3A_384 : memref<!tpu.dma_semaphore, #tpu.memory_space<semaphore_mem>>)
      } else {
      }
      %add3A_282 = arith.constant 1 : i32
      %add3A_283 = arith.addi %mul3A_104, %add3A_282 : i32
      %dma_wait3A_284 = arith.constant 1 : i32
      %dma_wait3A_285 = arith.constant 1 : i32
      %dma_wait3A_286 = arith.constant 0 : i32
      %dma_wait3A_287 = arith.constant 0 : i32
      %dma_wait3A_288 = tpu.memref_slice %arg7[%dma_wait3A_284, %dma_wait3A_286, %dma_wait3A_287] : memref<5x80x16xf32, #tpu.memory_space<vmem>> -> memref<1x80x16xf32, #tpu.memory_space<vmem>>
      %dma_wait3A_289 = tpu.memref_squeeze %dma_wait3A_288 : memref<1x80x16xf32, #tpu.memory_space<vmem>> -> memref<80x16xf32, #tpu.memory_space<vmem>>
      %dma_wait3A_290 = arith.constant 0 : i32
      %dma_wait3A_291 = tpu.memref_slice %arg6[%add3A_283, %dma_wait3A_290] : memref<125x80xi32, #tpu.memory_space<vmem>> -> memref<1x80xi32, #tpu.memory_space<vmem>>
      %dma_wait3A_292 = tpu.memref_squeeze %dma_wait3A_291 : memref<1x80xi32, #tpu.memory_space<vmem>> -> memref<80xi32, #tpu.memory_space<vmem>>
      %dma_wait3A_293 = arith.constant 0 : i32
      %dma_wait3A_294 = arith.constant 0 : i32
      %dma_wait3A_295 = tpu.memref_slice %arg9[%dma_wait3A_293, %dma_wait3A_294] : memref<10240x16xf32, #tpu.memory_space<vmem_shared>> -> memref<10240x16xf32, #tpu.memory_space<vmem_shared>>
      %dma_wait3A_296 = tpu.memref_slice %arg12[%dma_wait3A_285] : memref<5x!tpu.dma_semaphore, #tpu.memory_space<semaphore_mem>> -> memref<1x!tpu.dma_semaphore, #tpu.memory_space<semaphore_mem>>
      %dma_wait3A_297 = tpu.memref_squeeze %dma_wait3A_296 : memref<1x!tpu.dma_semaphore, #tpu.memory_space<semaphore_mem>> -> memref<!tpu.dma_semaphore, #tpu.memory_space<semaphore_mem>>
      tpu.wait_indirect_dma semaphore(%dma_wait3A_297 : memref<!tpu.dma_semaphore, #tpu.memory_space<semaphore_mem>>) src(%dma_wait3A_289 : memref<80x16xf32, #tpu.memory_space<vmem>>) dst(%dma_wait3A_295 : memref<10240x16xf32, #tpu.memory_space<vmem_shared>>)
      %lt3A_298 = arith.constant 24 : i32
      %lt3A_299 = arith.cmpi slt, %scan3A_101, %lt3A_298 : i32
      %convert_element_type3A_300 = arith.extui %lt3A_299 : i1 to i32
      %cond3A_301 = arith.constant 0 : i32
      %cond3A_302 = arith.cmpi ne, %convert_element_type3A_300, %cond3A_301 : i32
      scf.if %cond3A_302 {
        %add3A_367 = arith.constant 5 : i32
        %add3A_368 = arith.addi %mul3A_104, %add3A_367 : i32
        %add3A_369 = arith.constant 1 : i32
        %add3A_370 = arith.addi %add3A_368, %add3A_369 : i32
        %dma_start3A_371 = arith.constant 1 : i32
        %dma_start3A_372 = arith.constant 1 : i32
        %dma_start3A_373 = arith.constant 0 : i32
        %dma_start3A_374 = arith.constant 0 : i32
        %dma_start3A_375 = tpu.memref_slice %arg7[%dma_start3A_371, %dma_start3A_373, %dma_start3A_374] : memref<5x80x16xf32, #tpu.memory_space<vmem>> -> memref<1x80x16xf32, #tpu.memory_space<vmem>>
        %dma_start3A_376 = tpu.memref_squeeze %dma_start3A_375 : memref<1x80x16xf32, #tpu.memory_space<vmem>> -> memref<80x16xf32, #tpu.memory_space<vmem>>
        %dma_start3A_377 = arith.constant 0 : i32
        %dma_start3A_378 = tpu.memref_slice %arg5[%add3A_370, %dma_start3A_377] : memref<125x80xi32, #tpu.memory_space<vmem>> -> memref<1x80xi32, #tpu.memory_space<vmem>>
        %dma_start3A_379 = tpu.memref_squeeze %dma_start3A_378 : memref<1x80xi32, #tpu.memory_space<vmem>> -> memref<80xi32, #tpu.memory_space<vmem>>
        %dma_start3A_380 = arith.constant 0 : i32
        %dma_start3A_381 = arith.constant 0 : i32
        %dma_start3A_382 = tpu.memref_slice %arg10[%dma_start3A_380, %dma_start3A_381] : memref<10240x16xf32, #tpu.memory_space<vmem_shared>> -> memref<10240x16xf32, #tpu.memory_space<vmem_shared>>
        %dma_start3A_383 = tpu.memref_slice %arg11[%dma_start3A_372] : memref<5x!tpu.dma_semaphore, #tpu.memory_space<semaphore_mem>> -> memref<1x!tpu.dma_semaphore, #tpu.memory_space<semaphore_mem>>
        %dma_start3A_384 = tpu.memref_squeeze %dma_start3A_383 : memref<1x!tpu.dma_semaphore, #tpu.memory_space<semaphore_mem>> -> memref<!tpu.dma_semaphore, #tpu.memory_space<semaphore_mem>>
        tpu.enqueue_indirect_dma source(%dma_start3A_382 : memref<10240x16xf32, #tpu.memory_space<vmem_shared>>) target(%dma_start3A_376 : memref<80x16xf32, #tpu.memory_space<vmem>>) offsets(%dma_start3A_379 : memref<80xi32, #tpu.memory_space<vmem>>) semaphore(%dma_start3A_384 : memref<!tpu.dma_semaphore, #tpu.memory_space<semaphore_mem>>)
      } else {
      }
      %add3A_303 = arith.constant 2 : i32
      %add3A_304 = arith.addi %mul3A_104, %add3A_303 : i32
      %dma_wait3A_305 = arith.constant 2 : i32
      %dma_wait3A_306 = arith.constant 2 : i32
      %dma_wait3A_307 = arith.constant 0 : i32
      %dma_wait3A_308 = arith.constant 0 : i32
      %dma_wait3A_309 = tpu.memref_slice %arg7[%dma_wait3A_305, %dma_wait3A_307, %dma_wait3A_308] : memref<5x80x16xf32, #tpu.memory_space<vmem>> -> memref<1x80x16xf32, #tpu.memory_space<vmem>>
      %dma_wait3A_310 = tpu.memref_squeeze %dma_wait3A_309 : memref<1x80x16xf32, #tpu.memory_space<vmem>> -> memref<80x16xf32, #tpu.memory_space<vmem>>
      %dma_wait3A_311 = arith.constant 0 : i32
      %dma_wait3A_312 = tpu.memref_slice %arg6[%add3A_304, %dma_wait3A_311] : memref<125x80xi32, #tpu.memory_space<vmem>> -> memref<1x80xi32, #tpu.memory_space<vmem>>
      %dma_wait3A_313 = tpu.memref_squeeze %dma_wait3A_312 : memref<1x80xi32, #tpu.memory_space<vmem>> -> memref<80xi32, #tpu.memory_space<vmem>>
      %dma_wait3A_314 = arith.constant 0 : i32
      %dma_wait3A_315 = arith.constant 0 : i32
      %dma_wait3A_316 = tpu.memref_slice %arg9[%dma_wait3A_314, %dma_wait3A_315] : memref<10240x16xf32, #tpu.memory_space<vmem_shared>> -> memref<10240x16xf32, #tpu.memory_space<vmem_shared>>
      %dma_wait3A_317 = tpu.memref_slice %arg12[%dma_wait3A_306] : memref<5x!tpu.dma_semaphore, #tpu.memory_space<semaphore_mem>> -> memref<1x!tpu.dma_semaphore, #tpu.memory_space<semaphore_mem>>
      %dma_wait3A_318 = tpu.memref_squeeze %dma_wait3A_317 : memref<1x!tpu.dma_semaphore, #tpu.memory_space<semaphore_mem>> -> memref<!tpu.dma_semaphore, #tpu.memory_space<semaphore_mem>>
      tpu.wait_indirect_dma semaphore(%dma_wait3A_318 : memref<!tpu.dma_semaphore, #tpu.memory_space<semaphore_mem>>) src(%dma_wait3A_310 : memref<80x16xf32, #tpu.memory_space<vmem>>) dst(%dma_wait3A_316 : memref<10240x16xf32, #tpu.memory_space<vmem_shared>>)
      %lt3A_319 = arith.constant 24 : i32
      %lt3A_320 = arith.cmpi slt, %scan3A_101, %lt3A_319 : i32
      %convert_element_type3A_321 = arith.extui %lt3A_320 : i1 to i32
      %cond3A_322 = arith.constant 0 : i32
      %cond3A_323 = arith.cmpi ne, %convert_element_type3A_321, %cond3A_322 : i32
      scf.if %cond3A_323 {
        %add3A_367 = arith.constant 5 : i32
        %add3A_368 = arith.addi %mul3A_104, %add3A_367 : i32
        %add3A_369 = arith.constant 2 : i32
        %add3A_370 = arith.addi %add3A_368, %add3A_369 : i32
        %dma_start3A_371 = arith.constant 2 : i32
        %dma_start3A_372 = arith.constant 2 : i32
        %dma_start3A_373 = arith.constant 0 : i32
        %dma_start3A_374 = arith.constant 0 : i32
        %dma_start3A_375 = tpu.memref_slice %arg7[%dma_start3A_371, %dma_start3A_373, %dma_start3A_374] : memref<5x80x16xf32, #tpu.memory_space<vmem>> -> memref<1x80x16xf32, #tpu.memory_space<vmem>>
        %dma_start3A_376 = tpu.memref_squeeze %dma_start3A_375 : memref<1x80x16xf32, #tpu.memory_space<vmem>> -> memref<80x16xf32, #tpu.memory_space<vmem>>
        %dma_start3A_377 = arith.constant 0 : i32
        %dma_start3A_378 = tpu.memref_slice %arg5[%add3A_370, %dma_start3A_377] : memref<125x80xi32, #tpu.memory_space<vmem>> -> memref<1x80xi32, #tpu.memory_space<vmem>>
        %dma_start3A_379 = tpu.memref_squeeze %dma_start3A_378 : memref<1x80xi32, #tpu.memory_space<vmem>> -> memref<80xi32, #tpu.memory_space<vmem>>
        %dma_start3A_380 = arith.constant 0 : i32
        %dma_start3A_381 = arith.constant 0 : i32
        %dma_start3A_382 = tpu.memref_slice %arg10[%dma_start3A_380, %dma_start3A_381] : memref<10240x16xf32, #tpu.memory_space<vmem_shared>> -> memref<10240x16xf32, #tpu.memory_space<vmem_shared>>
        %dma_start3A_383 = tpu.memref_slice %arg11[%dma_start3A_372] : memref<5x!tpu.dma_semaphore, #tpu.memory_space<semaphore_mem>> -> memref<1x!tpu.dma_semaphore, #tpu.memory_space<semaphore_mem>>
        %dma_start3A_384 = tpu.memref_squeeze %dma_start3A_383 : memref<1x!tpu.dma_semaphore, #tpu.memory_space<semaphore_mem>> -> memref<!tpu.dma_semaphore, #tpu.memory_space<semaphore_mem>>
        tpu.enqueue_indirect_dma source(%dma_start3A_382 : memref<10240x16xf32, #tpu.memory_space<vmem_shared>>) target(%dma_start3A_376 : memref<80x16xf32, #tpu.memory_space<vmem>>) offsets(%dma_start3A_379 : memref<80xi32, #tpu.memory_space<vmem>>) semaphore(%dma_start3A_384 : memref<!tpu.dma_semaphore, #tpu.memory_space<semaphore_mem>>)
      } else {
      }
      %add3A_324 = arith.constant 3 : i32
      %add3A_325 = arith.addi %mul3A_104, %add3A_324 : i32
      %dma_wait3A_326 = arith.constant 3 : i32
      %dma_wait3A_327 = arith.constant 3 : i32
      %dma_wait3A_328 = arith.constant 0 : i32
      %dma_wait3A_329 = arith.constant 0 : i32
      %dma_wait3A_330 = tpu.memref_slice %arg7[%dma_wait3A_326, %dma_wait3A_328, %dma_wait3A_329] : memref<5x80x16xf32, #tpu.memory_space<vmem>> -> memref<1x80x16xf32, #tpu.memory_space<vmem>>
      %dma_wait3A_331 = tpu.memref_squeeze %dma_wait3A_330 : memref<1x80x16xf32, #tpu.memory_space<vmem>> -> memref<80x16xf32, #tpu.memory_space<vmem>>
      %dma_wait3A_332 = arith.constant 0 : i32
      %dma_wait3A_333 = tpu.memref_slice %arg6[%add3A_325, %dma_wait3A_332] : memref<125x80xi32, #tpu.memory_space<vmem>> -> memref<1x80xi32, #tpu.memory_space<vmem>>
      %dma_wait3A_334 = tpu.memref_squeeze %dma_wait3A_333 : memref<1x80xi32, #tpu.memory_space<vmem>> -> memref<80xi32, #tpu.memory_space<vmem>>
      %dma_wait3A_335 = arith.constant 0 : i32
      %dma_wait3A_336 = arith.constant 0 : i32
      %dma_wait3A_337 = tpu.memref_slice %arg9[%dma_wait3A_335, %dma_wait3A_336] : memref<10240x16xf32, #tpu.memory_space<vmem_shared>> -> memref<10240x16xf32, #tpu.memory_space<vmem_shared>>
      %dma_wait3A_338 = tpu.memref_slice %arg12[%dma_wait3A_327] : memref<5x!tpu.dma_semaphore, #tpu.memory_space<semaphore_mem>> -> memref<1x!tpu.dma_semaphore, #tpu.memory_space<semaphore_mem>>
      %dma_wait3A_339 = tpu.memref_squeeze %dma_wait3A_338 : memref<1x!tpu.dma_semaphore, #tpu.memory_space<semaphore_mem>> -> memref<!tpu.dma_semaphore, #tpu.memory_space<semaphore_mem>>
      tpu.wait_indirect_dma semaphore(%dma_wait3A_339 : memref<!tpu.dma_semaphore, #tpu.memory_space<semaphore_mem>>) src(%dma_wait3A_331 : memref<80x16xf32, #tpu.memory_space<vmem>>) dst(%dma_wait3A_337 : memref<10240x16xf32, #tpu.memory_space<vmem_shared>>)
      %lt3A_340 = arith.constant 24 : i32
      %lt3A_341 = arith.cmpi slt, %scan3A_101, %lt3A_340 : i32
      %convert_element_type3A_342 = arith.extui %lt3A_341 : i1 to i32
      %cond3A_343 = arith.constant 0 : i32
      %cond3A_344 = arith.cmpi ne, %convert_element_type3A_342, %cond3A_343 : i32
      scf.if %cond3A_344 {
        %add3A_367 = arith.constant 5 : i32
        %add3A_368 = arith.addi %mul3A_104, %add3A_367 : i32
        %add3A_369 = arith.constant 3 : i32
        %add3A_370 = arith.addi %add3A_368, %add3A_369 : i32
        %dma_start3A_371 = arith.constant 3 : i32
        %dma_start3A_372 = arith.constant 3 : i32
        %dma_start3A_373 = arith.constant 0 : i32
        %dma_start3A_374 = arith.constant 0 : i32
        %dma_start3A_375 = tpu.memref_slice %arg7[%dma_start3A_371, %dma_start3A_373, %dma_start3A_374] : memref<5x80x16xf32, #tpu.memory_space<vmem>> -> memref<1x80x16xf32, #tpu.memory_space<vmem>>
        %dma_start3A_376 = tpu.memref_squeeze %dma_start3A_375 : memref<1x80x16xf32, #tpu.memory_space<vmem>> -> memref<80x16xf32, #tpu.memory_space<vmem>>
        %dma_start3A_377 = arith.constant 0 : i32
        %dma_start3A_378 = tpu.memref_slice %arg5[%add3A_370, %dma_start3A_377] : memref<125x80xi32, #tpu.memory_space<vmem>> -> memref<1x80xi32, #tpu.memory_space<vmem>>
        %dma_start3A_379 = tpu.memref_squeeze %dma_start3A_378 : memref<1x80xi32, #tpu.memory_space<vmem>> -> memref<80xi32, #tpu.memory_space<vmem>>
        %dma_start3A_380 = arith.constant 0 : i32
        %dma_start3A_381 = arith.constant 0 : i32
        %dma_start3A_382 = tpu.memref_slice %arg10[%dma_start3A_380, %dma_start3A_381] : memref<10240x16xf32, #tpu.memory_space<vmem_shared>> -> memref<10240x16xf32, #tpu.memory_space<vmem_shared>>
        %dma_start3A_383 = tpu.memref_slice %arg11[%dma_start3A_372] : memref<5x!tpu.dma_semaphore, #tpu.memory_space<semaphore_mem>> -> memref<1x!tpu.dma_semaphore, #tpu.memory_space<semaphore_mem>>
        %dma_start3A_384 = tpu.memref_squeeze %dma_start3A_383 : memref<1x!tpu.dma_semaphore, #tpu.memory_space<semaphore_mem>> -> memref<!tpu.dma_semaphore, #tpu.memory_space<semaphore_mem>>
        tpu.enqueue_indirect_dma source(%dma_start3A_382 : memref<10240x16xf32, #tpu.memory_space<vmem_shared>>) target(%dma_start3A_376 : memref<80x16xf32, #tpu.memory_space<vmem>>) offsets(%dma_start3A_379 : memref<80xi32, #tpu.memory_space<vmem>>) semaphore(%dma_start3A_384 : memref<!tpu.dma_semaphore, #tpu.memory_space<semaphore_mem>>)
      } else {
      }
      %add3A_345 = arith.constant 4 : i32
      %add3A_346 = arith.addi %mul3A_104, %add3A_345 : i32
      %dma_wait3A_347 = arith.constant 4 : i32
      %dma_wait3A_348 = arith.constant 4 : i32
      %dma_wait3A_349 = arith.constant 0 : i32
      %dma_wait3A_350 = arith.constant 0 : i32
      %dma_wait3A_351 = tpu.memref_slice %arg7[%dma_wait3A_347, %dma_wait3A_349, %dma_wait3A_350] : memref<5x80x16xf32, #tpu.memory_space<vmem>> -> memref<1x80x16xf32, #tpu.memory_space<vmem>>
      %dma_wait3A_352 = tpu.memref_squeeze %dma_wait3A_351 : memref<1x80x16xf32, #tpu.memory_space<vmem>> -> memref<80x16xf32, #tpu.memory_space<vmem>>
      %dma_wait3A_353 = arith.constant 0 : i32
      %dma_wait3A_354 = tpu.memref_slice %arg6[%add3A_346, %dma_wait3A_353] : memref<125x80xi32, #tpu.memory_space<vmem>> -> memref<1x80xi32, #tpu.memory_space<vmem>>
      %dma_wait3A_355 = tpu.memref_squeeze %dma_wait3A_354 : memref<1x80xi32, #tpu.memory_space<vmem>> -> memref<80xi32, #tpu.memory_space<vmem>>
      %dma_wait3A_356 = arith.constant 0 : i32
      %dma_wait3A_357 = arith.constant 0 : i32
      %dma_wait3A_358 = tpu.memref_slice %arg9[%dma_wait3A_356, %dma_wait3A_357] : memref<10240x16xf32, #tpu.memory_space<vmem_shared>> -> memref<10240x16xf32, #tpu.memory_space<vmem_shared>>
      %dma_wait3A_359 = tpu.memref_slice %arg12[%dma_wait3A_348] : memref<5x!tpu.dma_semaphore, #tpu.memory_space<semaphore_mem>> -> memref<1x!tpu.dma_semaphore, #tpu.memory_space<semaphore_mem>>
      %dma_wait3A_360 = tpu.memref_squeeze %dma_wait3A_359 : memref<1x!tpu.dma_semaphore, #tpu.memory_space<semaphore_mem>> -> memref<!tpu.dma_semaphore, #tpu.memory_space<semaphore_mem>>
      tpu.wait_indirect_dma semaphore(%dma_wait3A_360 : memref<!tpu.dma_semaphore, #tpu.memory_space<semaphore_mem>>) src(%dma_wait3A_352 : memref<80x16xf32, #tpu.memory_space<vmem>>) dst(%dma_wait3A_358 : memref<10240x16xf32, #tpu.memory_space<vmem_shared>>)
      %lt3A_361 = arith.constant 24 : i32
      %lt3A_362 = arith.cmpi slt, %scan3A_101, %lt3A_361 : i32
      %convert_element_type3A_363 = arith.extui %lt3A_362 : i1 to i32
      %cond3A_364 = arith.constant 0 : i32
      %cond3A_365 = arith.cmpi ne, %convert_element_type3A_363, %cond3A_364 : i32
      scf.if %cond3A_365 {
        %add3A_367 = arith.constant 5 : i32
        %add3A_368 = arith.addi %mul3A_104, %add3A_367 : i32
        %add3A_369 = arith.constant 4 : i32
        %add3A_370 = arith.addi %add3A_368, %add3A_369 : i32
        %dma_start3A_371 = arith.constant 4 : i32
        %dma_start3A_372 = arith.constant 4 : i32
        %dma_start3A_373 = arith.constant 0 : i32
        %dma_start3A_374 = arith.constant 0 : i32
        %dma_start3A_375 = tpu.memref_slice %arg7[%dma_start3A_371, %dma_start3A_373, %dma_start3A_374] : memref<5x80x16xf32, #tpu.memory_space<vmem>> -> memref<1x80x16xf32, #tpu.memory_space<vmem>>
        %dma_start3A_376 = tpu.memref_squeeze %dma_start3A_375 : memref<1x80x16xf32, #tpu.memory_space<vmem>> -> memref<80x16xf32, #tpu.memory_space<vmem>>
        %dma_start3A_377 = arith.constant 0 : i32
        %dma_start3A_378 = tpu.memref_slice %arg5[%add3A_370, %dma_start3A_377] : memref<125x80xi32, #tpu.memory_space<vmem>> -> memref<1x80xi32, #tpu.memory_space<vmem>>
        %dma_start3A_379 = tpu.memref_squeeze %dma_start3A_378 : memref<1x80xi32, #tpu.memory_space<vmem>> -> memref<80xi32, #tpu.memory_space<vmem>>
        %dma_start3A_380 = arith.constant 0 : i32
        %dma_start3A_381 = arith.constant 0 : i32
        %dma_start3A_382 = tpu.memref_slice %arg10[%dma_start3A_380, %dma_start3A_381] : memref<10240x16xf32, #tpu.memory_space<vmem_shared>> -> memref<10240x16xf32, #tpu.memory_space<vmem_shared>>
        %dma_start3A_383 = tpu.memref_slice %arg11[%dma_start3A_372] : memref<5x!tpu.dma_semaphore, #tpu.memory_space<semaphore_mem>> -> memref<1x!tpu.dma_semaphore, #tpu.memory_space<semaphore_mem>>
        %dma_start3A_384 = tpu.memref_squeeze %dma_start3A_383 : memref<1x!tpu.dma_semaphore, #tpu.memory_space<semaphore_mem>> -> memref<!tpu.dma_semaphore, #tpu.memory_space<semaphore_mem>>
        tpu.enqueue_indirect_dma source(%dma_start3A_382 : memref<10240x16xf32, #tpu.memory_space<vmem_shared>>) target(%dma_start3A_376 : memref<80x16xf32, #tpu.memory_space<vmem>>) offsets(%dma_start3A_379 : memref<80xi32, #tpu.memory_space<vmem>>) semaphore(%dma_start3A_384 : memref<!tpu.dma_semaphore, #tpu.memory_space<semaphore_mem>>)
      } else {
      }
      %scan3A_366 = arith.constant 0 : i32
      scf.yield %scan3A_366 : i32
    }
    %scan3A_95 = arith.constant 25 : i32
    %barrier3A_96 = arith.constant 0 : index
    tpu.barrier barrier_id(%barrier3A_96)
    %mul3A_97 = arith.constant 640 : i32
    %mul3A_98 = arith.muli %arg1, %mul3A_97 : i32
    "tpu.region"() ({
      %run_scoped3A_101 = tpu.sem_alloc : memref<!tpu.dma_semaphore, #tpu.memory_space<semaphore_mem>>
      %dma_start3A_102 = arith.constant 0 : i32
      %dma_start3A_103 = tpu.memref_slice %arg9[%mul3A_98, %dma_start3A_102] : memref<10240x16xf32, #tpu.memory_space<vmem_shared>> -> memref<640x16xf32, #tpu.memory_space<vmem_shared>>
      %dma_start3A_104 = arith.constant 0 : i32
      %dma_start3A_105 = tpu.memref_slice %arg9[%mul3A_98, %dma_start3A_104] : memref<10240x16xf32, #tpu.memory_space<vmem_shared>> -> memref<640x16xf32, #tpu.memory_space<vmem_shared>>
      tpu.enqueue_dma source(%dma_start3A_105 : memref<640x16xf32, #tpu.memory_space<vmem_shared>>) target(%arg8 : memref<640x16xf32, #tpu.memory_space<vmem>>) target_semaphore(%run_scoped3A_101 : memref<!tpu.dma_semaphore, #tpu.memory_space<semaphore_mem>>)
      %dma_wait3A = arith.constant 0 : i32
      %dma_wait3A_106 = tpu.memref_slice %arg9[%mul3A_98, %dma_wait3A] : memref<10240x16xf32, #tpu.memory_space<vmem_shared>> -> memref<640x16xf32, #tpu.memory_space<vmem_shared>>
      %dma_wait3A_107 = arith.constant 0 : i32
      %dma_wait3A_108 = tpu.memref_slice %arg9[%mul3A_98, %dma_wait3A_107] : memref<10240x16xf32, #tpu.memory_space<vmem_shared>> -> memref<640x16xf32, #tpu.memory_space<vmem_shared>>
      tpu.wait_dma2 semaphore(%run_scoped3A_101 : memref<!tpu.dma_semaphore, #tpu.memory_space<semaphore_mem>>) src(%dma_wait3A_108 : memref<640x16xf32, #tpu.memory_space<vmem_shared>>) dst(%arg8 : memref<640x16xf32, #tpu.memory_space<vmem>>)
      tpu.yield
    }) : () -> ()
    %mul3A_99 = arith.constant 640 : i32
    %mul3A_100 = arith.muli %arg1, %mul3A_99 : i32
    "tpu.region"() ({
      %run_scoped3A_101 = tpu.sem_alloc : memref<!tpu.dma_semaphore, #tpu.memory_space<semaphore_mem>>
      %dma_start3A_102 = arith.constant 0 : i32
      %dma_start3A_103 = tpu.memref_slice %arg4[%arg0, %mul3A_100, %dma_start3A_102] : memref<2x10240x16xf32, #tpu.memory_space<hbm>> -> memref<1x640x16xf32, #tpu.memory_space<hbm>>
      %dma_start3A_104 = tpu.memref_squeeze %dma_start3A_103 : memref<1x640x16xf32, #tpu.memory_space<hbm>> -> memref<640x16xf32, #tpu.memory_space<hbm>>
      %dma_start3A_105 = arith.constant 0 : i32
      %dma_start3A_106 = tpu.memref_slice %arg4[%arg0, %mul3A_100, %dma_start3A_105] : memref<2x10240x16xf32, #tpu.memory_space<hbm>> -> memref<1x640x16xf32, #tpu.memory_space<hbm>>
      %dma_start3A_107 = tpu.memref_squeeze %dma_start3A_106 : memref<1x640x16xf32, #tpu.memory_space<hbm>> -> memref<640x16xf32, #tpu.memory_space<hbm>>
      tpu.enqueue_dma source(%arg8 : memref<640x16xf32, #tpu.memory_space<vmem>>) target(%dma_start3A_107 : memref<640x16xf32, #tpu.memory_space<hbm>>) target_semaphore(%run_scoped3A_101 : memref<!tpu.dma_semaphore, #tpu.memory_space<semaphore_mem>>)
      %dma_wait3A = arith.constant 0 : i32
      %dma_wait3A_108 = tpu.memref_slice %arg4[%arg0, %mul3A_100, %dma_wait3A] : memref<2x10240x16xf32, #tpu.memory_space<hbm>> -> memref<1x640x16xf32, #tpu.memory_space<hbm>>
      %dma_wait3A_109 = tpu.memref_squeeze %dma_wait3A_108 : memref<1x640x16xf32, #tpu.memory_space<hbm>> -> memref<640x16xf32, #tpu.memory_space<hbm>>
      %dma_wait3A_110 = arith.constant 0 : i32
      %dma_wait3A_111 = tpu.memref_slice %arg4[%arg0, %mul3A_100, %dma_wait3A_110] : memref<2x10240x16xf32, #tpu.memory_space<hbm>> -> memref<1x640x16xf32, #tpu.memory_space<hbm>>
      %dma_wait3A_112 = tpu.memref_squeeze %dma_wait3A_111 : memref<1x640x16xf32, #tpu.memory_space<hbm>> -> memref<640x16xf32, #tpu.memory_space<hbm>>
      tpu.wait_dma2 semaphore(%run_scoped3A_101 : memref<!tpu.dma_semaphore, #tpu.memory_space<semaphore_mem>>) src(%arg8 : memref<640x16xf32, #tpu.memory_space<vmem>>) dst(%dma_wait3A_112 : memref<640x16xf32, #tpu.memory_space<hbm>>)
      tpu.yield
    }) : () -> ()
    return
  }
}

module attributes {stable_mosaic.version = 14 : i64} {
  func.func @body(%arg0: memref<2x1280x128xf32, #tpu.memory_space<vmem>>, %arg1: memref<1280x128xf32, #tpu.memory_space<vmem>>, %arg2: memref<2x1280x128xf32, #tpu.memory_space<vmem>>, %arg3: memref<1x16xf32, #tpu.memory_space<vmem>>, %arg4: memref<1280x128xf32, #tpu.memory_space<vmem>>) attributes {dimension_semantics = [], scalar_prefetch = 0 : i64, scratch_operands = 0 : i64, tpu.core_type = #tpu.core_type<tc>} {
    %get3A = arith.constant 0 : index
    %get3A_0 = arith.constant 0 : index
    %get3A_1 = arith.constant 0 : index
    %get3A_2 = vector.load %arg2[%get3A, %get3A_0, %get3A_1] : memref<2x1280x128xf32, #tpu.memory_space<vmem>>, vector<1x1250x128xf32>
    %get3A_3 = vector.shape_cast %get3A_2 : vector<1x1250x128xf32> to vector<1250x128xf32>
    %add3A = arith.constant 1.000000e+00 : f32
    %add3A_4 = vector.broadcast %add3A : f32 to vector<1250x128xf32>
    %add3A_5 = arith.addf %add3A_4, %get3A_3 : vector<1250x128xf32>
    %get3A_6 = arith.constant 1 : index
    %get3A_7 = arith.constant 0 : index
    %get3A_8 = arith.constant 0 : index
    %get3A_9 = vector.load %arg2[%get3A_6, %get3A_7, %get3A_8] : memref<2x1280x128xf32, #tpu.memory_space<vmem>>, vector<1x1250x128xf32>
    %get3A_10 = vector.shape_cast %get3A_9 : vector<1x1250x128xf32> to vector<1250x128xf32>
    %add3A_11 = arith.addf %add3A_5, %get3A_10 : vector<1250x128xf32>
    %rsqrt3A = math.rsqrt %add3A_11 : vector<1250x128xf32>
    %get3A_12 = arith.constant 0 : index
    %get3A_13 = arith.constant 0 : index
    %get3A_14 = vector.load %arg3[%get3A_12, %get3A_13] : memref<1x16xf32, #tpu.memory_space<vmem>>, vector<1x16xf32>
    %tile3A = tpu.concatenate %get3A_14, %get3A_14, %get3A_14, %get3A_14, %get3A_14, %get3A_14, %get3A_14, %get3A_14 in 1 : vector<1x16xf32>, vector<1x16xf32>, vector<1x16xf32>, vector<1x16xf32>, vector<1x16xf32>, vector<1x16xf32>, vector<1x16xf32>, vector<1x16xf32> -> vector<1x128xf32>
    %get3A_15 = arith.constant 0 : index
    %get3A_16 = arith.constant 0 : index
    %get3A_17 = arith.constant 0 : index
    %get3A_18 = vector.load %arg0[%get3A_15, %get3A_16, %get3A_17] : memref<2x1280x128xf32, #tpu.memory_space<vmem>>, vector<1x1250x128xf32>
    %get3A_19 = vector.shape_cast %get3A_18 : vector<1x1250x128xf32> to vector<1250x128xf32>
    %get3A_20 = arith.constant 1 : index
    %get3A_21 = arith.constant 0 : index
    %get3A_22 = arith.constant 0 : index
    %get3A_23 = vector.load %arg0[%get3A_20, %get3A_21, %get3A_22] : memref<2x1280x128xf32, #tpu.memory_space<vmem>>, vector<1x1250x128xf32>
    %get3A_24 = vector.shape_cast %get3A_23 : vector<1x1250x128xf32> to vector<1250x128xf32>
    %add3A_25 = arith.addf %get3A_19, %get3A_24 : vector<1250x128xf32>
    %get3A_26 = arith.constant 0 : index
    %get3A_27 = arith.constant 0 : index
    %get3A_28 = vector.load %arg1[%get3A_26, %get3A_27] : memref<1280x128xf32, #tpu.memory_space<vmem>>, vector<1250x128xf32>
    %add3A_29 = arith.addf %add3A_25, %get3A_28 : vector<1250x128xf32>
    %mul3A = arith.mulf %add3A_29, %rsqrt3A : vector<1250x128xf32>
    %add3A_30 = vector.broadcast %tile3A : vector<1x128xf32> to vector<1250x128xf32>
    %add3A_31 = arith.addf %mul3A, %add3A_30 : vector<1250x128xf32>
    %exp3A = math.exp %add3A_31 : vector<1250x128xf32>
    %broadcast_in_dim3A = arith.constant 1.000000e+00 : f32
    %broadcast_in_dim3A_32 = vector.broadcast %broadcast_in_dim3A : f32 to vector<128x128xf32>
    %iota3A = tpu.iota {dimensions = array<i32: 0>} : vector<128x128xi32>
    %jit3A = arith.constant 16 : i32
    %div3A = vector.broadcast %jit3A : i32 to vector<128x128xi32>
    %div3A_33 = arith.divsi %iota3A, %div3A : vector<128x128xi32>
    %sign3A = arith.constant 0 : i32
    %sign3A_34 = vector.broadcast %sign3A : i32 to vector<128x128xi32>
    %sign3A_35 = arith.cmpi sgt, %iota3A, %sign3A_34 : vector<128x128xi32>
    %sign3A_36 = arith.extui %sign3A_35 : vector<128x128xi1> to vector<128x128xi32>
    %sign3A_37 = arith.constant 0 : i32
    %sign3A_38 = vector.broadcast %sign3A_37 : i32 to vector<128x128xi32>
    %sign3A_39 = arith.cmpi slt, %iota3A, %sign3A_38 : vector<128x128xi32>
    %sign3A_40 = arith.extui %sign3A_39 : vector<128x128xi1> to vector<128x128xi32>
    %sign3A_41 = arith.subi %sign3A_36, %sign3A_40 : vector<128x128xi32>
    %sign3A_42 = arith.constant 0 : i32
    %sign3A_43 = arith.cmpi sgt, %jit3A, %sign3A_42 : i32
    %sign3A_44 = arith.extui %sign3A_43 : i1 to i32
    %sign3A_45 = arith.constant 0 : i32
    %sign3A_46 = arith.cmpi slt, %jit3A, %sign3A_45 : i32
    %sign3A_47 = arith.extui %sign3A_46 : i1 to i32
    %sign3A_48 = arith.subi %sign3A_44, %sign3A_47 : i32
    %ne3A = vector.broadcast %sign3A_48 : i32 to vector<128x128xi32>
    %ne3A_49 = arith.cmpi ne, %sign3A_41, %ne3A : vector<128x128xi32>
    %rem3A = vector.broadcast %jit3A : i32 to vector<128x128xi32>
    %rem3A_50 = arith.remsi %iota3A, %rem3A : vector<128x128xi32>
    %ne3A_51 = arith.constant 0 : i32
    %ne3A_52 = vector.broadcast %ne3A_51 : i32 to vector<128x128xi32>
    %ne3A_53 = arith.cmpi ne, %rem3A_50, %ne3A_52 : vector<128x128xi32>
    %and3A = arith.andi %ne3A_49, %ne3A_53 : vector<128x128xi1>
    %sub3A = arith.constant 1 : i32
    %sub3A_54 = vector.broadcast %sub3A : i32 to vector<128x128xi32>
    %sub3A_55 = arith.subi %div3A_33, %sub3A_54 : vector<128x128xi32>
    %select_n3A = arith.select %and3A, %sub3A_55, %div3A_33 : vector<128x128xi1>, vector<128x128xi32>
    %iota3A_56 = tpu.iota {dimensions = array<i32: 1>} : vector<128x128xi32>
    %jit3A_57 = arith.constant 16 : i32
    %div3A_58 = vector.broadcast %jit3A_57 : i32 to vector<128x128xi32>
    %div3A_59 = arith.divsi %iota3A_56, %div3A_58 : vector<128x128xi32>
    %sign3A_60 = arith.constant 0 : i32
    %sign3A_61 = vector.broadcast %sign3A_60 : i32 to vector<128x128xi32>
    %sign3A_62 = arith.cmpi sgt, %iota3A_56, %sign3A_61 : vector<128x128xi32>
    %sign3A_63 = arith.extui %sign3A_62 : vector<128x128xi1> to vector<128x128xi32>
    %sign3A_64 = arith.constant 0 : i32
    %sign3A_65 = vector.broadcast %sign3A_64 : i32 to vector<128x128xi32>
    %sign3A_66 = arith.cmpi slt, %iota3A_56, %sign3A_65 : vector<128x128xi32>
    %sign3A_67 = arith.extui %sign3A_66 : vector<128x128xi1> to vector<128x128xi32>
    %sign3A_68 = arith.subi %sign3A_63, %sign3A_67 : vector<128x128xi32>
    %sign3A_69 = arith.constant 0 : i32
    %sign3A_70 = arith.cmpi sgt, %jit3A_57, %sign3A_69 : i32
    %sign3A_71 = arith.extui %sign3A_70 : i1 to i32
    %sign3A_72 = arith.constant 0 : i32
    %sign3A_73 = arith.cmpi slt, %jit3A_57, %sign3A_72 : i32
    %sign3A_74 = arith.extui %sign3A_73 : i1 to i32
    %sign3A_75 = arith.subi %sign3A_71, %sign3A_74 : i32
    %ne3A_76 = vector.broadcast %sign3A_75 : i32 to vector<128x128xi32>
    %ne3A_77 = arith.cmpi ne, %sign3A_68, %ne3A_76 : vector<128x128xi32>
    %rem3A_78 = vector.broadcast %jit3A_57 : i32 to vector<128x128xi32>
    %rem3A_79 = arith.remsi %iota3A_56, %rem3A_78 : vector<128x128xi32>
    %ne3A_80 = arith.constant 0 : i32
    %ne3A_81 = vector.broadcast %ne3A_80 : i32 to vector<128x128xi32>
    %ne3A_82 = arith.cmpi ne, %rem3A_79, %ne3A_81 : vector<128x128xi32>
    %and3A_83 = arith.andi %ne3A_77, %ne3A_82 : vector<128x128xi1>
    %sub3A_84 = arith.constant 1 : i32
    %sub3A_85 = vector.broadcast %sub3A_84 : i32 to vector<128x128xi32>
    %sub3A_86 = arith.subi %div3A_59, %sub3A_85 : vector<128x128xi32>
    %select_n3A_87 = arith.select %and3A_83, %sub3A_86, %div3A_59 : vector<128x128xi1>, vector<128x128xi32>
    %eq3A = arith.cmpi eq, %select_n3A, %select_n3A_87 : vector<128x128xi32>
    %jit3A_88 = arith.constant 0.000000e+00 : f32
    %broadcast_in_dim3A_89 = vector.broadcast %jit3A_88 : f32 to vector<128x128xf32>
    %select_n3A_90 = arith.select %eq3A, %broadcast_in_dim3A_32, %broadcast_in_dim3A_89 : vector<128x128xi1>, vector<128x128xf32>
    %dot_general3A = arith.constant dense<0.000000e+00> : vector<1250x128xf32>
    %dot_general3A_91 = tpu.matmul %exp3A, %select_n3A_90, %dot_general3A {dimension_numbers = #tpu.dot_dimension_numbers<[1], [0], [0], [1], [0, 0, 1, 1], [], []>, precision = #tpu.contract_precision<fp32>, transpose_lhs_hint = false} : vector<1250x128xf32>, vector<128x128xf32>, vector<1250x128xf32> -> vector<1250x128xf32>
    %log3A = math.log %dot_general3A_91 : vector<1250x128xf32>
    %sub3A_92 = arith.subf %add3A_31, %log3A : vector<1250x128xf32>
    %swap3A = arith.constant 0 : index
    %swap3A_93 = arith.constant 0 : index
    %swap3A_94 = vector.load %arg4[%swap3A, %swap3A_93] : memref<1280x128xf32, #tpu.memory_space<vmem>>, vector<1250x128xf32>
    tpu.vector_store %arg4[%swap3A, %swap3A_93], %sub3A_92 {strides = array<i32>} : memref<1280x128xf32, #tpu.memory_space<vmem>>, vector<1250x128xf32>,
    return
  }
}

module attributes {stable_mosaic.version = 14 : i64} {
  func.func @body(%arg0: memref<10000x128xf32, #tpu.memory_space<vmem>>, %arg1: memref<128x16xf32, #tpu.memory_space<vmem>>, %arg2: memref<2x1280x128xf32, #tpu.memory_space<vmem>>, %arg3: memref<1280x128xf32, #tpu.memory_space<vmem>>) attributes {dimension_semantics = [], scalar_prefetch = 0 : i64, scratch_operands = 0 : i64, tpu.core_type = #tpu.core_type<tc>} {
    %get3A = arith.constant 0 : index
    %get3A_0 = arith.constant 0 : index
    %get3A_1 = arith.constant 0 : index
    %get3A_2 = vector.load %arg2[%get3A, %get3A_0, %get3A_1] : memref<2x1280x128xf32, #tpu.memory_space<vmem>>, vector<1x1250x128xf32>
    %get3A_3 = vector.shape_cast %get3A_2 : vector<1x1250x128xf32> to vector<1250x128xf32>
    %add3A = arith.constant 1.000000e+00 : f32
    %add3A_4 = vector.broadcast %add3A : f32 to vector<1250x128xf32>
    %add3A_5 = arith.addf %add3A_4, %get3A_3 : vector<1250x128xf32>
    %get3A_6 = arith.constant 1 : index
    %get3A_7 = arith.constant 0 : index
    %get3A_8 = arith.constant 0 : index
    %get3A_9 = vector.load %arg2[%get3A_6, %get3A_7, %get3A_8] : memref<2x1280x128xf32, #tpu.memory_space<vmem>>, vector<1x1250x128xf32>
    %get3A_10 = vector.shape_cast %get3A_9 : vector<1x1250x128xf32> to vector<1250x128xf32>
    %add3A_11 = arith.addf %add3A_5, %get3A_10 : vector<1250x128xf32>
    %rsqrt3A = math.rsqrt %add3A_11 : vector<1250x128xf32>
    %get3A_12 = arith.constant 0 : index
    %get3A_13 = arith.constant 0 : index
    %get3A_14 = vector.load %arg0[%get3A_12, %get3A_13] : memref<10000x128xf32, #tpu.memory_space<vmem>>, vector<10000x128xf32>
    %get3A_15 = arith.constant 0 : index
    %get3A_16 = arith.constant 0 : index
    %get3A_17 = vector.load %arg1[%get3A_15, %get3A_16] : memref<128x16xf32, #tpu.memory_space<vmem>>, vector<128x16xf32>
    %dot_general3A = arith.constant dense<0.000000e+00> : vector<10000x16xf32>
    %dot_general3A_18 = tpu.matmul %get3A_14, %get3A_17, %dot_general3A {dimension_numbers = #tpu.dot_dimension_numbers<[1], [0], [0], [1], [0, 0, 1, 1], [], []>, transpose_lhs_hint = false} : vector<10000x128xf32>, vector<128x16xf32>, vector<10000x16xf32> -> vector<10000x16xf32>
    %reshape3A = vector.shape_cast %dot_general3A_18 : vector<10000x16xf32> to vector<1250x8x16xf32>
    %slice3A = vector.extract_strided_slice %reshape3A {offsets = [0, 0, 0], sizes = [1250, 1, 16], strides = [1, 1, 1]} : vector<1250x8x16xf32> to vector<1250x1x16xf32>
    %squeeze3A = vector.shape_cast %slice3A : vector<1250x1x16xf32> to vector<1250x16xf32>
    %slice3A_19 = vector.extract_strided_slice %reshape3A {offsets = [0, 1, 0], sizes = [1250, 1, 16], strides = [1, 1, 1]} : vector<1250x8x16xf32> to vector<1250x1x16xf32>
    %squeeze3A_20 = vector.shape_cast %slice3A_19 : vector<1250x1x16xf32> to vector<1250x16xf32>
    %slice3A_21 = vector.extract_strided_slice %reshape3A {offsets = [0, 2, 0], sizes = [1250, 1, 16], strides = [1, 1, 1]} : vector<1250x8x16xf32> to vector<1250x1x16xf32>
    %squeeze3A_22 = vector.shape_cast %slice3A_21 : vector<1250x1x16xf32> to vector<1250x16xf32>
    %slice3A_23 = vector.extract_strided_slice %reshape3A {offsets = [0, 3, 0], sizes = [1250, 1, 16], strides = [1, 1, 1]} : vector<1250x8x16xf32> to vector<1250x1x16xf32>
    %squeeze3A_24 = vector.shape_cast %slice3A_23 : vector<1250x1x16xf32> to vector<1250x16xf32>
    %slice3A_25 = vector.extract_strided_slice %reshape3A {offsets = [0, 4, 0], sizes = [1250, 1, 16], strides = [1, 1, 1]} : vector<1250x8x16xf32> to vector<1250x1x16xf32>
    %squeeze3A_26 = vector.shape_cast %slice3A_25 : vector<1250x1x16xf32> to vector<1250x16xf32>
    %slice3A_27 = vector.extract_strided_slice %reshape3A {offsets = [0, 5, 0], sizes = [1250, 1, 16], strides = [1, 1, 1]} : vector<1250x8x16xf32> to vector<1250x1x16xf32>
    %squeeze3A_28 = vector.shape_cast %slice3A_27 : vector<1250x1x16xf32> to vector<1250x16xf32>
    %slice3A_29 = vector.extract_strided_slice %reshape3A {offsets = [0, 6, 0], sizes = [1250, 1, 16], strides = [1, 1, 1]} : vector<1250x8x16xf32> to vector<1250x1x16xf32>
    %squeeze3A_30 = vector.shape_cast %slice3A_29 : vector<1250x1x16xf32> to vector<1250x16xf32>
    %slice3A_31 = vector.extract_strided_slice %reshape3A {offsets = [0, 7, 0], sizes = [1250, 1, 16], strides = [1, 1, 1]} : vector<1250x8x16xf32> to vector<1250x1x16xf32>
    %squeeze3A_32 = vector.shape_cast %slice3A_31 : vector<1250x1x16xf32> to vector<1250x16xf32>
    %concatenate3A = tpu.concatenate %squeeze3A, %squeeze3A_20, %squeeze3A_22, %squeeze3A_24, %squeeze3A_26, %squeeze3A_28, %squeeze3A_30, %squeeze3A_32 in 1 : vector<1250x16xf32>, vector<1250x16xf32>, vector<1250x16xf32>, vector<1250x16xf32>, vector<1250x16xf32>, vector<1250x16xf32>, vector<1250x16xf32>, vector<1250x16xf32> -> vector<1250x128xf32>
    %mul3A = arith.mulf %concatenate3A, %rsqrt3A : vector<1250x128xf32>
    %swap3A = arith.constant 0 : index
    %swap3A_33 = arith.constant 0 : index
    %swap3A_34 = vector.load %arg3[%swap3A, %swap3A_33] : memref<1280x128xf32, #tpu.memory_space<vmem>>, vector<1250x128xf32>
    tpu.vector_store %arg3[%swap3A, %swap3A_33], %mul3A {strides = array<i32>} : memref<1280x128xf32, #tpu.memory_space<vmem>>, vector<1250x128xf32>,
    return
  }
}

module attributes {stable_mosaic.version = 14 : i64} {
  func.func @body(%arg0: memref<2x1280x128xf32, #tpu.memory_space<vmem>>, %arg1: memref<1280x128xf32, #tpu.memory_space<vmem>>, %arg2: memref<2x1280x128xf32, #tpu.memory_space<vmem>>, %arg3: memref<16x16xf32, #tpu.memory_space<vmem>>, %arg4: memref<1x16xf32, #tpu.memory_space<vmem>>, %arg5: memref<1280x128xf32, #tpu.memory_space<vmem>>) attributes {dimension_semantics = [], scalar_prefetch = 0 : i64, scratch_operands = 0 : i64, tpu.core_type = #tpu.core_type<tc>} {
    %get3A = arith.constant 0 : index
    %get3A_0 = arith.constant 0 : index
    %get3A_1 = arith.constant 0 : index
    %get3A_2 = vector.load %arg2[%get3A, %get3A_0, %get3A_1] : memref<2x1280x128xf32, #tpu.memory_space<vmem>>, vector<1x1250x128xf32>
    %get3A_3 = vector.shape_cast %get3A_2 : vector<1x1250x128xf32> to vector<1250x128xf32>
    %add3A = arith.constant 1.000000e+00 : f32
    %add3A_4 = vector.broadcast %add3A : f32 to vector<1250x128xf32>
    %add3A_5 = arith.addf %add3A_4, %get3A_3 : vector<1250x128xf32>
    %get3A_6 = arith.constant 1 : index
    %get3A_7 = arith.constant 0 : index
    %get3A_8 = arith.constant 0 : index
    %get3A_9 = vector.load %arg2[%get3A_6, %get3A_7, %get3A_8] : memref<2x1280x128xf32, #tpu.memory_space<vmem>>, vector<1x1250x128xf32>
    %get3A_10 = vector.shape_cast %get3A_9 : vector<1x1250x128xf32> to vector<1250x128xf32>
    %add3A_11 = arith.addf %add3A_5, %get3A_10 : vector<1250x128xf32>
    %rsqrt3A = math.rsqrt %add3A_11 : vector<1250x128xf32>
    %get3A_12 = arith.constant 0 : index
    %get3A_13 = arith.constant 0 : index
    %get3A_14 = vector.load %arg4[%get3A_12, %get3A_13] : memref<1x16xf32, #tpu.memory_space<vmem>>, vector<1x16xf32>
    %tile3A = tpu.concatenate %get3A_14, %get3A_14, %get3A_14, %get3A_14, %get3A_14, %get3A_14, %get3A_14, %get3A_14 in 1 : vector<1x16xf32>, vector<1x16xf32>, vector<1x16xf32>, vector<1x16xf32>, vector<1x16xf32>, vector<1x16xf32>, vector<1x16xf32>, vector<1x16xf32> -> vector<1x128xf32>
    %get3A_15 = arith.constant 0 : index
    %get3A_16 = arith.constant 0 : index
    %get3A_17 = arith.constant 0 : index
    %get3A_18 = vector.load %arg0[%get3A_15, %get3A_16, %get3A_17] : memref<2x1280x128xf32, #tpu.memory_space<vmem>>, vector<1x1250x128xf32>
    %get3A_19 = vector.shape_cast %get3A_18 : vector<1x1250x128xf32> to vector<1250x128xf32>
    %get3A_20 = arith.constant 1 : index
    %get3A_21 = arith.constant 0 : index
    %get3A_22 = arith.constant 0 : index
    %get3A_23 = vector.load %arg0[%get3A_20, %get3A_21, %get3A_22] : memref<2x1280x128xf32, #tpu.memory_space<vmem>>, vector<1x1250x128xf32>
    %get3A_24 = vector.shape_cast %get3A_23 : vector<1x1250x128xf32> to vector<1250x128xf32>
    %add3A_25 = arith.addf %get3A_19, %get3A_24 : vector<1250x128xf32>
    %get3A_26 = arith.constant 0 : index
    %get3A_27 = arith.constant 0 : index
    %get3A_28 = vector.load %arg1[%get3A_26, %get3A_27] : memref<1280x128xf32, #tpu.memory_space<vmem>>, vector<1250x128xf32>
    %add3A_29 = arith.addf %add3A_25, %get3A_28 : vector<1250x128xf32>
    %mul3A = arith.mulf %add3A_29, %rsqrt3A : vector<1250x128xf32>
    %add3A_30 = vector.broadcast %tile3A : vector<1x128xf32> to vector<1250x128xf32>
    %add3A_31 = arith.addf %mul3A, %add3A_30 : vector<1250x128xf32>
    %max3A = arith.constant 0.000000e+00 : f32
    %max3A_32 = vector.broadcast %max3A : f32 to vector<1250x128xf32>
    %max3A_33 = arith.maximumf %add3A_31, %max3A_32 : vector<1250x128xf32>
    %get3A_34 = arith.constant 0 : index
    %get3A_35 = arith.constant 0 : index
    %get3A_36 = vector.load %arg3[%get3A_34, %get3A_35] : memref<16x16xf32, #tpu.memory_space<vmem>>, vector<16x16xf32>
    %tile3A_37 = tpu.concatenate %get3A_36, %get3A_36, %get3A_36, %get3A_36, %get3A_36, %get3A_36, %get3A_36, %get3A_36 in 0 : vector<16x16xf32>, vector<16x16xf32>, vector<16x16xf32>, vector<16x16xf32>, vector<16x16xf32>, vector<16x16xf32>, vector<16x16xf32>, vector<16x16xf32> -> vector<128x16xf32>
    %tile3A_38 = tpu.concatenate %tile3A_37, %tile3A_37, %tile3A_37, %tile3A_37, %tile3A_37, %tile3A_37, %tile3A_37, %tile3A_37 in 1 : vector<128x16xf32>, vector<128x16xf32>, vector<128x16xf32>, vector<128x16xf32>, vector<128x16xf32>, vector<128x16xf32>, vector<128x16xf32>, vector<128x16xf32> -> vector<128x128xf32>
    %iota3A = tpu.iota {dimensions = array<i32: 0>} : vector<128x128xi32>
    %jit3A = arith.constant 16 : i32
    %div3A = vector.broadcast %jit3A : i32 to vector<128x128xi32>
    %div3A_39 = arith.divsi %iota3A, %div3A : vector<128x128xi32>
    %sign3A = arith.constant 0 : i32
    %sign3A_40 = vector.broadcast %sign3A : i32 to vector<128x128xi32>
    %sign3A_41 = arith.cmpi sgt, %iota3A, %sign3A_40 : vector<128x128xi32>
    %sign3A_42 = arith.extui %sign3A_41 : vector<128x128xi1> to vector<128x128xi32>
    %sign3A_43 = arith.constant 0 : i32
    %sign3A_44 = vector.broadcast %sign3A_43 : i32 to vector<128x128xi32>
    %sign3A_45 = arith.cmpi slt, %iota3A, %sign3A_44 : vector<128x128xi32>
    %sign3A_46 = arith.extui %sign3A_45 : vector<128x128xi1> to vector<128x128xi32>
    %sign3A_47 = arith.subi %sign3A_42, %sign3A_46 : vector<128x128xi32>
    %sign3A_48 = arith.constant 0 : i32
    %sign3A_49 = arith.cmpi sgt, %jit3A, %sign3A_48 : i32
    %sign3A_50 = arith.extui %sign3A_49 : i1 to i32
    %sign3A_51 = arith.constant 0 : i32
    %sign3A_52 = arith.cmpi slt, %jit3A, %sign3A_51 : i32
    %sign3A_53 = arith.extui %sign3A_52 : i1 to i32
    %sign3A_54 = arith.subi %sign3A_50, %sign3A_53 : i32
    %ne3A = vector.broadcast %sign3A_54 : i32 to vector<128x128xi32>
    %ne3A_55 = arith.cmpi ne, %sign3A_47, %ne3A : vector<128x128xi32>
    %rem3A = vector.broadcast %jit3A : i32 to vector<128x128xi32>
    %rem3A_56 = arith.remsi %iota3A, %rem3A : vector<128x128xi32>
    %ne3A_57 = arith.constant 0 : i32
    %ne3A_58 = vector.broadcast %ne3A_57 : i32 to vector<128x128xi32>
    %ne3A_59 = arith.cmpi ne, %rem3A_56, %ne3A_58 : vector<128x128xi32>
    %and3A = arith.andi %ne3A_55, %ne3A_59 : vector<128x128xi1>
    %sub3A = arith.constant 1 : i32
    %sub3A_60 = vector.broadcast %sub3A : i32 to vector<128x128xi32>
    %sub3A_61 = arith.subi %div3A_39, %sub3A_60 : vector<128x128xi32>
    %select_n3A = arith.select %and3A, %sub3A_61, %div3A_39 : vector<128x128xi1>, vector<128x128xi32>
    %iota3A_62 = tpu.iota {dimensions = array<i32: 1>} : vector<128x128xi32>
    %jit3A_63 = arith.constant 16 : i32
    %div3A_64 = vector.broadcast %jit3A_63 : i32 to vector<128x128xi32>
    %div3A_65 = arith.divsi %iota3A_62, %div3A_64 : vector<128x128xi32>
    %sign3A_66 = arith.constant 0 : i32
    %sign3A_67 = vector.broadcast %sign3A_66 : i32 to vector<128x128xi32>
    %sign3A_68 = arith.cmpi sgt, %iota3A_62, %sign3A_67 : vector<128x128xi32>
    %sign3A_69 = arith.extui %sign3A_68 : vector<128x128xi1> to vector<128x128xi32>
    %sign3A_70 = arith.constant 0 : i32
    %sign3A_71 = vector.broadcast %sign3A_70 : i32 to vector<128x128xi32>
    %sign3A_72 = arith.cmpi slt, %iota3A_62, %sign3A_71 : vector<128x128xi32>
    %sign3A_73 = arith.extui %sign3A_72 : vector<128x128xi1> to vector<128x128xi32>
    %sign3A_74 = arith.subi %sign3A_69, %sign3A_73 : vector<128x128xi32>
    %sign3A_75 = arith.constant 0 : i32
    %sign3A_76 = arith.cmpi sgt, %jit3A_63, %sign3A_75 : i32
    %sign3A_77 = arith.extui %sign3A_76 : i1 to i32
    %sign3A_78 = arith.constant 0 : i32
    %sign3A_79 = arith.cmpi slt, %jit3A_63, %sign3A_78 : i32
    %sign3A_80 = arith.extui %sign3A_79 : i1 to i32
    %sign3A_81 = arith.subi %sign3A_77, %sign3A_80 : i32
    %ne3A_82 = vector.broadcast %sign3A_81 : i32 to vector<128x128xi32>
    %ne3A_83 = arith.cmpi ne, %sign3A_74, %ne3A_82 : vector<128x128xi32>
    %rem3A_84 = vector.broadcast %jit3A_63 : i32 to vector<128x128xi32>
    %rem3A_85 = arith.remsi %iota3A_62, %rem3A_84 : vector<128x128xi32>
    %ne3A_86 = arith.constant 0 : i32
    %ne3A_87 = vector.broadcast %ne3A_86 : i32 to vector<128x128xi32>
    %ne3A_88 = arith.cmpi ne, %rem3A_85, %ne3A_87 : vector<128x128xi32>
    %and3A_89 = arith.andi %ne3A_83, %ne3A_88 : vector<128x128xi1>
    %sub3A_90 = arith.constant 1 : i32
    %sub3A_91 = vector.broadcast %sub3A_90 : i32 to vector<128x128xi32>
    %sub3A_92 = arith.subi %div3A_65, %sub3A_91 : vector<128x128xi32>
    %select_n3A_93 = arith.select %and3A_89, %sub3A_92, %div3A_65 : vector<128x128xi1>, vector<128x128xi32>
    %eq3A = arith.cmpi eq, %select_n3A, %select_n3A_93 : vector<128x128xi32>
    %jit3A_94 = arith.constant 0.000000e+00 : f32
    %broadcast_in_dim3A = vector.broadcast %jit3A_94 : f32 to vector<128x128xf32>
    %select_n3A_95 = arith.select %eq3A, %tile3A_38, %broadcast_in_dim3A : vector<128x128xi1>, vector<128x128xf32>
    %dot_general3A = arith.constant dense<0.000000e+00> : vector<1250x128xf32>
    %dot_general3A_96 = tpu.matmul %max3A_33, %select_n3A_95, %dot_general3A {dimension_numbers = #tpu.dot_dimension_numbers<[1], [0], [0], [1], [0, 0, 1, 1], [], []>, transpose_lhs_hint = false} : vector<1250x128xf32>, vector<128x128xf32>, vector<1250x128xf32> -> vector<1250x128xf32>
    %mul3A_97 = arith.mulf %dot_general3A_96, %rsqrt3A : vector<1250x128xf32>
    %swap3A = arith.constant 0 : index
    %swap3A_98 = arith.constant 0 : index
    %swap3A_99 = vector.load %arg5[%swap3A, %swap3A_98] : memref<1280x128xf32, #tpu.memory_space<vmem>>, vector<1250x128xf32>
    tpu.vector_store %arg5[%swap3A, %swap3A_98], %mul3A_97 {strides = array<i32>} : memref<1280x128xf32, #tpu.memory_space<vmem>>, vector<1250x128xf32>,
    return
  }
}

</mosaic_0001>

<sc_bundles>
// kernel: kernel.11.cloned.1.call-start
scs
__scs_entry_jumppad:
0x0: {  	(pc) =	sbr.rel $0x88, $3  }
0x1: {  	(tag) =	ssettag $0x0;
	lr =	simm.s32 $0x1  }
0x2: {  	[smem:$0x3F9B] =	sst lr;
	_ =	strace $0xD0000000  }
0x3: {  	_ = 	snop  }
0x4: {  	_ = 	snop  }
0x5: {  	_ = 	snop  }
0x6: {  	_ = 	snop  }
0x7: {  	_ = 	snop  }
__scs_overlays_trampoline_lowered:
0x8: {  	[smem:$0x3FAA] =	sst s0  }
0x9: {  	[smem:$0x3FAB] =	sst s1  }
0xa: {  	[smem:$0x3FAC] =	sst s2  }
0xb: {  	[smem:$0x3FAD] =	sst s3  }
0xc: {  	[smem:$0x3FAE] =	sst s4  }
0xd: {  	[smem:$0x3FAF] =	sst s5  }
0xe: {  	[smem:$0x3FB0] =	sst s6  }
0xf: {  	[smem:$0x3FB1] =	sst s7  }
0x10: {  	[smem:$0x3FB2] =	sst s8  }
0x11: {  	[smem:$0x3FB3] =	sst s9;
	s0 =	simm.s32 @!p0 $0x0  }
0x12: {  	s1 =	sld [smem:$0x3F99];
	s0 =	simm.s32 @p0 $0x1  }
0x13: {  	[smem:$0x3FB4] =	sst s0;
	s0 =	simm.s32 @!p1 $0x0  }
0x14: {  	s2 =	sld [smem:$0x3F98];
	s0 =	simm.s32 @p1 $0x1  }
0x15: {  	[smem:$0x3FB5] =	sst s0;
	s0 =	simm.s32 @!p2 $0x0  }
0x16: {  	s3 =	sld [smem:$0x3FDB];
	s0 =	simm.s32 @p2 $0x1  }
0x17: {  	s4 =	simm.s32 $0x1BF5;
	[smem:$0x3FB7] =	sst s0  }
0x18: {  	s0 =	sld [smem:$0x3F9A];
	_ =	swait.ge [sflag:s4], $0x0  }
0x19: {  	s7 =	sld [smem:$0x3F9B]  }
0x1a: {  	s8 =	sadd.s32 $0xFFFFE003, lr  }
0x1b: {  	s9 =	sadd.s32 $0xFFFFFEF7, lr;
	s5 =	simm.s32 $0xFFFFFFFF;
	p2 =	slt.u32 s8, $0xFFFFF086  }
0x1c: {  	p1 =	slt.u32 s9, $0xF7A;
	s5 =	simm.s32 @!p2 $0x0  }
0x1d: {  	s5 =	simm.s32 @p1 $0x1;
	p0 =	seq.s32 s7, s2  }
0x1e: {  	s7 =	smul.u32 @!p0 $0xF7A, s2;
	p2 =	seq.s32 @!p0 s5, $0x0  }
0x1f: {  	s9 =	smul.u32 $0xF7A, s1;
	s8 =	simm.s32 @!p0 $0x1BF5;
	p2 =	por !p2, p0  }
0x20: {  	[sflag:s8] =	ssyncset.s32 @!p0 $0xFFFFF086;
	s6 =	sadd.s32 @!p0 s3, s7;
	s7 =	simm.s32 @!p0 $0x108  }
0x21: {  	s3 =	sadd.s32 s3, s9;
	s6 =	sadd.s32 @!p0 $0x88, s6;
	s7 =	simm.s32 @p2 $0x1082  }
0x22: {  	[simem:s7], [sflag:s8] =	dma.local @!p0 [hbm:s6], $0xF7A  }
0x23: {  	s9 =	sor.u32 $0xD0000000, s2;
	s6 =	simm.s32 $0x108;
	_ =	swait.ge @!p0 [sflag:s8], $0x0  }
0x24: {  	s3 =	sadd.s32 $0x88, s3;
	s6 =	simm.s32 @!p1 $0x1082;
	[sflag:s4] =	ssyncset.s32 $0xFFFFF086  }
0x25: {  	[simem:s6], [sflag:s4] =	dma.local [hbm:s3], $0xF7A  }
0x26: {  	[smem:$0x3F9B] =	sst s1;
	(tag) =	ssettag s2;
	_ =	strace s9  }
0x27: {  	s1 =	sld [smem:$0x3FAB]  }
0x28: {  	s2 =	sld [smem:$0x3FAC]  }
0x29: {  	s4 =	sld [smem:$0x3FAE]  }
0x2a: {  	p0 =	seq.s32 s5, $0x0;
	s5 =	sld [smem:$0x3FAF]  }
0x2b: {  	s6 =	sld [smem:$0x3FB0]  }
0x2c: {  	s7 =	sld [smem:$0x3FB1]  }
0x2d: {  	s3 =	simm.s32 $0x108;
	s8 =	sld [smem:$0x3FB2]  }
0x2e: {  	s3 =	simm.s32 @!p0 $0x1082;
	s9 =	sld [smem:$0x3FB3]  }
0x2f: {  	lr =	sadd.s32 s0, s3;
	s0 =	sld [smem:$0x3FAA]  }
0x30: {  	s3 =	sld [smem:$0x3FAD]  }
0x31: {  	[smem:$0x3FB6] =	sst s10  }
0x32: {  	s10 =	sld [smem:$0x3FB4];
	_ =	sdelay $0x3  }
0x33: {  	p0 =	seq.s32 s10, $0x1;
	s10 =	sld [smem:$0x3FB6];
	_ =	sdelay $0x3  }
0x34: {  	[smem:$0x3FB6] =	sst s10  }
0x35: {  	s10 =	sld [smem:$0x3FB5];
	_ =	sdelay $0x3  }
0x36: {  	p1 =	seq.s32 s10, $0x1;
	s10 =	sld [smem:$0x3FB6];
	_ =	sdelay $0x3  }
0x37: {  	[smem:$0x3FB6] =	sst s10  }
0x38: {  	s10 =	sld [smem:$0x3FB7]  }
0x39: {  	_ = 	snop;
	(pc) =	sbr.ind lr, $3  }
0x3a: {  	_ = 	snop  }
0x3b: {  	_ = 	snop  }
0x3c: {  	p2 =	seq.s32 s10, $0x1;
	s10 =	sld [smem:$0x3FB6]  }
0x3d: {  	_ =	shalt  }
0x3e: {  	_ =	shalt  }
0x3f: {  	_ =	shalt  }
0x40: {  	_ =	shalt  }
0x41: {  	_ =	shalt  }
0x42: {  	_ =	shalt  }
0x43: {  	_ =	shalt  }
0x44: {  	_ =	shalt  }
0x45: {  	_ =	shalt  }
0x46: {  	_ =	shalt  }
0x47: {  	_ =	shalt  }
0x48: {  	_ =	shalt  }
0x49: {  	_ =	shalt  }
0x4a: {  	_ =	shalt  }
0x4b: {  	_ =	shalt  }
0x4c: {  	_ =	shalt  }
0x4d: {  	_ =	shalt  }
0x4e: {  	_ =	shalt  }
0x4f: {  	_ =	shalt  }
0x50: {  	_ =	shalt  }
0x51: {  	_ =	shalt  }
0x52: {  	_ =	shalt  }
0x53: {  	_ =	shalt  }
0x54: {  	_ =	shalt  }
0x55: {  	_ =	shalt  }
0x56: {  	_ =	shalt  }
0x57: {  	_ =	shalt  }
0x58: {  	_ =	shalt  }
0x59: {  	_ =	shalt  }
0x5a: {  	_ =	shalt  }
0x5b: {  	_ =	shalt  }
0x5c: {  	_ =	shalt  }
0x5d: {  	_ =	shalt  }
0x5e: {  	_ =	shalt  }
0x5f: {  	_ =	shalt  }
0x60: {  	_ =	shalt  }
0x61: {  	_ =	shalt  }
0x62: {  	_ =	shalt  }
0x63: {  	_ =	shalt  }
0x64: {  	_ =	shalt  }
0x65: {  	_ =	shalt  }
0x66: {  	_ =	shalt  }
0x67: {  	_ =	shalt  }
0x68: {  	_ =	shalt  }
0x69: {  	_ =	shalt  }
0x6a: {  	_ =	shalt  }
0x6b: {  	_ =	shalt  }
0x6c: {  	_ =	shalt  }
0x6d: {  	_ =	shalt  }
0x6e: {  	_ =	shalt  }
0x6f: {  	_ =	shalt  }
0x70: {  	_ =	shalt  }
0x71: {  	_ =	shalt  }
0x72: {  	_ =	shalt  }
0x73: {  	_ =	shalt  }
0x74: {  	_ =	shalt  }
0x75: {  	_ =	shalt  }
0x76: {  	_ =	shalt  }
0x77: {  	_ =	shalt  }
0x78: {  	_ =	shalt  }
0x79: {  	_ =	shalt  }
0x7a: {  	_ =	shalt  }
0x7b: {  	_ =	shalt  }
0x7c: {  	_ =	shalt  }
0x7d: {  	_ =	shalt  }
0x7e: {  	_ =	shalt  }
0x7f: {  	_ =	shalt  }
0x80: {  	_ =	shalt  }
0x81: {  	_ =	shalt  }
0x82: {  	_ =	shalt  }
0x83: {  	_ =	shalt  }
0x84: {  	_ =	shalt  }
0x85: {  	_ =	shalt  }
0x86: {  	_ =	shalt  }
0x87: {  	_ =	shalt  }
.Lfunc_end0:
.L_simem_size_0:
called_computation.1_lowered:
.L_overlay_start_0:
0x88: {  	s2 =	sld [smem:$0x3FD9]  }
0x89: {  	s3 =	sld [smem:$0x3FFE];
	_ =	sdelay $0x1  }
0x8a: {  	s1 =	srdreg.scid  }
0x8b: {  	s0 =	sand.u32 $0x1, s1  }
0x8c: {  	s16 =	sshll.u32 s0, $0xA;
	s2 =	sadd.s32 s3, s2  }
0x8d: {  	s2 =	sadd.s32 s2, s16  }
0x8e: {  	[smem:$0x3FC2] =	sst s2  }
0x8f: {  	_ = 	snop  }
0x90: {  	(tm) =	ssettm $0x1  }
0x91: {  	s17 =	sld [smem:$0x3FFB];
	_ =	sdelay $0x3  }
0x92: {  	_ =	strace s17  }
0x93: {  	s2 =	sld [smem:$0x3FFC];
	_ =	sdelay $0x3  }
0x94: {  	_ =	strace s2  }
0x95: {  	s2 =	sld [smem:$0x3FFD];
	_ =	sdelay $0x3  }
0x96: {  	_ =	strace s2  }
0x97: {  	_ =	strace $0x8FFFFFFF  }
0x98: {  	s18 =	sld [smem:$0x3FDB];
	_ =	sdelay $0x1  }
0x99: {  	s19 =	simm.s32 $_scs_section_size  }
0x9a: {  	s4 =	simm.s32 $_size__tile_overlayer_lowered;
	s5 =	simm.s32 $_tile_overlayer_lowered  }
0x9b: {  	s22 =	simm.s32 $0x1BFF;
	s21 =	sshll.u32 s5, $0x1;
	s2 =	sadd.s32 s19, s18  }
0x9c: {  	s6 =	simm.s32 $0x0;
	s20 =	sshll.u32 s4, $0x1;
	s4 =	sadd.s32 s21, s2  }
0x9d: {  	[timem:s6], [sflag:s22] =	dma.local [hbm:s4], s20  }
0x9e: {  	_ =	swait.ge [sflag:s22], s20  }
0x9f: {  	s3 =	ssub.s32 $0x0, s20;
	[sflag:s22] =	ssyncset.done $0x0  }
0xa0: {  	[sflag:s22] =	ssyncadd.s32 s3;
	_ =	sdelay $0x1  }
0xa1: {  	s23 =	simm.s32 $0x1B8B  }
0xa2: {  	_ =	swait.ge [sflag:s23], $0x1  }
0xa3: {  	[sflag:s23] =	ssyncset.done $0x0  }
0xa4: {  	s25 =	simm.s32 $0x1B8E;
	s24 =	sld [smem:$0x3FFE];
	[sflag:s23] =	ssyncadd.s32 $0xFFFFFFFF  }
0xa5: {  	s26 =	simm.s32 $execute0_lowered;
	[smem:$0x3FD2] =	sst s25  }
0xa6: {  	s4 =	sshll.u32 s26, $0x1;
	_ =	strace $0x80000049;
	[dreg:$0x1] =	wrdreg $0xFFFFFFFF  }
0xa7: {  	s28 =	simm.s32 $_size_execute0_lowered;
	s2 =	sadd.s32 s2, s4;
	[dreg:$0x0] =	wrdreg $0x0  }
0xa8: {  	s4 =	sshll.u32 s28, $0x1;
	[dreg:$0x2] =	wrdreg s2  }
0xa9: {  	[dreg:$0x3] =	wrdreg s4  }
0xaa: {  	[dreg:$0x4] =	wrdreg $0xC0  }
0xab: {  	_ =	task [dreg:s6], $0x5FFFF  }
0xac: {  	[dreg:$0x1] =	wrdreg $0xFFFFFFFF  }
0xad: {  	[dreg:$0x0] =	wrdreg $0x60  }
0xae: {  	[dreg:$0x2] =	wrdreg s24  }
0xaf: {  	[dreg:$0x3] =	wrdreg $0x8F200  }
0xb0: {  	[dreg:$0x4] =	wrdreg $0xB7200  }
0xb1: {  	[dreg:$0x5] =	wrdreg $0x9  }
0xb2: {  	_ =	task.clear_ibuf [dreg:s6], $0x6FFFF;
	_ =	strace $0x90000049  }
0xb3: {  	s29 =	simm.s32 $0x9;
	_ =	strace $0x8000004B  }
0xb4: {  	_ =	swait.ge [sflag:s29], $0x1  }
0xb5: {  	[sflag:s29] =	ssyncadd.s32 $0xFFFFFFFF  }
0xb6: {  	_ =	strace $0x9000004B  }
0xb7: {  	_ =	sfence  }
0xb8: {  	s30 =	sld [smem:$0x0];
	_ =	sdelay $0x2  }
0xb9: {  	s31 =	sshll.u32 s1, $0xD;
	s1 =	sshrl.u32 s1, $0x2  }
0xba: {  	s3 =	sand.u32 $0x4000, s31;
	s1 =	sadd.s32 s1, s30  }
0xbb: {  	s0 =	sor.u32 s3, s0;
	s1 =	sshll.u32 s1, $0x11  }
0xbc: {  	s0 =	sor.u32 s1, s0  }
0xbd: {  	s0 =	sadd.s32 $0x8F2B, s0  }
0xbe: {  	[sflag:s0] =	ssyncadd.remote.s32 $0x1  }
0xbf: {  	_ =	sfence.sel $0xFFFF  }
0xc0: {  	[dreg:$0x0] =	wrdreg $0xFFFFFFFF;
	(pc) =	sbr.abs _section_cstart, $3  }
0xc1: {  	[dreg:$0x1] =	wrdreg $0xFFFFFFFF  }
0xc2: {  	_ =	task.clear_ibuf [dreg:s6], $0x2FFFF;
	_ =	strace $0x9FFFFFFF  }
0xc3: {  	(tm) =	ssettm $0x7FFFFFFF  }
tec
execute0_lowered:
.L_overlay_start_1:
0x0: {  	(tag) =	ssettag $0x1  }
0x1: {  	s0 =	rddreg [dreg:$0x0]  }
0x2: {  	s2 =	rddreg [dreg:$0x1];
	s1 =	srdreg.scid  }
0x3: {  	s3 =	rddreg [dreg:$0x2];
	s11 =	stileid.u32;
	s7 =	simm.s32 $0x0  }
0x4: {  	s12 =	simm.s32 $0xB;
	s16 =	simm.s32 $0x50;
	s17 =	simm.s32 $0x4E20  }
0x5: {  	s18 =	simm.s32 $0x5320;
	s20 =	simm.s32 $0x5820;
	s22 =	simm.s32 $0x5D20  }
0x6: {  	s28 =	simm.s32 $0x3;
	s29 =	simm.s32 $0x4;
	s30 =	simm.s32 $0x5  }
0x7: {  	s31 =	simm.s32 $0x6;
	s15 =	simm.s32 $0xA;
	s1 =	sand.u32 $0x1, s1  }
0x8: {  	s4 =	smul.u32 $0x2800, s11;
	[smem:$0x7FF] =	sst s7;
	s26 =	sshll.u32 s11, $0x6  }
0x9: {  	s5 =	sshll.u32 s1, $0x4;
	s6 =	smul.u32 $0x28000, s1;
	_ =	strace $0x8000004A  }
0xa: {  	s1 =	ssub.s32 $0x2, s1;
	s13 =	sor.u32 $0x1C0B, s26;
	s26 =	simm.s32 $0x2  }
0xb: {  	s5 =	sor.u32 s11, s5;
	s23 =	sshrl.u32 s4, $0x3;
	s24 =	sshrl.u32 s1, $0x1  }
0xc: {  	s11 =	simm.s32 $0x6720;
	s5 =	smul.u32 $0x2710, s5;
	s7 =	sadd.s32 s23, s0  }
0xd: {  	s6 =	sadd.s32 s4, s6;
	s1 =	ssub.s32 s1, s24;
	s24 =	simm.s32 $0x6220  }
0xe: {  	s23 =	simm.s32 $0x0;
	s6 =	sshrl.u32 s6, $0x3;
	s25 =	sadd.s32 $0x16400, s7  }
0xf: {  	s10 =	smax.u32 s1, $0x1;
	s1 =	simm.s32 $0x8;
	s5 =	sshrl.u32 s5, $0x3  }
0x10: {  	[dreg:$0x4] =	wrdreg s25;
	s25 =	simm.s32 $0x1;
	s8 =	sadd.s32 s5, s0  }
0x11: {  	s0 =	sadd.s32 s6, s0;
	s5 =	sadd.s32 s4, s2;
	s4 =	sadd.s32 s4, s3  }
0x12: {  	s7 =	sadd.s32 $0x2A00, s8;
	s8 =	sadd.s32 $0xC640, s8;
	s9 =	sadd.s32 $0x1B400, s0  }
0x13: {  	v0 =	vimm.f32 $0.0e+00;
	s14 =	sshrl.u32 s4, $0x3;
	s0 =	simm.s32 $0x7;
	s4 =	simm.s32 $0x9  }
.LBB2_1:
0x14: {  	s19 =	simm.s32 $0x40;
	s21 =	simm.s32 $0x0  }
.LBB2_2:
0x15: {  	p0 =	sne.s32 s19, $0x9FC0;
	[tilespmem:s21+$0x6720] =	vst v0;
	s21 =	smov.u32 s19;
	s19 =	sadd.s32 $0x40, s19  }
.Ltmp0:
0x16: {  	(pc) =	sbr.rel @p0 .LBB2_2-.Ltmp0, $2  }
0x17: {  	_ =	sdelay $0x2  }
0x18: {  	s21 =	sshra.s32 s21, $0x2  }
0x19: {  	[tilespmem:s21+$0x6720] =	vst v0  }
0x1a: {  	[spmem:s5] =	stream.linear.scatter [tilespmem:s11], [sflag:$0xB], $0x2800, $0x38;
	[tilespmem:$0xDF20] =	vst v63  }
0x1b: {  	_ =	swait.ge [sflag:s12], $0x2800  }
0x1c: {  	[sflag:s12] =	ssyncset.done $0x0  }
0x1d: {  	s6 =	rddreg [dreg:$0x4];
	[sflag:s12] =	ssyncadd.s32 $0xFFFFD800  }
0x1e: {  	[spmem:s14], [sflag:s13] =	dma.local [hbm:s6], $0x500  }
0x1f: {  	_ =	swait.ge [sflag:s12], $0x500  }
0x20: {  	[sflag:s12] =	ssyncset.done $0x0  }
0x21: {  	[sflag:s12] =	ssyncadd.s32 $0xFFFFFB00  }
0x22: {  	s19 =	simm.s32 $0x0;
	[bflag:$0x0] =	sbarrier.arrive $0xFFFF  }
0x23: {  	[tilespmem:s19], [sflag:$0xB] =	stream.linear.gather [hbm4b:s7+s19], $0x2710, $0x38;
	[tilespmem:$0xDF20] =	vst v63  }
0x24: {  	_ =	swait.ge [sflag:s12], $0x2710  }
0x25: {  	[sflag:s12] =	ssyncset.done $0x0  }
0x26: {  	s21 =	simm.s32 $0x2710;
	[sflag:s12] =	ssyncadd.s32 $0xFFFFD8F0  }
0x27: {  	[tilespmem:s21], [sflag:$0xB] =	stream.linear.gather [hbm4b:s8+s19], $0x2710, $0x38;
	[tilespmem:$0xDF20] =	vst v63  }
0x28: {  	_ =	swait.ge [sflag:s12], $0x2710  }
0x29: {  	[sflag:s12] =	ssyncset.done $0x0  }
0x2a: {  	[sflag:s12] =	ssyncadd.s32 $0xFFFFD8F0  }
0x2b: {  	[tilespmem:s17], [sflag:$0x1] =	stream.indirect.gather [spmem:s3], $0x10, s19, s16, $0xb8;
	[tilespmem:$0xDF20] =	vst v63  }
0x2c: {  	_ = 	snop  }
0x2d: {  	[tilespmem:s18], [sflag:$0x2] =	stream.indirect.gather [spmem:s3], $0x10, s16, s16, $0xb8;
	[tilespmem:$0xDF20] =	vst v63  }
0x2e: {  	s19 =	simm.s32 $0xA0  }
0x2f: {  	[tilespmem:s20], [sflag:$0x3] =	stream.indirect.gather [spmem:s3], $0x10, s19, s16, $0xb8;
	[tilespmem:$0xDF20] =	vst v63  }
0x30: {  	s21 =	simm.s32 $0xF0  }
0x31: {  	[tilespmem:s22], [sflag:$0x4] =	stream.indirect.gather [spmem:s3], $0x10, s21, s16, $0xb8;
	[tilespmem:$0xDF20] =	vst v63  }
0x32: {  	s19 =	simm.s32 $0x140  }
0x33: {  	[tilespmem:s24], [sflag:$0x5] =	stream.indirect.gather [spmem:s3], $0x10, s19, s16, $0xb8;
	[tilespmem:$0xDF20] =	vst v63  }
0x34: {  	_ =	swait.ge [sflag:s25], $0x500  }
0x35: {  	[sflag:s25] =	ssyncset.done $0x0  }
0x36: {  	s21 =	simm.s32 $0x2710;
	[sflag:s25] =	ssyncadd.s32 $0xFFFFFB00  }
0x37: {  	[spmem:s2] =	stream.indirect.scatter.add.f32 [tilespmem:s17], [sflag:$0x6], $0x10, s21, s16, $0xb8;
	[tilespmem:$0xDF20] =	vst v63  }
0x38: {  	_ =	swait.ge [sflag:s26], $0x500  }
0x39: {  	[sflag:s26] =	ssyncset.done $0x0  }
0x3a: {  	s6 =	simm.s32 $0x2760;
	[sflag:s26] =	ssyncadd.s32 $0xFFFFFB00  }
0x3b: {  	[spmem:s2] =	stream.indirect.scatter.add.f32 [tilespmem:s18], [sflag:$0x7], $0x10, s6, s16, $0xb8;
	[tilespmem:$0xDF20] =	vst v63  }
0x3c: {  	_ =	swait.ge [sflag:s28], $0x500  }
0x3d: {  	[sflag:s28] =	ssyncset.done $0x0  }
0x3e: {  	s21 =	simm.s32 $0x27B0;
	[sflag:s28] =	ssyncadd.s32 $0xFFFFFB00  }
0x3f: {  	[spmem:s2] =	stream.indirect.scatter.add.f32 [tilespmem:s20], [sflag:$0x8], $0x10, s21, s16, $0xb8;
	[tilespmem:$0xDF20] =	vst v63  }
0x40: {  	_ =	swait.ge [sflag:s29], $0x500  }
0x41: {  	[sflag:s29] =	ssyncset.done $0x0  }
0x42: {  	s6 =	simm.s32 $0x2800;
	[sflag:s29] =	ssyncadd.s32 $0xFFFFFB00  }
0x43: {  	[spmem:s2] =	stream.indirect.scatter.add.f32 [tilespmem:s22], [sflag:$0x9], $0x10, s6, s16, $0xb8;
	[tilespmem:$0xDF20] =	vst v63  }
0x44: {  	_ =	swait.ge [sflag:s30], $0x500  }
0x45: {  	[sflag:s30] =	ssyncset.done $0x0  }
0x46: {  	s21 =	simm.s32 $0x2850;
	[sflag:s30] =	ssyncadd.s32 $0xFFFFFB00  }
0x47: {  	[spmem:s2] =	stream.indirect.scatter.add.f32 [tilespmem:s24], [sflag:$0xA], $0x10, s21, s16, $0xb8;
	[tilespmem:$0xDF20] =	vst v63  }
0x48: {  	_ =	swait.ge [sflag:s31], $0x500  }
0x49: {  	[sflag:s31] =	ssyncset.done $0x0  }
0x4a: {  	s6 =	simm.s32 $0x190;
	[sflag:s31] =	ssyncadd.s32 $0xFFFFFB00  }
0x4b: {  	[tilespmem:s17], [sflag:$0x1] =	stream.indirect.gather [spmem:s3], $0x10, s6, s16, $0xb8;
	[tilespmem:$0xDF20] =	vst v63  }
0x4c: {  	_ =	swait.ge [sflag:s0], $0x500  }
0x4d: {  	[sflag:s0] =	ssyncset.done $0x0  }
0x4e: {  	s21 =	simm.s32 $0x1E0;
	[sflag:s0] =	ssyncadd.s32 $0xFFFFFB00  }
0x4f: {  	[tilespmem:s18], [sflag:$0x2] =	stream.indirect.gather [spmem:s3], $0x10, s21, s16, $0xb8;
	[tilespmem:$0xDF20] =	vst v63  }
0x50: {  	_ =	swait.ge [sflag:s1], $0x500  }
0x51: {  	[sflag:s1] =	ssyncset.done $0x0  }
0x52: {  	s6 =	simm.s32 $0x230;
	[sflag:s1] =	ssyncadd.s32 $0xFFFFFB00  }
0x53: {  	[tilespmem:s20], [sflag:$0x3] =	stream.indirect.gather [spmem:s3], $0x10, s6, s16, $0xb8;
	[tilespmem:$0xDF20] =	vst v63  }
0x54: {  	_ =	swait.ge [sflag:s4], $0x500  }
0x55: {  	[sflag:s4] =	ssyncset.done $0x0  }
0x56: {  	s21 =	simm.s32 $0x280;
	[sflag:s4] =	ssyncadd.s32 $0xFFFFFB00  }
0x57: {  	[tilespmem:s22], [sflag:$0x4] =	stream.indirect.gather [spmem:s3], $0x10, s21, s16, $0xb8;
	[tilespmem:$0xDF20] =	vst v63  }
0x58: {  	_ =	swait.ge [sflag:s15], $0x500  }
0x59: {  	[sflag:s15] =	ssyncset.done $0x0  }
0x5a: {  	s19 =	simm.s32 $0x640;
	s21 =	simm.s32 $0x2D0;
	[sflag:s15] =	ssyncadd.s32 $0xFFFFFB00  }
.LBB2_4:
0x5b: {  	[tilespmem:s24], [sflag:$0x5] =	stream.indirect.gather [spmem:s3], $0x10, s21, s16, $0xb8;
	[tilespmem:$0xDF20] =	vst v63  }
0x5c: {  	s21 =	smov.u32 s19  }
0x5d: {  	p0 =	sne.s32 s19, $0x8FC0;
	s19 =	sadd.s32 $0x640, s19;
	_ =	swait.ge [sflag:s25], $0x500  }
0x5e: {  	s21 =	sshra.s32 s21, $0x2;
	[sflag:s25] =	ssyncset.done $0x0  }
0x5f: {  	s6 =	sadd.s32 $0x2710, s21;
	[sflag:s25] =	ssyncadd.s32 $0xFFFFFB00  }
0x60: {  	[spmem:s2] =	stream.indirect.scatter.add.f32 [tilespmem:s17], [sflag:$0x6], $0x10, s6, s16, $0xb8;
	[tilespmem:$0xDF20] =	vst v63  }
0x61: {  	_ =	swait.ge [sflag:s26], $0x500  }
0x62: {  	[sflag:s26] =	ssyncset.done $0x0  }
0x63: {  	s6 =	sadd.s32 $0x2760, s21;
	[sflag:s26] =	ssyncadd.s32 $0xFFFFFB00  }
0x64: {  	[spmem:s2] =	stream.indirect.scatter.add.f32 [tilespmem:s18], [sflag:$0x7], $0x10, s6, s16, $0xb8;
	[tilespmem:$0xDF20] =	vst v63  }
0x65: {  	_ =	swait.ge [sflag:s28], $0x500  }
0x66: {  	[sflag:s28] =	ssyncset.done $0x0  }
0x67: {  	s6 =	sadd.s32 $0x27B0, s21;
	[sflag:s28] =	ssyncadd.s32 $0xFFFFFB00  }
0x68: {  	[spmem:s2] =	stream.indirect.scatter.add.f32 [tilespmem:s20], [sflag:$0x8], $0x10, s6, s16, $0xb8;
	[tilespmem:$0xDF20] =	vst v63  }
0x69: {  	_ =	swait.ge [sflag:s29], $0x500  }
0x6a: {  	[sflag:s29] =	ssyncset.done $0x0  }
0x6b: {  	s6 =	sadd.s32 $0x2800, s21;
	[sflag:s29] =	ssyncadd.s32 $0xFFFFFB00  }
0x6c: {  	[spmem:s2] =	stream.indirect.scatter.add.f32 [tilespmem:s22], [sflag:$0x9], $0x10, s6, s16, $0xb8;
	[tilespmem:$0xDF20] =	vst v63  }
0x6d: {  	_ =	swait.ge [sflag:s30], $0x500  }
0x6e: {  	[sflag:s30] =	ssyncset.done $0x0  }
0x6f: {  	s6 =	sadd.s32 $0x2850, s21;
	[sflag:s30] =	ssyncadd.s32 $0xFFFFFB00  }
0x70: {  	[spmem:s2] =	stream.indirect.scatter.add.f32 [tilespmem:s24], [sflag:$0xA], $0x10, s6, s16, $0xb8;
	[tilespmem:$0xDF20] =	vst v63  }
0x71: {  	_ =	swait.ge [sflag:s31], $0x500  }
0x72: {  	[sflag:s31] =	ssyncset.done $0x0  }
0x73: {  	s6 =	sadd.s32 $0x190, s21;
	[sflag:s31] =	ssyncadd.s32 $0xFFFFFB00  }
0x74: {  	[tilespmem:s17], [sflag:$0x1] =	stream.indirect.gather [spmem:s3], $0x10, s6, s16, $0xb8;
	[tilespmem:$0xDF20] =	vst v63  }
0x75: {  	_ =	swait.ge [sflag:s0], $0x500  }
0x76: {  	[sflag:s0] =	ssyncset.done $0x0  }
0x77: {  	s6 =	sadd.s32 $0x1E0, s21;
	[sflag:s0] =	ssyncadd.s32 $0xFFFFFB00  }
0x78: {  	[tilespmem:s18], [sflag:$0x2] =	stream.indirect.gather [spmem:s3], $0x10, s6, s16, $0xb8;
	[tilespmem:$0xDF20] =	vst v63  }
0x79: {  	_ =	swait.ge [sflag:s1], $0x500  }
0x7a: {  	[sflag:s1] =	ssyncset.done $0x0  }
0x7b: {  	s6 =	sadd.s32 $0x230, s21;
	[sflag:s1] =	ssyncadd.s32 $0xFFFFFB00  }
0x7c: {  	[tilespmem:s20], [sflag:$0x3] =	stream.indirect.gather [spmem:s3], $0x10, s6, s16, $0xb8;
	[tilespmem:$0xDF20] =	vst v63  }
0x7d: {  	_ =	swait.ge [sflag:s4], $0x500  }
0x7e: {  	[sflag:s4] =	ssyncset.done $0x0  }
.Ltmp1:
0x7f: {  	s6 =	sadd.s32 $0x280, s21;
	[sflag:s4] =	ssyncadd.s32 $0xFFFFFB00;
	(pc) =	sbr.rel @p0 .LBB2_4-.Ltmp1, $4  }
0x80: {  	[tilespmem:s22], [sflag:$0x4] =	stream.indirect.gather [spmem:s3], $0x10, s6, s16, $0xb8;
	[tilespmem:$0xDF20] =	vst v63  }
0x81: {  	_ =	swait.ge [sflag:s15], $0x500  }
0x82: {  	[sflag:s15] =	ssyncset.done $0x0  }
0x83: {  	s21 =	sadd.s32 $0x2D0, s21;
	[sflag:s15] =	ssyncadd.s32 $0xFFFFFB00  }
0x84: {  	[tilespmem:s24], [sflag:$0x5] =	stream.indirect.gather [spmem:s3], $0x10, s21, s16, $0xb8;
	[tilespmem:$0xDF20] =	vst v63  }
0x85: {  	_ =	swait.ge [sflag:s25], $0x500  }
0x86: {  	[sflag:s25] =	ssyncset.done $0x0  }
0x87: {  	s6 =	simm.s32 $0x4C90;
	[sflag:s25] =	ssyncadd.s32 $0xFFFFFB00  }
0x88: {  	[spmem:s2] =	stream.indirect.scatter.add.f32 [tilespmem:s17], [sflag:$0x6], $0x10, s6, s16, $0xb8;
	[tilespmem:$0xDF20] =	vst v63  }
0x89: {  	_ =	swait.ge [sflag:s26], $0x500  }
0x8a: {  	[sflag:s26] =	ssyncset.done $0x0  }
0x8b: {  	s21 =	simm.s32 $0x4CE0;
	[sflag:s26] =	ssyncadd.s32 $0xFFFFFB00  }
0x8c: {  	[spmem:s2] =	stream.indirect.scatter.add.f32 [tilespmem:s18], [sflag:$0x7], $0x10, s21, s16, $0xb8;
	[tilespmem:$0xDF20] =	vst v63  }
0x8d: {  	_ =	swait.ge [sflag:s28], $0x500  }
0x8e: {  	[sflag:s28] =	ssyncset.done $0x0  }
0x8f: {  	s19 =	simm.s32 $0x4D30;
	[sflag:s28] =	ssyncadd.s32 $0xFFFFFB00  }
0x90: {  	[spmem:s2] =	stream.indirect.scatter.add.f32 [tilespmem:s20], [sflag:$0x8], $0x10, s19, s16, $0xb8;
	[tilespmem:$0xDF20] =	vst v63  }
0x91: {  	_ =	swait.ge [sflag:s29], $0x500  }
0x92: {  	[sflag:s29] =	ssyncset.done $0x0  }
0x93: {  	s21 =	simm.s32 $0x4D80;
	[sflag:s29] =	ssyncadd.s32 $0xFFFFFB00  }
0x94: {  	[spmem:s2] =	stream.indirect.scatter.add.f32 [tilespmem:s22], [sflag:$0x9], $0x10, s21, s16, $0xb8;
	[tilespmem:$0xDF20] =	vst v63  }
0x95: {  	_ =	swait.ge [sflag:s30], $0x500  }
0x96: {  	[sflag:s30] =	ssyncset.done $0x0  }
0x97: {  	s19 =	simm.s32 $0x4DD0;
	[sflag:s30] =	ssyncadd.s32 $0xFFFFFB00  }
0x98: {  	[spmem:s2] =	stream.indirect.scatter.add.f32 [tilespmem:s24], [sflag:$0xA], $0x10, s19, s16, $0xb8;
	[tilespmem:$0xDF20] =	vst v63  }
0x99: {  	_ =	swait.ge [sflag:s31], $0x500  }
0x9a: {  	[sflag:s31] =	ssyncset.done $0x0  }
0x9b: {  	[sflag:s31] =	ssyncadd.s32 $0xFFFFFB00  }
0x9c: {  	_ =	swait.ge [sflag:s0], $0x500  }
0x9d: {  	[sflag:s0] =	ssyncset.done $0x0  }
0x9e: {  	[sflag:s0] =	ssyncadd.s32 $0xFFFFFB00  }
0x9f: {  	_ =	swait.ge [sflag:s1], $0x500  }
0xa0: {  	[sflag:s1] =	ssyncset.done $0x0  }
0xa1: {  	[sflag:s1] =	ssyncadd.s32 $0xFFFFFB00  }
0xa2: {  	_ =	swait.ge [sflag:s4], $0x500  }
0xa3: {  	[sflag:s4] =	ssyncset.done $0x0  }
0xa4: {  	[sflag:s4] =	ssyncadd.s32 $0xFFFFFB00  }
0xa5: {  	_ =	swait.ge [sflag:s15], $0x500  }
0xa6: {  	[sflag:s15] =	ssyncset.done $0x0  }
0xa7: {  	[sflag:s15] =	ssyncadd.s32 $0xFFFFFB00  }
0xa8: {  	[bflag:$0x0] =	sbarrier.arrive $0xFFFF  }
0xa9: {  	[tilespmem:s11], [sflag:$0xB] =	stream.linear.gather [spmem:s5], $0x2800, $0x38;
	[tilespmem:$0xDF20] =	vst v63  }
0xaa: {  	s23 =	sadd.s32 $0x1, s23;
	_ =	swait.ge [sflag:s12], $0x2800  }
0xab: {  	p0 =	sne.s32 s23, s10;
	[sflag:s12] =	ssyncset.done $0x0  }
.Ltmp2:
0xac: {  	s21 =	simm.s32 $0x0;
	[sflag:s12] =	ssyncadd.s32 $0xFFFFD800;
	(pc) =	sbr.rel @p0 .LBB2_1-.Ltmp2, $4  }
0xad: {  	[hbm4b:s9+s21] =	stream.linear.scatter [tilespmem:s11], [sflag:$0xB], $0x2800, $0x38;
	[tilespmem:$0xDF20] =	vst v63  }
0xae: {  	_ =	swait.ge [sflag:s12], $0x2800  }
0xaf: {  	[sflag:s12] =	ssyncset.done $0x0  }
0xb0: {  	[sflag:s12] =	ssyncadd.s32 $0xFFFFD800  }
0xb1: {  	_ =	sfence.sel $0x180000  }
0xb2: {  	[bflag:$0x0] =	sbarrier.arrive $0xFFFF  }
0xb3: {  	_ =	strace $0x9000004A  }
0xb4: {  	s0 =	stileid.u32;
	[bflag:$0x2] =	sbarrier.arrive $0xFFFF  }
0xb5: {  	p0 =	sne.s32 s0, $0x0;
	s0 =	rddreg [dreg:$0x3]  }
0xb6: {  	s0 =	sadd.s32 @!p0 $0x100000, s0  }
0xb7: {  	[sflag:s0] =	ssyncadd.tile.s32 @!p0 $0x1;
	_ =	shalt  }
.Lfunc_end2:
_tile_overlayer_lowered:
.L_overlay_start_2:
0xb8: {  	(tag) =	ssettag $0x2  }
0xb9: {  	s0 =	rddreg [dreg:$0x0];
	s2 =	stileid.u32  }
0xba: {  	s1 =	rddreg [dreg:$0x1];
	p0 =	sne.s32 s2, $0x0  }
0xbb: {  	s3 =	rddreg [dreg:$0x2];
	[bflag:$0x3] =	sbarrier.arrive $0xFFFF;
	s2 =	simm.s32 @!p0 $0x1C0B  }
0xbc: {  	[timem:s3], [sflag:s2] =	dma.local @!p0 [hbm:s0], s1  }
0xbd: {  	s0 =	simm.s32 @!p0 $0xB  }
0xbe: {  	_ =	swait.ge @!p0 [sflag:s0], s1  }
0xbf: {  	s1 =	ssub.s32 @!p0 $0x0, s1;
	[sflag:s0] =	ssyncset.done @!p0 $0x0  }
0xc0: {  	[sflag:s0] =	ssyncadd.s32 @!p0 s1  }
0xc1: {  	[bflag:$0x3] =	sbarrier.arrive $0xFFFF  }
0xc2: {  	_ =	shalt  }

// kernel: kernel.14.cloned.1.call-start
scs
__scs_entry_jumppad:
0x0: {  	(pc) =	sbr.rel $0x88, $3  }
0x1: {  	(tag) =	ssettag $0x0;
	lr =	simm.s32 $0x1  }
0x2: {  	[smem:$0x3F9B] =	sst lr;
	_ =	strace $0xD0000000  }
0x3: {  	_ = 	snop  }
0x4: {  	_ = 	snop  }
0x5: {  	_ = 	snop  }
0x6: {  	_ = 	snop  }
0x7: {  	_ = 	snop  }
__scs_overlays_trampoline_lowered:
0x8: {  	[smem:$0x3FAA] =	sst s0  }
0x9: {  	[smem:$0x3FAB] =	sst s1  }
0xa: {  	[smem:$0x3FAC] =	sst s2  }
0xb: {  	[smem:$0x3FAD] =	sst s3  }
0xc: {  	[smem:$0x3FAE] =	sst s4  }
0xd: {  	[smem:$0x3FAF] =	sst s5  }
0xe: {  	[smem:$0x3FB0] =	sst s6  }
0xf: {  	[smem:$0x3FB1] =	sst s7  }
0x10: {  	[smem:$0x3FB2] =	sst s8  }
0x11: {  	[smem:$0x3FB3] =	sst s9;
	s0 =	simm.s32 @!p0 $0x0  }
0x12: {  	s1 =	sld [smem:$0x3F99];
	s0 =	simm.s32 @p0 $0x1  }
0x13: {  	[smem:$0x3FB4] =	sst s0;
	s0 =	simm.s32 @!p1 $0x0  }
0x14: {  	s2 =	sld [smem:$0x3F98];
	s0 =	simm.s32 @p1 $0x1  }
0x15: {  	[smem:$0x3FB5] =	sst s0;
	s0 =	simm.s32 @!p2 $0x0  }
0x16: {  	s3 =	sld [smem:$0x3FDB];
	s0 =	simm.s32 @p2 $0x1  }
0x17: {  	s4 =	simm.s32 $0x1BF5;
	[smem:$0x3FB7] =	sst s0  }
0x18: {  	s0 =	sld [smem:$0x3F9A];
	_ =	swait.ge [sflag:s4], $0x0  }
0x19: {  	s7 =	sld [smem:$0x3F9B]  }
0x1a: {  	s8 =	sadd.s32 $0xFFFFE003, lr  }
0x1b: {  	s9 =	sadd.s32 $0xFFFFFEF7, lr;
	s5 =	simm.s32 $0xFFFFFFFF;
	p2 =	slt.u32 s8, $0xFFFFF086  }
0x1c: {  	p1 =	slt.u32 s9, $0xF7A;
	s5 =	simm.s32 @!p2 $0x0  }
0x1d: {  	s5 =	simm.s32 @p1 $0x1;
	p0 =	seq.s32 s7, s2  }
0x1e: {  	s7 =	smul.u32 @!p0 $0xF7A, s2;
	p2 =	seq.s32 @!p0 s5, $0x0  }
0x1f: {  	s9 =	smul.u32 $0xF7A, s1;
	s8 =	simm.s32 @!p0 $0x1BF5;
	p2 =	por !p2, p0  }
0x20: {  	[sflag:s8] =	ssyncset.s32 @!p0 $0xFFFFF086;
	s6 =	sadd.s32 @!p0 s3, s7;
	s7 =	simm.s32 @!p0 $0x108  }
0x21: {  	s3 =	sadd.s32 s3, s9;
	s6 =	sadd.s32 @!p0 $0x88, s6;
	s7 =	simm.s32 @p2 $0x1082  }
0x22: {  	[simem:s7], [sflag:s8] =	dma.local @!p0 [hbm:s6], $0xF7A  }
0x23: {  	s9 =	sor.u32 $0xD0000000, s2;
	s6 =	simm.s32 $0x108;
	_ =	swait.ge @!p0 [sflag:s8], $0x0  }
0x24: {  	s3 =	sadd.s32 $0x88, s3;
	s6 =	simm.s32 @!p1 $0x1082;
	[sflag:s4] =	ssyncset.s32 $0xFFFFF086  }
0x25: {  	[simem:s6], [sflag:s4] =	dma.local [hbm:s3], $0xF7A  }
0x26: {  	[smem:$0x3F9B] =	sst s1;
	(tag) =	ssettag s2;
	_ =	strace s9  }
0x27: {  	s1 =	sld [smem:$0x3FAB]  }
0x28: {  	s2 =	sld [smem:$0x3FAC]  }
0x29: {  	s4 =	sld [smem:$0x3FAE]  }
0x2a: {  	p0 =	seq.s32 s5, $0x0;
	s5 =	sld [smem:$0x3FAF]  }
0x2b: {  	s6 =	sld [smem:$0x3FB0]  }
0x2c: {  	s7 =	sld [smem:$0x3FB1]  }
0x2d: {  	s3 =	simm.s32 $0x108;
	s8 =	sld [smem:$0x3FB2]  }
0x2e: {  	s3 =	simm.s32 @!p0 $0x1082;
	s9 =	sld [smem:$0x3FB3]  }
0x2f: {  	lr =	sadd.s32 s0, s3;
	s0 =	sld [smem:$0x3FAA]  }
0x30: {  	s3 =	sld [smem:$0x3FAD]  }
0x31: {  	[smem:$0x3FB6] =	sst s10  }
0x32: {  	s10 =	sld [smem:$0x3FB4];
	_ =	sdelay $0x3  }
0x33: {  	p0 =	seq.s32 s10, $0x1;
	s10 =	sld [smem:$0x3FB6];
	_ =	sdelay $0x3  }
0x34: {  	[smem:$0x3FB6] =	sst s10  }
0x35: {  	s10 =	sld [smem:$0x3FB5];
	_ =	sdelay $0x3  }
0x36: {  	p1 =	seq.s32 s10, $0x1;
	s10 =	sld [smem:$0x3FB6];
	_ =	sdelay $0x3  }
0x37: {  	[smem:$0x3FB6] =	sst s10  }
0x38: {  	s10 =	sld [smem:$0x3FB7]  }
0x39: {  	_ = 	snop;
	(pc) =	sbr.ind lr, $3  }
0x3a: {  	_ = 	snop  }
0x3b: {  	_ = 	snop  }
0x3c: {  	p2 =	seq.s32 s10, $0x1;
	s10 =	sld [smem:$0x3FB6]  }
0x3d: {  	_ =	shalt  }
0x3e: {  	_ =	shalt  }
0x3f: {  	_ =	shalt  }
0x40: {  	_ =	shalt  }
0x41: {  	_ =	shalt  }
0x42: {  	_ =	shalt  }
0x43: {  	_ =	shalt  }
0x44: {  	_ =	shalt  }
0x45: {  	_ =	shalt  }
0x46: {  	_ =	shalt  }
0x47: {  	_ =	shalt  }
0x48: {  	_ =	shalt  }
0x49: {  	_ =	shalt  }
0x4a: {  	_ =	shalt  }
0x4b: {  	_ =	shalt  }
0x4c: {  	_ =	shalt  }
0x4d: {  	_ =	shalt  }
0x4e: {  	_ =	shalt  }
0x4f: {  	_ =	shalt  }
0x50: {  	_ =	shalt  }
0x51: {  	_ =	shalt  }
0x52: {  	_ =	shalt  }
0x53: {  	_ =	shalt  }
0x54: {  	_ =	shalt  }
0x55: {  	_ =	shalt  }
0x56: {  	_ =	shalt  }
0x57: {  	_ =	shalt  }
0x58: {  	_ =	shalt  }
0x59: {  	_ =	shalt  }
0x5a: {  	_ =	shalt  }
0x5b: {  	_ =	shalt  }
0x5c: {  	_ =	shalt  }
0x5d: {  	_ =	shalt  }
0x5e: {  	_ =	shalt  }
0x5f: {  	_ =	shalt  }
0x60: {  	_ =	shalt  }
0x61: {  	_ =	shalt  }
0x62: {  	_ =	shalt  }
0x63: {  	_ =	shalt  }
0x64: {  	_ =	shalt  }
0x65: {  	_ =	shalt  }
0x66: {  	_ =	shalt  }
0x67: {  	_ =	shalt  }
0x68: {  	_ =	shalt  }
0x69: {  	_ =	shalt  }
0x6a: {  	_ =	shalt  }
0x6b: {  	_ =	shalt  }
0x6c: {  	_ =	shalt  }
0x6d: {  	_ =	shalt  }
0x6e: {  	_ =	shalt  }
0x6f: {  	_ =	shalt  }
0x70: {  	_ =	shalt  }
0x71: {  	_ =	shalt  }
0x72: {  	_ =	shalt  }
0x73: {  	_ =	shalt  }
0x74: {  	_ =	shalt  }
0x75: {  	_ =	shalt  }
0x76: {  	_ =	shalt  }
0x77: {  	_ =	shalt  }
0x78: {  	_ =	shalt  }
0x79: {  	_ =	shalt  }
0x7a: {  	_ =	shalt  }
0x7b: {  	_ =	shalt  }
0x7c: {  	_ =	shalt  }
0x7d: {  	_ =	shalt  }
0x7e: {  	_ =	shalt  }
0x7f: {  	_ =	shalt  }
0x80: {  	_ =	shalt  }
0x81: {  	_ =	shalt  }
0x82: {  	_ =	shalt  }
0x83: {  	_ =	shalt  }
0x84: {  	_ =	shalt  }
0x85: {  	_ =	shalt  }
0x86: {  	_ =	shalt  }
0x87: {  	_ =	shalt  }
.Lfunc_end0:
.L_simem_size_0:
called_computation.2_lowered:
.L_overlay_start_0:
0x88: {  	s2 =	sld [smem:$0x3FD9]  }
0x89: {  	s3 =	sld [smem:$0x3FFE];
	_ =	sdelay $0x1  }
0x8a: {  	s1 =	srdreg.scid  }
0x8b: {  	s0 =	sand.u32 $0x1, s1  }
0x8c: {  	s16 =	sshll.u32 s0, $0xA;
	s2 =	sadd.s32 s3, s2  }
0x8d: {  	s2 =	sadd.s32 s2, s16  }
0x8e: {  	[smem:$0x3FC2] =	sst s2  }
0x8f: {  	_ = 	snop  }
0x90: {  	(tm) =	ssettm $0x1  }
0x91: {  	s17 =	sld [smem:$0x3FFB];
	_ =	sdelay $0x3  }
0x92: {  	_ =	strace s17  }
0x93: {  	s2 =	sld [smem:$0x3FFC];
	_ =	sdelay $0x3  }
0x94: {  	_ =	strace s2  }
0x95: {  	s2 =	sld [smem:$0x3FFD];
	_ =	sdelay $0x3  }
0x96: {  	_ =	strace s2  }
0x97: {  	_ =	strace $0x8FFFFFFF  }
0x98: {  	s18 =	sld [smem:$0x3FDB];
	_ =	sdelay $0x1  }
0x99: {  	s19 =	simm.s32 $_scs_section_size  }
0x9a: {  	s4 =	simm.s32 $_size__tile_overlayer_lowered;
	s5 =	simm.s32 $_tile_overlayer_lowered  }
0x9b: {  	s22 =	simm.s32 $0x1BFF;
	s21 =	sshll.u32 s5, $0x1;
	s2 =	sadd.s32 s19, s18  }
0x9c: {  	s6 =	simm.s32 $0x0;
	s20 =	sshll.u32 s4, $0x1;
	s4 =	sadd.s32 s21, s2  }
0x9d: {  	[timem:s6], [sflag:s22] =	dma.local [hbm:s4], s20  }
0x9e: {  	_ =	swait.ge [sflag:s22], s20  }
0x9f: {  	s3 =	ssub.s32 $0x0, s20;
	[sflag:s22] =	ssyncset.done $0x0  }
0xa0: {  	[sflag:s22] =	ssyncadd.s32 s3;
	_ =	sdelay $0x1  }
0xa1: {  	s23 =	simm.s32 $0x1B8B  }
0xa2: {  	_ =	swait.ge [sflag:s23], $0x1  }
0xa3: {  	[sflag:s23] =	ssyncset.done $0x0  }
0xa4: {  	s25 =	simm.s32 $0x1B8E;
	s24 =	sld [smem:$0x3FFE];
	[sflag:s23] =	ssyncadd.s32 $0xFFFFFFFF  }
0xa5: {  	s26 =	simm.s32 $execute0_lowered;
	[smem:$0x3FD2] =	sst s25  }
0xa6: {  	s4 =	sshll.u32 s26, $0x1;
	_ =	strace $0x8000004C;
	[dreg:$0x1] =	wrdreg $0xFFFFFFFF  }
0xa7: {  	s28 =	simm.s32 $_size_execute0_lowered;
	s2 =	sadd.s32 s2, s4;
	[dreg:$0x0] =	wrdreg $0x0  }
0xa8: {  	s4 =	sshll.u32 s28, $0x1;
	[dreg:$0x2] =	wrdreg s2  }
0xa9: {  	[dreg:$0x3] =	wrdreg s4  }
0xaa: {  	[dreg:$0x4] =	wrdreg $0xC0  }
0xab: {  	_ =	task [dreg:s6], $0x5FFFF  }
0xac: {  	[dreg:$0x1] =	wrdreg $0xFFFFFFFF  }
0xad: {  	[dreg:$0x0] =	wrdreg $0x60  }
0xae: {  	[dreg:$0x2] =	wrdreg s24  }
0xaf: {  	[dreg:$0x3] =	wrdreg $0x8F200  }
0xb0: {  	[dreg:$0x4] =	wrdreg $0xB7200  }
0xb1: {  	[dreg:$0x5] =	wrdreg $0x9  }
0xb2: {  	_ =	task.clear_ibuf [dreg:s6], $0x6FFFF;
	_ =	strace $0x9000004C  }
0xb3: {  	s29 =	simm.s32 $0x9;
	_ =	strace $0x8000004E  }
0xb4: {  	_ =	swait.ge [sflag:s29], $0x1  }
0xb5: {  	[sflag:s29] =	ssyncadd.s32 $0xFFFFFFFF  }
0xb6: {  	_ =	strace $0x9000004E  }
0xb7: {  	_ =	sfence  }
0xb8: {  	s30 =	sld [smem:$0x0];
	_ =	sdelay $0x2  }
0xb9: {  	s31 =	sshll.u32 s1, $0xD;
	s1 =	sshrl.u32 s1, $0x2  }
0xba: {  	s3 =	sand.u32 $0x4000, s31;
	s1 =	sadd.s32 s1, s30  }
0xbb: {  	s0 =	sor.u32 s3, s0;
	s1 =	sshll.u32 s1, $0x11  }
0xbc: {  	s0 =	sor.u32 s1, s0  }
0xbd: {  	s0 =	sadd.s32 $0x8F2B, s0  }
0xbe: {  	[sflag:s0] =	ssyncadd.remote.s32 $0x1  }
0xbf: {  	_ =	sfence.sel $0xFFFF  }
0xc0: {  	[dreg:$0x0] =	wrdreg $0xFFFFFFFF;
	(pc) =	sbr.abs _section_cstart, $3  }
0xc1: {  	[dreg:$0x1] =	wrdreg $0xFFFFFFFF  }
0xc2: {  	_ =	task.clear_ibuf [dreg:s6], $0x2FFFF;
	_ =	strace $0x9FFFFFFF  }
0xc3: {  	(tm) =	ssettm $0x7FFFFFFF  }
tec
execute0_lowered:
.L_overlay_start_1:
0x0: {  	(tag) =	ssettag $0x1  }
0x1: {  	s0 =	rddreg [dreg:$0x0]  }
0x2: {  	s2 =	rddreg [dreg:$0x1];
	s1 =	srdreg.scid  }
0x3: {  	s3 =	rddreg [dreg:$0x2];
	s11 =	stileid.u32;
	s7 =	simm.s32 $0x0  }
0x4: {  	s12 =	simm.s32 $0xB;
	s16 =	simm.s32 $0x50;
	s17 =	simm.s32 $0x4E20  }
0x5: {  	s18 =	simm.s32 $0x5320;
	s20 =	simm.s32 $0x5820;
	s22 =	simm.s32 $0x5D20  }
0x6: {  	s28 =	simm.s32 $0x3;
	s29 =	simm.s32 $0x4;
	s30 =	simm.s32 $0x5  }
0x7: {  	s31 =	simm.s32 $0x6;
	s15 =	simm.s32 $0xA;
	s1 =	sand.u32 $0x1, s1  }
0x8: {  	s4 =	smul.u32 $0x2800, s11;
	[smem:$0x7FF] =	sst s7;
	s26 =	sshll.u32 s11, $0x6  }
0x9: {  	s5 =	sshll.u32 s1, $0x4;
	s6 =	smul.u32 $0x28000, s1;
	_ =	strace $0x8000004D  }
0xa: {  	s1 =	ssub.s32 $0x2, s1;
	s13 =	sor.u32 $0x1C0B, s26;
	s26 =	simm.s32 $0x2  }
0xb: {  	s5 =	sor.u32 s11, s5;
	s23 =	sshrl.u32 s4, $0x3;
	s24 =	sshrl.u32 s1, $0x1  }
0xc: {  	s11 =	simm.s32 $0x6720;
	s5 =	smul.u32 $0x2710, s5;
	s7 =	sadd.s32 s23, s0  }
0xd: {  	s6 =	sadd.s32 s4, s6;
	s1 =	ssub.s32 s1, s24;
	s24 =	simm.s32 $0x6220  }
0xe: {  	s23 =	simm.s32 $0x0;
	s6 =	sshrl.u32 s6, $0x3;
	s25 =	sadd.s32 $0x16400, s7  }
0xf: {  	s10 =	smax.u32 s1, $0x1;
	s1 =	simm.s32 $0x8;
	s5 =	sshrl.u32 s5, $0x3  }
0x10: {  	[dreg:$0x4] =	wrdreg s25;
	s25 =	simm.s32 $0x1;
	s8 =	sadd.s32 s5, s0  }
0x11: {  	s0 =	sadd.s32 s6, s0;
	s5 =	sadd.s32 s4, s2;
	s4 =	sadd.s32 s4, s3  }
0x12: {  	s7 =	sadd.s32 $0x2A00, s8;
	s8 =	sadd.s32 $0xC640, s8;
	s9 =	sadd.s32 $0x1B400, s0  }
0x13: {  	v0 =	vimm.f32 $0.0e+00;
	s14 =	sshrl.u32 s4, $0x3;
	s0 =	simm.s32 $0x7;
	s4 =	simm.s32 $0x9  }
.LBB2_1:
0x14: {  	s19 =	simm.s32 $0x40;
	s21 =	simm.s32 $0x0  }
.LBB2_2:
0x15: {  	p0 =	sne.s32 s19, $0x9FC0;
	[tilespmem:s21+$0x6720] =	vst v0;
	s21 =	smov.u32 s19;
	s19 =	sadd.s32 $0x40, s19  }
.Ltmp0:
0x16: {  	(pc) =	sbr.rel @p0 .LBB2_2-.Ltmp0, $2  }
0x17: {  	_ =	sdelay $0x2  }
0x18: {  	s21 =	sshra.s32 s21, $0x2  }
0x19: {  	[tilespmem:s21+$0x6720] =	vst v0  }
0x1a: {  	[spmem:s5] =	stream.linear.scatter [tilespmem:s11], [sflag:$0xB], $0x2800, $0x38;
	[tilespmem:$0xDF20] =	vst v63  }
0x1b: {  	_ =	swait.ge [sflag:s12], $0x2800  }
0x1c: {  	[sflag:s12] =	ssyncset.done $0x0  }
0x1d: {  	s6 =	rddreg [dreg:$0x4];
	[sflag:s12] =	ssyncadd.s32 $0xFFFFD800  }
0x1e: {  	[spmem:s14], [sflag:s13] =	dma.local [hbm:s6], $0x500  }
0x1f: {  	_ =	swait.ge [sflag:s12], $0x500  }
0x20: {  	[sflag:s12] =	ssyncset.done $0x0  }
0x21: {  	[sflag:s12] =	ssyncadd.s32 $0xFFFFFB00  }
0x22: {  	s19 =	simm.s32 $0x0;
	[bflag:$0x0] =	sbarrier.arrive $0xFFFF  }
0x23: {  	[tilespmem:s19], [sflag:$0xB] =	stream.linear.gather [hbm4b:s7+s19], $0x2710, $0x38;
	[tilespmem:$0xDF20] =	vst v63  }
0x24: {  	_ =	swait.ge [sflag:s12], $0x2710  }
0x25: {  	[sflag:s12] =	ssyncset.done $0x0  }
0x26: {  	s21 =	simm.s32 $0x2710;
	[sflag:s12] =	ssyncadd.s32 $0xFFFFD8F0  }
0x27: {  	[tilespmem:s21], [sflag:$0xB] =	stream.linear.gather [hbm4b:s8+s19], $0x2710, $0x38;
	[tilespmem:$0xDF20] =	vst v63  }
0x28: {  	_ =	swait.ge [sflag:s12], $0x2710  }
0x29: {  	[sflag:s12] =	ssyncset.done $0x0  }
0x2a: {  	[sflag:s12] =	ssyncadd.s32 $0xFFFFD8F0  }
0x2b: {  	[tilespmem:s17], [sflag:$0x1] =	stream.indirect.gather [spmem:s3], $0x10, s19, s16, $0xb8;
	[tilespmem:$0xDF20] =	vst v63  }
0x2c: {  	_ = 	snop  }
0x2d: {  	[tilespmem:s18], [sflag:$0x2] =	stream.indirect.gather [spmem:s3], $0x10, s16, s16, $0xb8;
	[tilespmem:$0xDF20] =	vst v63  }
0x2e: {  	s19 =	simm.s32 $0xA0  }
0x2f: {  	[tilespmem:s20], [sflag:$0x3] =	stream.indirect.gather [spmem:s3], $0x10, s19, s16, $0xb8;
	[tilespmem:$0xDF20] =	vst v63  }
0x30: {  	s21 =	simm.s32 $0xF0  }
0x31: {  	[tilespmem:s22], [sflag:$0x4] =	stream.indirect.gather [spmem:s3], $0x10, s21, s16, $0xb8;
	[tilespmem:$0xDF20] =	vst v63  }
0x32: {  	s19 =	simm.s32 $0x140  }
0x33: {  	[tilespmem:s24], [sflag:$0x5] =	stream.indirect.gather [spmem:s3], $0x10, s19, s16, $0xb8;
	[tilespmem:$0xDF20] =	vst v63  }
0x34: {  	_ =	swait.ge [sflag:s25], $0x500  }
0x35: {  	[sflag:s25] =	ssyncset.done $0x0  }
0x36: {  	s21 =	simm.s32 $0x2710;
	[sflag:s25] =	ssyncadd.s32 $0xFFFFFB00  }
0x37: {  	[spmem:s2] =	stream.indirect.scatter.add.f32 [tilespmem:s17], [sflag:$0x6], $0x10, s21, s16, $0xb8;
	[tilespmem:$0xDF20] =	vst v63  }
0x38: {  	_ =	swait.ge [sflag:s26], $0x500  }
0x39: {  	[sflag:s26] =	ssyncset.done $0x0  }
0x3a: {  	s6 =	simm.s32 $0x2760;
	[sflag:s26] =	ssyncadd.s32 $0xFFFFFB00  }
0x3b: {  	[spmem:s2] =	stream.indirect.scatter.add.f32 [tilespmem:s18], [sflag:$0x7], $0x10, s6, s16, $0xb8;
	[tilespmem:$0xDF20] =	vst v63  }
0x3c: {  	_ =	swait.ge [sflag:s28], $0x500  }
0x3d: {  	[sflag:s28] =	ssyncset.done $0x0  }
0x3e: {  	s21 =	simm.s32 $0x27B0;
	[sflag:s28] =	ssyncadd.s32 $0xFFFFFB00  }
0x3f: {  	[spmem:s2] =	stream.indirect.scatter.add.f32 [tilespmem:s20], [sflag:$0x8], $0x10, s21, s16, $0xb8;
	[tilespmem:$0xDF20] =	vst v63  }
0x40: {  	_ =	swait.ge [sflag:s29], $0x500  }
0x41: {  	[sflag:s29] =	ssyncset.done $0x0  }
0x42: {  	s6 =	simm.s32 $0x2800;
	[sflag:s29] =	ssyncadd.s32 $0xFFFFFB00  }
0x43: {  	[spmem:s2] =	stream.indirect.scatter.add.f32 [tilespmem:s22], [sflag:$0x9], $0x10, s6, s16, $0xb8;
	[tilespmem:$0xDF20] =	vst v63  }
0x44: {  	_ =	swait.ge [sflag:s30], $0x500  }
0x45: {  	[sflag:s30] =	ssyncset.done $0x0  }
0x46: {  	s21 =	simm.s32 $0x2850;
	[sflag:s30] =	ssyncadd.s32 $0xFFFFFB00  }
0x47: {  	[spmem:s2] =	stream.indirect.scatter.add.f32 [tilespmem:s24], [sflag:$0xA], $0x10, s21, s16, $0xb8;
	[tilespmem:$0xDF20] =	vst v63  }
0x48: {  	_ =	swait.ge [sflag:s31], $0x500  }
0x49: {  	[sflag:s31] =	ssyncset.done $0x0  }
0x4a: {  	s6 =	simm.s32 $0x190;
	[sflag:s31] =	ssyncadd.s32 $0xFFFFFB00  }
0x4b: {  	[tilespmem:s17], [sflag:$0x1] =	stream.indirect.gather [spmem:s3], $0x10, s6, s16, $0xb8;
	[tilespmem:$0xDF20] =	vst v63  }
0x4c: {  	_ =	swait.ge [sflag:s0], $0x500  }
0x4d: {  	[sflag:s0] =	ssyncset.done $0x0  }
0x4e: {  	s21 =	simm.s32 $0x1E0;
	[sflag:s0] =	ssyncadd.s32 $0xFFFFFB00  }
0x4f: {  	[tilespmem:s18], [sflag:$0x2] =	stream.indirect.gather [spmem:s3], $0x10, s21, s16, $0xb8;
	[tilespmem:$0xDF20] =	vst v63  }
0x50: {  	_ =	swait.ge [sflag:s1], $0x500  }
0x51: {  	[sflag:s1] =	ssyncset.done $0x0  }
0x52: {  	s6 =	simm.s32 $0x230;
	[sflag:s1] =	ssyncadd.s32 $0xFFFFFB00  }
0x53: {  	[tilespmem:s20], [sflag:$0x3] =	stream.indirect.gather [spmem:s3], $0x10, s6, s16, $0xb8;
	[tilespmem:$0xDF20] =	vst v63  }
0x54: {  	_ =	swait.ge [sflag:s4], $0x500  }
0x55: {  	[sflag:s4] =	ssyncset.done $0x0  }
0x56: {  	s21 =	simm.s32 $0x280;
	[sflag:s4] =	ssyncadd.s32 $0xFFFFFB00  }
0x57: {  	[tilespmem:s22], [sflag:$0x4] =	stream.indirect.gather [spmem:s3], $0x10, s21, s16, $0xb8;
	[tilespmem:$0xDF20] =	vst v63  }
0x58: {  	_ =	swait.ge [sflag:s15], $0x500  }
0x59: {  	[sflag:s15] =	ssyncset.done $0x0  }
0x5a: {  	s19 =	simm.s32 $0x640;
	s21 =	simm.s32 $0x2D0;
	[sflag:s15] =	ssyncadd.s32 $0xFFFFFB00  }
.LBB2_4:
0x5b: {  	[tilespmem:s24], [sflag:$0x5] =	stream.indirect.gather [spmem:s3], $0x10, s21, s16, $0xb8;
	[tilespmem:$0xDF20] =	vst v63  }
0x5c: {  	s21 =	smov.u32 s19  }
0x5d: {  	p0 =	sne.s32 s19, $0x8FC0;
	s19 =	sadd.s32 $0x640, s19;
	_ =	swait.ge [sflag:s25], $0x500  }
0x5e: {  	s21 =	sshra.s32 s21, $0x2;
	[sflag:s25] =	ssyncset.done $0x0  }
0x5f: {  	s6 =	sadd.s32 $0x2710, s21;
	[sflag:s25] =	ssyncadd.s32 $0xFFFFFB00  }
0x60: {  	[spmem:s2] =	stream.indirect.scatter.add.f32 [tilespmem:s17], [sflag:$0x6], $0x10, s6, s16, $0xb8;
	[tilespmem:$0xDF20] =	vst v63  }
0x61: {  	_ =	swait.ge [sflag:s26], $0x500  }
0x62: {  	[sflag:s26] =	ssyncset.done $0x0  }
0x63: {  	s6 =	sadd.s32 $0x2760, s21;
	[sflag:s26] =	ssyncadd.s32 $0xFFFFFB00  }
0x64: {  	[spmem:s2] =	stream.indirect.scatter.add.f32 [tilespmem:s18], [sflag:$0x7], $0x10, s6, s16, $0xb8;
	[tilespmem:$0xDF20] =	vst v63  }
0x65: {  	_ =	swait.ge [sflag:s28], $0x500  }
0x66: {  	[sflag:s28] =	ssyncset.done $0x0  }
0x67: {  	s6 =	sadd.s32 $0x27B0, s21;
	[sflag:s28] =	ssyncadd.s32 $0xFFFFFB00  }
0x68: {  	[spmem:s2] =	stream.indirect.scatter.add.f32 [tilespmem:s20], [sflag:$0x8], $0x10, s6, s16, $0xb8;
	[tilespmem:$0xDF20] =	vst v63  }
0x69: {  	_ =	swait.ge [sflag:s29], $0x500  }
0x6a: {  	[sflag:s29] =	ssyncset.done $0x0  }
0x6b: {  	s6 =	sadd.s32 $0x2800, s21;
	[sflag:s29] =	ssyncadd.s32 $0xFFFFFB00  }
0x6c: {  	[spmem:s2] =	stream.indirect.scatter.add.f32 [tilespmem:s22], [sflag:$0x9], $0x10, s6, s16, $0xb8;
	[tilespmem:$0xDF20] =	vst v63  }
0x6d: {  	_ =	swait.ge [sflag:s30], $0x500  }
0x6e: {  	[sflag:s30] =	ssyncset.done $0x0  }
0x6f: {  	s6 =	sadd.s32 $0x2850, s21;
	[sflag:s30] =	ssyncadd.s32 $0xFFFFFB00  }
0x70: {  	[spmem:s2] =	stream.indirect.scatter.add.f32 [tilespmem:s24], [sflag:$0xA], $0x10, s6, s16, $0xb8;
	[tilespmem:$0xDF20] =	vst v63  }
0x71: {  	_ =	swait.ge [sflag:s31], $0x500  }
0x72: {  	[sflag:s31] =	ssyncset.done $0x0  }
0x73: {  	s6 =	sadd.s32 $0x190, s21;
	[sflag:s31] =	ssyncadd.s32 $0xFFFFFB00  }
0x74: {  	[tilespmem:s17], [sflag:$0x1] =	stream.indirect.gather [spmem:s3], $0x10, s6, s16, $0xb8;
	[tilespmem:$0xDF20] =	vst v63  }
0x75: {  	_ =	swait.ge [sflag:s0], $0x500  }
0x76: {  	[sflag:s0] =	ssyncset.done $0x0  }
0x77: {  	s6 =	sadd.s32 $0x1E0, s21;
	[sflag:s0] =	ssyncadd.s32 $0xFFFFFB00  }
0x78: {  	[tilespmem:s18], [sflag:$0x2] =	stream.indirect.gather [spmem:s3], $0x10, s6, s16, $0xb8;
	[tilespmem:$0xDF20] =	vst v63  }
0x79: {  	_ =	swait.ge [sflag:s1], $0x500  }
0x7a: {  	[sflag:s1] =	ssyncset.done $0x0  }
0x7b: {  	s6 =	sadd.s32 $0x230, s21;
	[sflag:s1] =	ssyncadd.s32 $0xFFFFFB00  }
0x7c: {  	[tilespmem:s20], [sflag:$0x3] =	stream.indirect.gather [spmem:s3], $0x10, s6, s16, $0xb8;
	[tilespmem:$0xDF20] =	vst v63  }
0x7d: {  	_ =	swait.ge [sflag:s4], $0x500  }
0x7e: {  	[sflag:s4] =	ssyncset.done $0x0  }
.Ltmp1:
0x7f: {  	s6 =	sadd.s32 $0x280, s21;
	[sflag:s4] =	ssyncadd.s32 $0xFFFFFB00;
	(pc) =	sbr.rel @p0 .LBB2_4-.Ltmp1, $4  }
0x80: {  	[tilespmem:s22], [sflag:$0x4] =	stream.indirect.gather [spmem:s3], $0x10, s6, s16, $0xb8;
	[tilespmem:$0xDF20] =	vst v63  }
0x81: {  	_ =	swait.ge [sflag:s15], $0x500  }
0x82: {  	[sflag:s15] =	ssyncset.done $0x0  }
0x83: {  	s21 =	sadd.s32 $0x2D0, s21;
	[sflag:s15] =	ssyncadd.s32 $0xFFFFFB00  }
0x84: {  	[tilespmem:s24], [sflag:$0x5] =	stream.indirect.gather [spmem:s3], $0x10, s21, s16, $0xb8;
	[tilespmem:$0xDF20] =	vst v63  }
0x85: {  	_ =	swait.ge [sflag:s25], $0x500  }
0x86: {  	[sflag:s25] =	ssyncset.done $0x0  }
0x87: {  	s6 =	simm.s32 $0x4C90;
	[sflag:s25] =	ssyncadd.s32 $0xFFFFFB00  }
0x88: {  	[spmem:s2] =	stream.indirect.scatter.add.f32 [tilespmem:s17], [sflag:$0x6], $0x10, s6, s16, $0xb8;
	[tilespmem:$0xDF20] =	vst v63  }
0x89: {  	_ =	swait.ge [sflag:s26], $0x500  }
0x8a: {  	[sflag:s26] =	ssyncset.done $0x0  }
0x8b: {  	s21 =	simm.s32 $0x4CE0;
	[sflag:s26] =	ssyncadd.s32 $0xFFFFFB00  }
0x8c: {  	[spmem:s2] =	stream.indirect.scatter.add.f32 [tilespmem:s18], [sflag:$0x7], $0x10, s21, s16, $0xb8;
	[tilespmem:$0xDF20] =	vst v63  }
0x8d: {  	_ =	swait.ge [sflag:s28], $0x500  }
0x8e: {  	[sflag:s28] =	ssyncset.done $0x0  }
0x8f: {  	s19 =	simm.s32 $0x4D30;
	[sflag:s28] =	ssyncadd.s32 $0xFFFFFB00  }
0x90: {  	[spmem:s2] =	stream.indirect.scatter.add.f32 [tilespmem:s20], [sflag:$0x8], $0x10, s19, s16, $0xb8;
	[tilespmem:$0xDF20] =	vst v63  }
0x91: {  	_ =	swait.ge [sflag:s29], $0x500  }
0x92: {  	[sflag:s29] =	ssyncset.done $0x0  }
0x93: {  	s21 =	simm.s32 $0x4D80;
	[sflag:s29] =	ssyncadd.s32 $0xFFFFFB00  }
0x94: {  	[spmem:s2] =	stream.indirect.scatter.add.f32 [tilespmem:s22], [sflag:$0x9], $0x10, s21, s16, $0xb8;
	[tilespmem:$0xDF20] =	vst v63  }
0x95: {  	_ =	swait.ge [sflag:s30], $0x500  }
0x96: {  	[sflag:s30] =	ssyncset.done $0x0  }
0x97: {  	s19 =	simm.s32 $0x4DD0;
	[sflag:s30] =	ssyncadd.s32 $0xFFFFFB00  }
0x98: {  	[spmem:s2] =	stream.indirect.scatter.add.f32 [tilespmem:s24], [sflag:$0xA], $0x10, s19, s16, $0xb8;
	[tilespmem:$0xDF20] =	vst v63  }
0x99: {  	_ =	swait.ge [sflag:s31], $0x500  }
0x9a: {  	[sflag:s31] =	ssyncset.done $0x0  }
0x9b: {  	[sflag:s31] =	ssyncadd.s32 $0xFFFFFB00  }
0x9c: {  	_ =	swait.ge [sflag:s0], $0x500  }
0x9d: {  	[sflag:s0] =	ssyncset.done $0x0  }
0x9e: {  	[sflag:s0] =	ssyncadd.s32 $0xFFFFFB00  }
0x9f: {  	_ =	swait.ge [sflag:s1], $0x500  }
0xa0: {  	[sflag:s1] =	ssyncset.done $0x0  }
0xa1: {  	[sflag:s1] =	ssyncadd.s32 $0xFFFFFB00  }
0xa2: {  	_ =	swait.ge [sflag:s4], $0x500  }
0xa3: {  	[sflag:s4] =	ssyncset.done $0x0  }
0xa4: {  	[sflag:s4] =	ssyncadd.s32 $0xFFFFFB00  }
0xa5: {  	_ =	swait.ge [sflag:s15], $0x500  }
0xa6: {  	[sflag:s15] =	ssyncset.done $0x0  }
0xa7: {  	[sflag:s15] =	ssyncadd.s32 $0xFFFFFB00  }
0xa8: {  	[bflag:$0x0] =	sbarrier.arrive $0xFFFF  }
0xa9: {  	[tilespmem:s11], [sflag:$0xB] =	stream.linear.gather [spmem:s5], $0x2800, $0x38;
	[tilespmem:$0xDF20] =	vst v63  }
0xaa: {  	s23 =	sadd.s32 $0x1, s23;
	_ =	swait.ge [sflag:s12], $0x2800  }
0xab: {  	p0 =	sne.s32 s23, s10;
	[sflag:s12] =	ssyncset.done $0x0  }
.Ltmp2:
0xac: {  	s21 =	simm.s32 $0x0;
	[sflag:s12] =	ssyncadd.s32 $0xFFFFD800;
	(pc) =	sbr.rel @p0 .LBB2_1-.Ltmp2, $4  }
0xad: {  	[hbm4b:s9+s21] =	stream.linear.scatter [tilespmem:s11], [sflag:$0xB], $0x2800, $0x38;
	[tilespmem:$0xDF20] =	vst v63  }
0xae: {  	_ =	swait.ge [sflag:s12], $0x2800  }
0xaf: {  	[sflag:s12] =	ssyncset.done $0x0  }
0xb0: {  	[sflag:s12] =	ssyncadd.s32 $0xFFFFD800  }
0xb1: {  	_ =	sfence.sel $0x180000  }
0xb2: {  	[bflag:$0x0] =	sbarrier.arrive $0xFFFF  }
0xb3: {  	_ =	strace $0x9000004D  }
0xb4: {  	s0 =	stileid.u32;
	[bflag:$0x2] =	sbarrier.arrive $0xFFFF  }
0xb5: {  	p0 =	sne.s32 s0, $0x0;
	s0 =	rddreg [dreg:$0x3]  }
0xb6: {  	s0 =	sadd.s32 @!p0 $0x100000, s0  }
0xb7: {  	[sflag:s0] =	ssyncadd.tile.s32 @!p0 $0x1;
	_ =	shalt  }
.Lfunc_end2:
_tile_overlayer_lowered:
.L_overlay_start_2:
0xb8: {  	(tag) =	ssettag $0x2  }
0xb9: {  	s0 =	rddreg [dreg:$0x0];
	s2 =	stileid.u32  }
0xba: {  	s1 =	rddreg [dreg:$0x1];
	p0 =	sne.s32 s2, $0x0  }
0xbb: {  	s3 =	rddreg [dreg:$0x2];
	[bflag:$0x3] =	sbarrier.arrive $0xFFFF;
	s2 =	simm.s32 @!p0 $0x1C0B  }
0xbc: {  	[timem:s3], [sflag:s2] =	dma.local @!p0 [hbm:s0], s1  }
0xbd: {  	s0 =	simm.s32 @!p0 $0xB  }
0xbe: {  	_ =	swait.ge @!p0 [sflag:s0], s1  }
0xbf: {  	s1 =	ssub.s32 @!p0 $0x0, s1;
	[sflag:s0] =	ssyncset.done @!p0 $0x0  }
0xc0: {  	[sflag:s0] =	ssyncadd.s32 @!p0 s1  }
0xc1: {  	[bflag:$0x3] =	sbarrier.arrive $0xFFFF  }
0xc2: {  	_ =	shalt  }

// kernel: kernel.8.cloned.1.call-start
scs
__scs_entry_jumppad:
0x0: {  	(pc) =	sbr.rel $0x88, $3  }
0x1: {  	(tag) =	ssettag $0x0;
	lr =	simm.s32 $0x1  }
0x2: {  	[smem:$0x3F9B] =	sst lr;
	_ =	strace $0xD0000000  }
0x3: {  	_ = 	snop  }
0x4: {  	_ = 	snop  }
0x5: {  	_ = 	snop  }
0x6: {  	_ = 	snop  }
0x7: {  	_ = 	snop  }
__scs_overlays_trampoline_lowered:
0x8: {  	[smem:$0x3FAA] =	sst s0  }
0x9: {  	[smem:$0x3FAB] =	sst s1  }
0xa: {  	[smem:$0x3FAC] =	sst s2  }
0xb: {  	[smem:$0x3FAD] =	sst s3  }
0xc: {  	[smem:$0x3FAE] =	sst s4  }
0xd: {  	[smem:$0x3FAF] =	sst s5  }
0xe: {  	[smem:$0x3FB0] =	sst s6  }
0xf: {  	[smem:$0x3FB1] =	sst s7  }
0x10: {  	[smem:$0x3FB2] =	sst s8  }
0x11: {  	[smem:$0x3FB3] =	sst s9;
	s0 =	simm.s32 @!p0 $0x0  }
0x12: {  	s1 =	sld [smem:$0x3F99];
	s0 =	simm.s32 @p0 $0x1  }
0x13: {  	[smem:$0x3FB4] =	sst s0;
	s0 =	simm.s32 @!p1 $0x0  }
0x14: {  	s2 =	sld [smem:$0x3F98];
	s0 =	simm.s32 @p1 $0x1  }
0x15: {  	[smem:$0x3FB5] =	sst s0;
	s0 =	simm.s32 @!p2 $0x0  }
0x16: {  	s3 =	sld [smem:$0x3FDB];
	s0 =	simm.s32 @p2 $0x1  }
0x17: {  	s4 =	simm.s32 $0x1BF5;
	[smem:$0x3FB7] =	sst s0  }
0x18: {  	s0 =	sld [smem:$0x3F9A];
	_ =	swait.ge [sflag:s4], $0x0  }
0x19: {  	s7 =	sld [smem:$0x3F9B]  }
0x1a: {  	s8 =	sadd.s32 $0xFFFFE003, lr  }
0x1b: {  	s9 =	sadd.s32 $0xFFFFFEF7, lr;
	s5 =	simm.s32 $0xFFFFFFFF;
	p2 =	slt.u32 s8, $0xFFFFF086  }
0x1c: {  	p1 =	slt.u32 s9, $0xF7A;
	s5 =	simm.s32 @!p2 $0x0  }
0x1d: {  	s5 =	simm.s32 @p1 $0x1;
	p0 =	seq.s32 s7, s2  }
0x1e: {  	s7 =	smul.u32 @!p0 $0xF7A, s2;
	p2 =	seq.s32 @!p0 s5, $0x0  }
0x1f: {  	s9 =	smul.u32 $0xF7A, s1;
	s8 =	simm.s32 @!p0 $0x1BF5;
	p2 =	por !p2, p0  }
0x20: {  	[sflag:s8] =	ssyncset.s32 @!p0 $0xFFFFF086;
	s6 =	sadd.s32 @!p0 s3, s7;
	s7 =	simm.s32 @!p0 $0x108  }
0x21: {  	s3 =	sadd.s32 s3, s9;
	s6 =	sadd.s32 @!p0 $0x88, s6;
	s7 =	simm.s32 @p2 $0x1082  }
0x22: {  	[simem:s7], [sflag:s8] =	dma.local @!p0 [hbm:s6], $0xF7A  }
0x23: {  	s9 =	sor.u32 $0xD0000000, s2;
	s6 =	simm.s32 $0x108;
	_ =	swait.ge @!p0 [sflag:s8], $0x0  }
0x24: {  	s3 =	sadd.s32 $0x88, s3;
	s6 =	simm.s32 @!p1 $0x1082;
	[sflag:s4] =	ssyncset.s32 $0xFFFFF086  }
0x25: {  	[simem:s6], [sflag:s4] =	dma.local [hbm:s3], $0xF7A  }
0x26: {  	[smem:$0x3F9B] =	sst s1;
	(tag) =	ssettag s2;
	_ =	strace s9  }
0x27: {  	s1 =	sld [smem:$0x3FAB]  }
0x28: {  	s2 =	sld [smem:$0x3FAC]  }
0x29: {  	s4 =	sld [smem:$0x3FAE]  }
0x2a: {  	p0 =	seq.s32 s5, $0x0;
	s5 =	sld [smem:$0x3FAF]  }
0x2b: {  	s6 =	sld [smem:$0x3FB0]  }
0x2c: {  	s7 =	sld [smem:$0x3FB1]  }
0x2d: {  	s3 =	simm.s32 $0x108;
	s8 =	sld [smem:$0x3FB2]  }
0x2e: {  	s3 =	simm.s32 @!p0 $0x1082;
	s9 =	sld [smem:$0x3FB3]  }
0x2f: {  	lr =	sadd.s32 s0, s3;
	s0 =	sld [smem:$0x3FAA]  }
0x30: {  	s3 =	sld [smem:$0x3FAD]  }
0x31: {  	[smem:$0x3FB6] =	sst s10  }
0x32: {  	s10 =	sld [smem:$0x3FB4];
	_ =	sdelay $0x3  }
0x33: {  	p0 =	seq.s32 s10, $0x1;
	s10 =	sld [smem:$0x3FB6];
	_ =	sdelay $0x3  }
0x34: {  	[smem:$0x3FB6] =	sst s10  }
0x35: {  	s10 =	sld [smem:$0x3FB5];
	_ =	sdelay $0x3  }
0x36: {  	p1 =	seq.s32 s10, $0x1;
	s10 =	sld [smem:$0x3FB6];
	_ =	sdelay $0x3  }
0x37: {  	[smem:$0x3FB6] =	sst s10  }
0x38: {  	s10 =	sld [smem:$0x3FB7]  }
0x39: {  	_ = 	snop;
	(pc) =	sbr.ind lr, $3  }
0x3a: {  	_ = 	snop  }
0x3b: {  	_ = 	snop  }
0x3c: {  	p2 =	seq.s32 s10, $0x1;
	s10 =	sld [smem:$0x3FB6]  }
0x3d: {  	_ =	shalt  }
0x3e: {  	_ =	shalt  }
0x3f: {  	_ =	shalt  }
0x40: {  	_ =	shalt  }
0x41: {  	_ =	shalt  }
0x42: {  	_ =	shalt  }
0x43: {  	_ =	shalt  }
0x44: {  	_ =	shalt  }
0x45: {  	_ =	shalt  }
0x46: {  	_ =	shalt  }
0x47: {  	_ =	shalt  }
0x48: {  	_ =	shalt  }
0x49: {  	_ =	shalt  }
0x4a: {  	_ =	shalt  }
0x4b: {  	_ =	shalt  }
0x4c: {  	_ =	shalt  }
0x4d: {  	_ =	shalt  }
0x4e: {  	_ =	shalt  }
0x4f: {  	_ =	shalt  }
0x50: {  	_ =	shalt  }
0x51: {  	_ =	shalt  }
0x52: {  	_ =	shalt  }
0x53: {  	_ =	shalt  }
0x54: {  	_ =	shalt  }
0x55: {  	_ =	shalt  }
0x56: {  	_ =	shalt  }
0x57: {  	_ =	shalt  }
0x58: {  	_ =	shalt  }
0x59: {  	_ =	shalt  }
0x5a: {  	_ =	shalt  }
0x5b: {  	_ =	shalt  }
0x5c: {  	_ =	shalt  }
0x5d: {  	_ =	shalt  }
0x5e: {  	_ =	shalt  }
0x5f: {  	_ =	shalt  }
0x60: {  	_ =	shalt  }
0x61: {  	_ =	shalt  }
0x62: {  	_ =	shalt  }
0x63: {  	_ =	shalt  }
0x64: {  	_ =	shalt  }
0x65: {  	_ =	shalt  }
0x66: {  	_ =	shalt  }
0x67: {  	_ =	shalt  }
0x68: {  	_ =	shalt  }
0x69: {  	_ =	shalt  }
0x6a: {  	_ =	shalt  }
0x6b: {  	_ =	shalt  }
0x6c: {  	_ =	shalt  }
0x6d: {  	_ =	shalt  }
0x6e: {  	_ =	shalt  }
0x6f: {  	_ =	shalt  }
0x70: {  	_ =	shalt  }
0x71: {  	_ =	shalt  }
0x72: {  	_ =	shalt  }
0x73: {  	_ =	shalt  }
0x74: {  	_ =	shalt  }
0x75: {  	_ =	shalt  }
0x76: {  	_ =	shalt  }
0x77: {  	_ =	shalt  }
0x78: {  	_ =	shalt  }
0x79: {  	_ =	shalt  }
0x7a: {  	_ =	shalt  }
0x7b: {  	_ =	shalt  }
0x7c: {  	_ =	shalt  }
0x7d: {  	_ =	shalt  }
0x7e: {  	_ =	shalt  }
0x7f: {  	_ =	shalt  }
0x80: {  	_ =	shalt  }
0x81: {  	_ =	shalt  }
0x82: {  	_ =	shalt  }
0x83: {  	_ =	shalt  }
0x84: {  	_ =	shalt  }
0x85: {  	_ =	shalt  }
0x86: {  	_ =	shalt  }
0x87: {  	_ =	shalt  }
.Lfunc_end0:
.L_simem_size_0:
called_computation_lowered:
.L_overlay_start_0:
0x88: {  	s2 =	sld [smem:$0x3FD9]  }
0x89: {  	s3 =	sld [smem:$0x3FFE];
	_ =	sdelay $0x1  }
0x8a: {  	s1 =	srdreg.scid  }
0x8b: {  	s0 =	sand.u32 $0x1, s1  }
0x8c: {  	s16 =	sshll.u32 s0, $0xA;
	s2 =	sadd.s32 s3, s2  }
0x8d: {  	s2 =	sadd.s32 s2, s16  }
0x8e: {  	[smem:$0x3FC2] =	sst s2  }
0x8f: {  	_ = 	snop  }
0x90: {  	(tm) =	ssettm $0x1  }
0x91: {  	s17 =	sld [smem:$0x3FFB];
	_ =	sdelay $0x3  }
0x92: {  	_ =	strace s17  }
0x93: {  	s2 =	sld [smem:$0x3FFC];
	_ =	sdelay $0x3  }
0x94: {  	_ =	strace s2  }
0x95: {  	s2 =	sld [smem:$0x3FFD];
	_ =	sdelay $0x3  }
0x96: {  	_ =	strace s2  }
0x97: {  	_ =	strace $0x8FFFFFFF  }
0x98: {  	s18 =	sld [smem:$0x3FDB];
	_ =	sdelay $0x1  }
0x99: {  	s19 =	simm.s32 $_scs_section_size  }
0x9a: {  	s4 =	simm.s32 $_size__tile_overlayer_lowered;
	s5 =	simm.s32 $_tile_overlayer_lowered  }
0x9b: {  	s22 =	simm.s32 $0x1BFF;
	s21 =	sshll.u32 s5, $0x1;
	s2 =	sadd.s32 s19, s18  }
0x9c: {  	s6 =	simm.s32 $0x0;
	s20 =	sshll.u32 s4, $0x1;
	s4 =	sadd.s32 s21, s2  }
0x9d: {  	[timem:s6], [sflag:s22] =	dma.local [hbm:s4], s20  }
0x9e: {  	_ =	swait.ge [sflag:s22], s20  }
0x9f: {  	s3 =	ssub.s32 $0x0, s20;
	[sflag:s22] =	ssyncset.done $0x0  }
0xa0: {  	[sflag:s22] =	ssyncadd.s32 s3;
	_ =	sdelay $0x1  }
0xa1: {  	s23 =	simm.s32 $0x1B8B  }
0xa2: {  	_ =	swait.ge [sflag:s23], $0x1  }
0xa3: {  	[sflag:s23] =	ssyncset.done $0x0  }
0xa4: {  	s25 =	simm.s32 $0x1B8E;
	s24 =	sld [smem:$0x3FFE];
	[sflag:s23] =	ssyncadd.s32 $0xFFFFFFFF  }
0xa5: {  	s26 =	simm.s32 $execute0_lowered;
	[smem:$0x3FD2] =	sst s25  }
0xa6: {  	s4 =	sshll.u32 s26, $0x1;
	_ =	strace $0x80000046;
	[dreg:$0x1] =	wrdreg $0xFFFFFFFF  }
0xa7: {  	s28 =	simm.s32 $_size_execute0_lowered;
	s2 =	sadd.s32 s2, s4;
	[dreg:$0x0] =	wrdreg $0x0  }
0xa8: {  	s4 =	sshll.u32 s28, $0x1;
	[dreg:$0x2] =	wrdreg s2  }
0xa9: {  	[dreg:$0x3] =	wrdreg s4  }
0xaa: {  	[dreg:$0x4] =	wrdreg $0xC0  }
0xab: {  	_ =	task [dreg:s6], $0x5FFFF  }
0xac: {  	[dreg:$0x1] =	wrdreg $0xFFFFFFFF  }
0xad: {  	[dreg:$0x0] =	wrdreg $0x60  }
0xae: {  	[dreg:$0x2] =	wrdreg s24  }
0xaf: {  	[dreg:$0x3] =	wrdreg $0x51E00  }
0xb0: {  	[dreg:$0x4] =	wrdreg $0x9  }
0xb1: {  	_ =	task.clear_ibuf [dreg:s6], $0x5FFFF;
	_ =	strace $0x90000046  }
0xb2: {  	s29 =	simm.s32 $0x9;
	_ =	strace $0x80000048  }
0xb3: {  	_ =	swait.ge [sflag:s29], $0x1  }
0xb4: {  	[sflag:s29] =	ssyncadd.s32 $0xFFFFFFFF  }
0xb5: {  	_ =	strace $0x90000048  }
0xb6: {  	_ =	sfence  }
0xb7: {  	s30 =	sld [smem:$0x0];
	_ =	sdelay $0x2  }
0xb8: {  	s31 =	sshll.u32 s1, $0xD;
	s1 =	sshrl.u32 s1, $0x2  }
0xb9: {  	s3 =	sand.u32 $0x4000, s31;
	s1 =	sadd.s32 s1, s30  }
0xba: {  	s0 =	sor.u32 s3, s0;
	s1 =	sshll.u32 s1, $0x11  }
0xbb: {  	s0 =	sor.u32 s1, s0  }
0xbc: {  	s0 =	sadd.s32 $0x8F2B, s0  }
0xbd: {  	[sflag:s0] =	ssyncadd.remote.s32 $0x1  }
0xbe: {  	_ =	sfence.sel $0xFFFF  }
0xbf: {  	[dreg:$0x0] =	wrdreg $0xFFFFFFFF;
	(pc) =	sbr.abs _section_cstart, $3  }
0xc0: {  	[dreg:$0x1] =	wrdreg $0xFFFFFFFF  }
0xc1: {  	_ =	task.clear_ibuf [dreg:s6], $0x2FFFF;
	_ =	strace $0x9FFFFFFF  }
0xc2: {  	(tm) =	ssettm $0x7FFFFFFF  }
0xc3: {  	_ =	shalt  }
tec
execute0_lowered:
.L_overlay_start_1:
0x0: {  	(tag) =	ssettag $0x1  }
0x1: {  	s4 =	rddreg [dreg:$0x0]  }
0x2: {  	s2 =	rddreg [dreg:$0x1]  }
0x3: {  	s0 =	srdreg.scid;
	s1 =	rddreg [dreg:$0x2];
	s3 =	simm.s32 $0x0  }
0x4: {  	s10 =	simm.s32 $0x50;
	s11 =	simm.s32 $0x2710;
	s5 =	sand.u32 $0x1, s0  }
0x5: {  	s12 =	simm.s32 $0x1;
	s0 =	stileid.u32;
	s6 =	smul.u32 $0x28000, s5  }
0x6: {  	s13 =	simm.s32 $0x29E0;
	s7 =	smul.u32 $0x2800, s0;
	s8 =	sshll.u32 s5, $0x4  }
0x7: {  	s14 =	simm.s32 $0x0;
	s31 =	smul.u32 $0xA00, s0;
	s8 =	sor.u32 s0, s8  }
0x8: {  	[smem:$0x7FF] =	sst s3;
	s5 =	ssub.s32 $0x2, s5;
	s30 =	smul.u32 $0x2710, s8  }
0x9: {  	_ =	strace $0x80000047;
	s9 =	sshrl.u32 s5, $0x1;
	s6 =	sadd.s32 s7, s6  }
0xa: {  	s8 =	sshrl.u32 s31, $0x2;
	s6 =	sshrl.u32 s6, $0x3;
	s7 =	sshrl.u32 s30, $0x3  }
0xb: {  	s9 =	ssub.s32 s5, s9;
	s6 =	sadd.s32 s6, s4;
	s7 =	sadd.s32 s4, s7  }
0xc: {  	s4 =	sadd.s32 s8, s2;
	s6 =	sadd.s32 $0x16400, s6;
	s8 =	simm.s32 $0x2760  }
0xd: {  	v0 =	vimm.f32 $1.000000000e+00;
	v1 =	vimm.f32 $0.0e+00;
	s5 =	sadd.s32 $0xC640, s7;
	s7 =	smax.u32 s9, $0x1;
	s9 =	simm.s32 $0x2  }
.LBB2_1:
0xe: {  	[tilespmem:$0x2710] =	vst v0  }
0xf: {  	[tilespmem:$0x2720] =	vst v0  }
0x10: {  	[tilespmem:$0x2730] =	vst v0  }
0x11: {  	[tilespmem:$0x2740] =	vst v0  }
0x12: {  	[tilespmem:$0x2750] =	vst v0  }
0x13: {  	[tilespmem:$0x2760] =	vst v1  }
0x14: {  	[tilespmem:$0x2770] =	vst v1  }
0x15: {  	[tilespmem:$0x2780] =	vst v1  }
0x16: {  	[tilespmem:$0x2790] =	vst v1  }
0x17: {  	[tilespmem:$0x27A0] =	vst v1  }
0x18: {  	[tilespmem:$0x27B0] =	vst v1  }
0x19: {  	[tilespmem:$0x27C0] =	vst v1  }
0x1a: {  	[tilespmem:$0x27D0] =	vst v1  }
0x1b: {  	[tilespmem:$0x27E0] =	vst v1  }
0x1c: {  	[tilespmem:$0x27F0] =	vst v1  }
0x1d: {  	[tilespmem:$0x2800] =	vst v1  }
0x1e: {  	[tilespmem:$0x2810] =	vst v1  }
0x1f: {  	[tilespmem:$0x2820] =	vst v1  }
0x20: {  	[tilespmem:$0x2830] =	vst v1  }
0x21: {  	[tilespmem:$0x2840] =	vst v1  }
0x22: {  	[tilespmem:$0x2850] =	vst v1  }
0x23: {  	[tilespmem:$0x2860] =	vst v1  }
0x24: {  	[tilespmem:$0x2870] =	vst v1  }
0x25: {  	[tilespmem:$0x2880] =	vst v1  }
0x26: {  	[tilespmem:$0x2890] =	vst v1  }
0x27: {  	[tilespmem:$0x28A0] =	vst v1  }
0x28: {  	[tilespmem:$0x28B0] =	vst v1  }
0x29: {  	[tilespmem:$0x28C0] =	vst v1  }
0x2a: {  	[tilespmem:$0x28D0] =	vst v1  }
0x2b: {  	[tilespmem:$0x28E0] =	vst v1  }
0x2c: {  	[tilespmem:$0x28F0] =	vst v1  }
0x2d: {  	[tilespmem:$0x2900] =	vst v1  }
0x2e: {  	[tilespmem:$0x2910] =	vst v1  }
0x2f: {  	[tilespmem:$0x2920] =	vst v1  }
0x30: {  	[tilespmem:$0x2930] =	vst v1  }
0x31: {  	[tilespmem:$0x2940] =	vst v1  }
0x32: {  	[tilespmem:$0x2950] =	vst v1  }
0x33: {  	[tilespmem:$0x2960] =	vst v1  }
0x34: {  	[tilespmem:$0x2970] =	vst v1  }
0x35: {  	[tilespmem:$0x2980] =	vst v1  }
0x36: {  	[tilespmem:$0x2990] =	vst v1  }
0x37: {  	[tilespmem:$0x29A0] =	vst v1  }
0x38: {  	[tilespmem:$0x29B0] =	vst v1  }
0x39: {  	[tilespmem:$0x29C0] =	vst v1  }
0x3a: {  	[tilespmem:$0x29D0] =	vst v1  }
0x3b: {  	[spmem:s4] =	stream.linear.scatter [tilespmem:s8], [sflag:$0x2], $0x280, $0x38;
	[tilespmem:$0x5460] =	vst v63  }
0x3c: {  	_ =	swait.ge [sflag:s9], $0x280  }
0x3d: {  	[sflag:s9] =	ssyncset.done $0x0  }
0x3e: {  	[sflag:s9] =	ssyncadd.s32 $0xFFFFFD80  }
0x3f: {  	[bflag:$0x0] =	sbarrier.arrive $0xFFFF  }
0x40: {  	[tilespmem:s3], [sflag:$0x2] =	stream.linear.gather [hbm4b:s5+s3], $0x2710, $0x38;
	[tilespmem:$0x5460] =	vst v63  }
0x41: {  	_ =	swait.ge [sflag:s9], $0x2710  }
0x42: {  	p0 =	por $0x1, $0x1;
	[sflag:s9] =	ssyncset.done $0x0  }
0x43: {  	s17 =	simm.s32 @!p0 $0x1;
	[sflag:s9] =	ssyncadd.s32 $0xFFFFD8F0  }
0x44: {  	[spmem:s2] =	stream.indirect.scatter.add.f32 [tilespmem:s11], [sflag:$0x1], $0x1, s3, s10, $0xb8;
	[tilespmem:$0x5460] =	vst v63  }
0x45: {  	_ =	swait.ge @!p0 [sflag:s17], $0x50  }
0x46: {  	s15 =	simm.s32 $0x1;
	s16 =	simm.s32 $0x0;
	[sflag:s17] =	ssyncset.done @!p0 $0x0  }
.LBB2_2:
0x47: {  	[sflag:s17] =	ssyncadd.s32 @!p0 $0xFFFFFFB0  }
0x48: {  	s16 =	sadd.s32 $0x50, s16;
	s17 =	smov.u32 s15;
	s15 =	sadd.s32 $0x1, s15  }
0x49: {  	p1 =	sne.s32 s15, $0x7D  }
0x4a: {  	[spmem:s2] =	stream.indirect.scatter.add.f32 [tilespmem:s11], [sflag:$0x1], $0x1, s16, s10, $0xb8;
	[tilespmem:$0x5460] =	vst v63  }
.Ltmp0:
0x4b: {  	_ = 	snop;
	(pc) =	sbr.rel @p1 .LBB2_2-.Ltmp0, $4  }
0x4c: {  	p0 =	slt.u32 s17, $0x8  }
0x4d: {  	s17 =	simm.s32 @!p0 $0x1  }
0x4e: {  	_ =	swait.ge @!p0 [sflag:s17], $0x50  }
0x4f: {  	[sflag:s17] =	ssyncset.done @!p0 $0x0  }
0x50: {  	[sflag:s17] =	ssyncadd.s32 @!p0 $0xFFFFFFB0  }
0x51: {  	_ =	swait.ge [sflag:s12], $0x50  }
0x52: {  	[sflag:s12] =	ssyncset.done $0x0  }
0x53: {  	[sflag:s12] =	ssyncadd.s32 $0xFFFFFFB0  }
0x54: {  	_ =	swait.ge [sflag:s12], $0x50  }
0x55: {  	[sflag:s12] =	ssyncset.done $0x0  }
0x56: {  	[sflag:s12] =	ssyncadd.s32 $0xFFFFFFB0  }
0x57: {  	_ =	swait.ge [sflag:s12], $0x50  }
0x58: {  	[sflag:s12] =	ssyncset.done $0x0  }
0x59: {  	[sflag:s12] =	ssyncadd.s32 $0xFFFFFFB0  }
0x5a: {  	_ =	swait.ge [sflag:s12], $0x50  }
0x5b: {  	[sflag:s12] =	ssyncset.done $0x0  }
0x5c: {  	[sflag:s12] =	ssyncadd.s32 $0xFFFFFFB0  }
0x5d: {  	_ =	swait.ge [sflag:s12], $0x50  }
0x5e: {  	[sflag:s12] =	ssyncset.done $0x0  }
0x5f: {  	[sflag:s12] =	ssyncadd.s32 $0xFFFFFFB0  }
0x60: {  	_ =	swait.ge [sflag:s12], $0x50  }
0x61: {  	[sflag:s12] =	ssyncset.done $0x0  }
0x62: {  	[sflag:s12] =	ssyncadd.s32 $0xFFFFFFB0  }
0x63: {  	_ =	swait.ge [sflag:s12], $0x50  }
0x64: {  	[sflag:s12] =	ssyncset.done $0x0  }
0x65: {  	[sflag:s12] =	ssyncadd.s32 $0xFFFFFFB0  }
0x66: {  	_ =	swait.ge [sflag:s12], $0x50  }
0x67: {  	[sflag:s12] =	ssyncset.done $0x0  }
0x68: {  	[sflag:s12] =	ssyncadd.s32 $0xFFFFFFB0  }
0x69: {  	[bflag:$0x0] =	sbarrier.arrive $0xFFFF  }
0x6a: {  	[tilespmem:s8], [sflag:$0x2] =	stream.linear.gather [spmem:s4], $0x280, $0x38;
	[tilespmem:$0x5460] =	vst v63  }
0x6b: {  	_ =	swait.ge [sflag:s9], $0x280  }
0x6c: {  	[sflag:s9] =	ssyncset.done $0x0  }
0x6d: {  	s15 =	simm.s32 $0x0;
	[sflag:s9] =	ssyncadd.s32 $0xFFFFFD80  }
0x6e: {  	v2 =	vld [tilespmem:s15+$0x2760];
	_ =	sdelay $0x4  }
0x6f: {  	v3 =	vbroadcast v2, $0x0  }
0x70: {  	s15 =	simm.s32 $0x2A60;
	v4 =	vbroadcast v2, $0x1  }
0x71: {  	v5 =	vbroadcast v2, $0x2;
	[tilespmem:s15+$0xFFFFFF80] =	vst v3  }
0x72: {  	v56 =	vbroadcast v2, $0x4;
	[tilespmem:s15+$0xFFFFFF90] =	vst v4  }
0x73: {  	v57 =	vbroadcast v2, $0x5;
	[tilespmem:s15+$0xFFFFFFA0] =	vst v5  }
0x74: {  	v58 =	vbroadcast v2, $0x7;
	[tilespmem:s15+$0xFFFFFFC0] =	vst v56  }
0x75: {  	v59 =	vbroadcast v2, $0x8;
	[tilespmem:s15+$0xFFFFFFD0] =	vst v57  }
0x76: {  	v60 =	vbroadcast v2, $0xA;
	[tilespmem:s15+$0xFFFFFFF0] =	vst v58  }
0x77: {  	v3 =	vbroadcast v2, $0x3;
	[tilespmem:s15+$0x0] =	vst v59  }
0x78: {  	v61 =	vbroadcast v2, $0xB;
	[tilespmem:s15+$0x20] =	vst v60  }
0x79: {  	[tilespmem:s15+$0xFFFFFFB0] =	vst v3;
	v3 =	vbroadcast v2, $0x6  }
0x7a: {  	v62 =	vbroadcast v2, $0xD;
	[tilespmem:s15+$0x30] =	vst v61  }
0x7b: {  	[tilespmem:s15+$0xFFFFFFE0] =	vst v3;
	v3 =	vbroadcast v2, $0x9  }
0x7c: {  	v63 =	vbroadcast v2, $0xE;
	[tilespmem:s15+$0x50] =	vst v62  }
0x7d: {  	[tilespmem:s15+$0x10] =	vst v3;
	v3 =	vbroadcast v2, $0xC  }
0x7e: {  	[tilespmem:s15+$0x60] =	vst v63;
	v2 =	vbroadcast v2, $0xF  }
0x7f: {  	[tilespmem:s15+$0x40] =	vst v3  }
0x80: {  	s17 =	simm.s32 $0x10;
	s16 =	simm.s32 $0x80;
	[tilespmem:s15+$0x70] =	vst v2  }
.LBB2_4:
0x81: {  	p0 =	sne.s32 s16, $0x9C0;
	v2 =	vld [tilespmem:s17+$0x2760];
	_ =	sdelay $0x4  }
0x82: {  	v3 =	vbroadcast v2, $0x0;
	v4 =	vbroadcast v2, $0x1  }
0x83: {  	s15 =	sadd.s32 $0x100, s15;
	v5 =	vbroadcast v2, $0x2;
	v6 =	vbroadcast v2, $0x3  }
0x84: {  	v7 =	vbroadcast v2, $0x5;
	[tilespmem:s15+$0xFFFFFF80] =	vst v3;
	v3 =	vbroadcast v2, $0x4  }
0x85: {  	v8 =	vbroadcast v2, $0x7;
	[tilespmem:s15+$0xFFFFFF90] =	vst v4;
	v4 =	vbroadcast v2, $0x6  }
0x86: {  	v9 =	vbroadcast v2, $0x9;
	[tilespmem:s15+$0xFFFFFFA0] =	vst v5;
	v5 =	vbroadcast v2, $0x8  }
0x87: {  	v10 =	vbroadcast v2, $0xB;
	[tilespmem:s15+$0xFFFFFFB0] =	vst v6;
	v6 =	vbroadcast v2, $0xA  }
0x88: {  	v11 =	vbroadcast v2, $0xD;
	[tilespmem:s15+$0xFFFFFFC0] =	vst v3;
	v3 =	vbroadcast v2, $0xC  }
0x89: {  	[tilespmem:s15+$0xFFFFFFD0] =	vst v7;
	v7 =	vbroadcast v2, $0xE;
	v2 =	vbroadcast v2, $0xF  }
0x8a: {  	[tilespmem:s15+$0xFFFFFFE0] =	vst v4  }
0x8b: {  	[tilespmem:s15+$0xFFFFFFF0] =	vst v8  }
0x8c: {  	[tilespmem:s15+$0x0] =	vst v5  }
0x8d: {  	[tilespmem:s15+$0x10] =	vst v9  }
0x8e: {  	[tilespmem:s15+$0x20] =	vst v6  }
.Ltmp1:
0x8f: {  	[tilespmem:s15+$0x30] =	vst v10;
	(pc) =	sbr.rel @p0 .LBB2_4-.Ltmp1, $4  }
0x90: {  	[tilespmem:s15+$0x40] =	vst v3  }
0x91: {  	[tilespmem:s15+$0x50] =	vst v11  }
0x92: {  	[tilespmem:s15+$0x60] =	vst v7  }
0x93: {  	s17 =	sshra.s32 s16, $0x2;
	s16 =	sadd.s32 $0x40, s16;
	[tilespmem:s15+$0x70] =	vst v2  }
0x94: {  	v2 =	vld [tilespmem:s17+$0x2760];
	_ =	sdelay $0x4  }
0x95: {  	v3 =	vbroadcast v2, $0x0  }
0x96: {  	s15 =	sadd.s32 $0x100, s15;
	v4 =	vbroadcast v2, $0x1  }
0x97: {  	v5 =	vbroadcast v2, $0x2;
	[tilespmem:s15+$0xFFFFFF80] =	vst v3  }
0x98: {  	v56 =	vbroadcast v2, $0x4;
	[tilespmem:s15+$0xFFFFFF90] =	vst v4  }
0x99: {  	v57 =	vbroadcast v2, $0x5;
	[tilespmem:s15+$0xFFFFFFA0] =	vst v5  }
0x9a: {  	v58 =	vbroadcast v2, $0x7;
	[tilespmem:s15+$0xFFFFFFC0] =	vst v56  }
0x9b: {  	v59 =	vbroadcast v2, $0x8;
	[tilespmem:s15+$0xFFFFFFD0] =	vst v57  }
0x9c: {  	v60 =	vbroadcast v2, $0xA;
	[tilespmem:s15+$0xFFFFFFF0] =	vst v58  }
0x9d: {  	v3 =	vbroadcast v2, $0x3;
	[tilespmem:s15+$0x0] =	vst v59  }
0x9e: {  	v61 =	vbroadcast v2, $0xB;
	[tilespmem:s15+$0x20] =	vst v60  }
0x9f: {  	[tilespmem:s15+$0xFFFFFFB0] =	vst v3;
	v3 =	vbroadcast v2, $0x6  }
0xa0: {  	v62 =	vbroadcast v2, $0xD;
	[tilespmem:s15+$0x30] =	vst v61  }
0xa1: {  	[tilespmem:s15+$0xFFFFFFE0] =	vst v3;
	v3 =	vbroadcast v2, $0x9  }
0xa2: {  	v63 =	vbroadcast v2, $0xE;
	[tilespmem:s15+$0x50] =	vst v62  }
0xa3: {  	[tilespmem:s15+$0x10] =	vst v3;
	v3 =	vbroadcast v2, $0xC  }
0xa4: {  	s14 =	sadd.s32 $0x1, s14;
	[tilespmem:s15+$0x60] =	vst v63;
	v2 =	vbroadcast v2, $0xF  }
0xa5: {  	p0 =	sne.s32 s14, s7;
	[tilespmem:s15+$0x40] =	vst v3  }
.Ltmp2:
0xa6: {  	[tilespmem:s15+$0x70] =	vst v2;
	(pc) =	sbr.rel @p0 .LBB2_1-.Ltmp2, $4  }
0xa7: {  	[hbm4b:s6+s3] =	stream.linear.scatter [tilespmem:s13], [sflag:$0x2], $0x2800, $0x38;
	[tilespmem:$0x5460] =	vst v63  }
0xa8: {  	_ =	swait.ge [sflag:s9], $0x2800  }
0xa9: {  	[sflag:s9] =	ssyncset.done $0x0  }
0xaa: {  	[sflag:s9] =	ssyncadd.s32 $0xFFFFD800  }
0xab: {  	_ =	sfence.sel $0x180000  }
0xac: {  	[bflag:$0x0] =	sbarrier.arrive $0xFFFF  }
0xad: {  	p0 =	sne.s32 s0, $0x0;
	_ =	strace $0x90000047  }
0xae: {  	s0 =	sadd.s32 @!p0 $0x100000, s1;
	[bflag:$0x2] =	sbarrier.arrive $0xFFFF  }
0xaf: {  	[sflag:s0] =	ssyncadd.tile.s32 @!p0 $0x1;
	_ =	shalt  }
.Lfunc_end2:
_tile_overlayer_lowered:
.L_overlay_start_2:
0xb0: {  	(tag) =	ssettag $0x2  }
0xb1: {  	s0 =	rddreg [dreg:$0x0];
	s2 =	stileid.u32  }
0xb2: {  	s1 =	rddreg [dreg:$0x1];
	p0 =	sne.s32 s2, $0x0  }
0xb3: {  	s3 =	rddreg [dreg:$0x2];
	[bflag:$0x3] =	sbarrier.arrive $0xFFFF;
	s2 =	simm.s32 @!p0 $0x1C02  }
0xb4: {  	[timem:s3], [sflag:s2] =	dma.local @!p0 [hbm:s0], s1  }
0xb5: {  	s0 =	simm.s32 @!p0 $0x2  }
0xb6: {  	_ =	swait.ge @!p0 [sflag:s0], s1  }
0xb7: {  	s1 =	ssub.s32 @!p0 $0x0, s1;
	[sflag:s0] =	ssyncset.done @!p0 $0x0  }
0xb8: {  	[sflag:s0] =	ssyncadd.s32 @!p0 s1  }
0xb9: {  	[bflag:$0x3] =	sbarrier.arrive $0xFFFF  }
0xba: {  	_ =	shalt  }

</sc_bundles>
